<compile_context>
chip_gen: v7x
topology: tpu7x:2x2x1
jax: 0.10.2.dev20260603
libtpu: 0.0.44.dev20260713+nightly
codegen_flags: <defaults>
</compile_context>

<pallas_src>
import functools

import jax
import jax.numpy as jnp
from jax import lax
from jax.experimental import pallas as pl
from jax.experimental.pallas import tpu as pltpu
from jax.experimental.pallas import tpu_sc as plsc

F32 = jnp.float32

N_NODES = 10000
N_EDGES = 160000
BATCH = 4
IN_DIM = 16
OUT_DIM = 16
EH = 32
EOUT = 30

DF = BATCH * IN_DIM
DO = BATCH * EOUT
CHUNK = 128
NC, NS = 2, 16
NW = NC * NS

EP = 163840
PAD = EP - N_EDGES
NCHUNKS = EP // CHUNK
GCHUNKS_PER_W = 2 * NCHUNKS // NW
SCHUNKS_PER_W = NCHUNKS // NW
NTAB = N_NODES + 8
NACC = 10016

_mesh = functools.partial(
    plsc.VectorSubcoreMesh, core_axis_name="c", subcore_axis_name="s")
_sc_params = pltpu.CompilerParams(use_tc_tiling_on_sc=False)


NSUP = GCHUNKS_PER_W // 4


def _sc_gather(table, gidx):

    nch = gidx.shape[0]
    per_w = nch // NW
    nsup = per_w // 4

    @functools.partial(
        pl.kernel,
        out_type=jax.ShapeDtypeStruct((nch * CHUNK, DF), F32),
        mesh=_mesh(),
        compiler_params=_sc_params,
        scratch_types=[
            pltpu.VMEM((per_w, CHUNK), jnp.int32),
            pltpu.VMEM((8 * CHUNK, DF), F32),
            pltpu.SemaphoreType.DMA,
            pltpu.SemaphoreType.DMA,
        ],
    )
    def k(table_hbm, gidx_hbm, out_hbm, idx_all, rows_v, sem_a, sem_b):
        wid = lax.axis_index("c") * NS + lax.axis_index("s")
        base = wid * per_w
        pltpu.sync_copy(gidx_hbm.at[pl.ds(base, per_w)], idx_all)

        def fire(s, half, sem):
            for j in range(4):
                pltpu.async_copy(
                    table_hbm.at[idx_all.at[s * 4 + j]],
                    rows_v.at[pl.ds(half * 4 * CHUNK + j * CHUNK, CHUNK)],
                    sem)

        def drain(sem):
            pltpu.make_async_copy(
                table_hbm.at[pl.ds(0, 4 * CHUNK)],
                rows_v.at[pl.ds(0, 4 * CHUNK)], sem).wait()

        fire(0, 0, sem_a)

        @pl.loop(0, nsup // 2)
        def _(ss):
            s0 = 2 * ss
            s1 = s0 + 1
            fire(s1, 1, sem_b)
            drain(sem_a)
            pltpu.sync_copy(
                rows_v.at[pl.ds(0, 4 * CHUNK)],
                out_hbm.at[pl.ds((base + s0 * 4) * CHUNK, 4 * CHUNK)])

            @pl.when(s0 + 2 < nsup)
            def _():
                fire(s0 + 2, 0, sem_a)

            drain(sem_b)
            pltpu.sync_copy(
                rows_v.at[pl.ds(4 * CHUNK, 4 * CHUNK)],
                out_hbm.at[pl.ds((base + s1 * 4) * CHUNK, 4 * CHUNK)])

    return k(table, gidx)


def _sc_scatter(pos, tgt_idx, src_idx, zeros_acc):
    zrows = NACC // NS
    xrows = N_NODES // NS
    wchunks = tgt_idx.shape[0] // NS

    @functools.partial(
        pl.kernel,
        out_type=jax.ShapeDtypeStruct((NC, N_NODES, DO), F32),
        mesh=_mesh(),
        compiler_params=_sc_params,
        scratch_types=[
            pltpu.VMEM((wchunks, CHUNK), jnp.int32),
            pltpu.VMEM((CHUNK, DO), F32),
            pltpu.VMEM((CHUNK, DO), F32),
            pltpu.VMEM_SHARED((NACC, DO), F32),
            pltpu.SemaphoreType.DMA,
            pltpu.SemaphoreType.DMA,
        ],
    )
    def k(pos_hbm, tidx_hbm, sidx_hbm, z_hbm, out_hbm,
          idx_all, val_a, val_b, acc_sh, sem_a, sem_b):
        cid = lax.axis_index("c")
        sid = lax.axis_index("s")
        base = sid * wchunks

        @pl.when(cid == 0)
        def _():
            pltpu.sync_copy(tidx_hbm.at[pl.ds(base, wchunks)], idx_all)

        @pl.when(cid == 1)
        def _():
            pltpu.sync_copy(sidx_hbm.at[pl.ds(base, wchunks)], idx_all)

        pltpu.sync_copy(z_hbm, acc_sh.at[pl.ds(sid * zrows, zrows)])
        plsc.subcore_barrier()

        def fire(c, buf, sem):
            pltpu.async_copy(pos_hbm.at[pl.ds((base + c) * CHUNK, CHUNK)],
                             buf, sem)

        def drain(buf, sem):
            pltpu.make_async_copy(pos_hbm.at[pl.ds(0, CHUNK)], buf, sem).wait()

        fire(0, val_a, sem_a)

        @pl.loop(0, wchunks // 2)
        def _(p):
            c0 = 2 * p
            c1 = c0 + 1
            fire(c1, val_b, sem_b)
            drain(val_a, sem_a)
            pltpu.sync_copy(val_a, acc_sh.at[idx_all.at[c0]], add=True)

            @pl.when(c0 + 2 < wchunks)
            def _():
                fire(c0 + 2, val_a, sem_a)

            drain(val_b, sem_b)
            pltpu.sync_copy(val_b, acc_sh.at[idx_all.at[c1]], add=True)

        plsc.subcore_barrier()
        pltpu.sync_copy(acc_sh.at[pl.ds(sid * xrows, xrows)],
                        out_hbm.at[cid].at[pl.ds(sid * xrows, xrows)])

    return k(pos, tgt_idx, src_idx, zeros_acc)


def _stats_body(d_ref, c_ref, o_ref):
    d = d_ref[...]
    c = c_ref[...]
    e = float(N_EDGES)
    s1d, s2d = jnp.sum(d), jnp.sum(d * d)
    s1c, s2c = jnp.sum(c), jnp.sum(c * c)
    mean_d = s1d / e
    mean_c = s1c / e
    inv_d = lax.rsqrt((s2d - s1d * mean_d) / (e - 1.0))
    inv_c = lax.rsqrt((s2c - s1c * mean_c) / (e - 1.0))
    sub = lax.broadcasted_iota(jnp.int32, (8, 128), 0)
    lane = lax.broadcasted_iota(jnp.int32, (8, 128), 1)
    out = jnp.where((sub == 0) & (lane == 0), mean_d, 0.0)
    out = out + jnp.where((sub == 0) & (lane == 1), mean_c, 0.0)
    out = out + jnp.where((sub == 1) & (lane == 0), inv_d, 0.0)
    out = out + jnp.where((sub == 1) & (lane == 1), inv_c, 0.0)
    o_ref[...] = out


def _tc_stats(dist2, direc2):
    return pl.pallas_call(
        _stats_body,
        out_shape=jax.ShapeDtypeStruct((8, 128), F32),
        in_specs=[pl.BlockSpec(dist2.shape, lambda: (0, 0)),
                  pl.BlockSpec(direc2.shape, lambda: (0, 0))],
        out_specs=pl.BlockSpec((8, 128), lambda: (0, 0)),
    )(dist2, direc2)


ET = 4096
NB_E = EP // ET


def _edge_body(src_ref, tgt_ref, ea_ref, stats_ref, wind_ref, sel_ref,
               w1s_ref, w1t_ref, w1cd_ref, w2_ref, b2_ref, pos_ref):
    src = src_ref[...]
    tgt = tgt_ref[...]
    ea = ea_ref[...]

    sw = jnp.dot(src, sel_ref[...], preferred_element_type=F32)
    wm0 = wind_ref[0:1, 0:1]
    wm1 = wind_ref[0:1, 1:2]
    ws0 = wind_ref[0:1, 2:3]
    ws1 = wind_ref[0:1, 3:4]
    sp4 = sw[:, 0:4] * ws0 + wm0
    sd4 = sw[:, 4:8] * ws1 + wm1
    dist = ea[:, 0:1]
    direc = ea[:, 1:2]
    ew4 = jnp.maximum(3.0 * sp4 * jnp.cos(jnp.abs(direc - sd4)) / dist, 0.0)

    inv_d = stats_ref[1:2, 0:1]
    inv_c = stats_ref[1:2, 1:2]
    md_id = stats_ref[0:1, 0:1] * inv_d
    mc_ic = stats_ref[0:1, 1:2] * inv_c
    r0 = w1cd_ref[0:1, :] * inv_d
    r1 = w1cd_ref[1:2, :] * inv_c
    bias = (w1cd_ref[6:7, :] - w1cd_ref[0:1, :] * md_id
            - w1cd_ref[1:2, :] * mc_ic)
    wx = jnp.concatenate([r0, r1, w1cd_ref[2:6, :], bias], axis=0)
    extras = jnp.concatenate(
        [ea, ew4, jnp.ones((ET, 1), F32)], axis=1)

    bf = jnp.bfloat16
    h = jnp.dot(src.astype(bf), w1s_ref[...], preferred_element_type=F32)
    h = h + jnp.dot(tgt.astype(bf), w1t_ref[...], preferred_element_type=F32)
    h = h + jnp.dot(extras, wx, preferred_element_type=F32)
    h = 0.5 * jnp.tanh(0.5 * h) + 0.5
    out = 0.5 * jnp.tanh(0.5 * (
        jnp.dot(h.astype(bf), w2_ref[...], preferred_element_type=F32)
        + b2_ref[...])) + 0.5
    pos_ref[...] = out


def _tc_edge_mlp(G, ea_pad, stats, wind, sel, w1s, w1t, w1cd, w2, b2b):
    full = lambda a: pl.BlockSpec(a.shape, lambda i: tuple(0 for _ in a.shape))
    nb = ea_pad.shape[0] // ET
    return pl.pallas_call(
        _edge_body,
        grid=(nb,),
        out_shape=jax.ShapeDtypeStruct((ea_pad.shape[0], DO), F32),
        in_specs=[
            pl.BlockSpec((ET, DF), lambda i: (i, 0)),
            pl.BlockSpec((ET, DF), lambda i: (i + nb, 0)),
            pl.BlockSpec((ET, 2), lambda i: (i, 0)),
            full(stats), full(wind), full(sel), full(w1s), full(w1t),
            full(w1cd), full(w2), full(b2b),
        ],
        out_specs=pl.BlockSpec((ET, DO), lambda i: (i, 0)),
    )(G, G, ea_pad, stats, wind, sel, w1s, w1t, w1cd, w2, b2b)


NT = 2000
NB_N = N_NODES // NT


def _final_body(a0_ref, a1_ref, a2_ref, a3_ref, wn_ref, bn_ref, o_ref):
    a = (a0_ref[0] - a1_ref[0]) + (a2_ref[0] - a3_ref[0])
    o_ref[...] = 0.5 * jnp.tanh(0.5 * (
        jnp.dot(a, wn_ref[...], preferred_element_type=F32)
        + bn_ref[...])) + 0.5


def _tc_final(acc_a, acc_b, wnb, bnb):
    full = lambda a: pl.BlockSpec(a.shape, lambda i: tuple(0 for _ in a.shape))
    return pl.pallas_call(
        _final_body,
        grid=(NB_N,),
        out_shape=jax.ShapeDtypeStruct((N_NODES, BATCH * OUT_DIM), F32),
        in_specs=[
            pl.BlockSpec((1, NT, DO), lambda i: (0, i, 0)),
            pl.BlockSpec((1, NT, DO), lambda i: (1, i, 0)),
            pl.BlockSpec((1, NT, DO), lambda i: (0, i, 0)),
            pl.BlockSpec((1, NT, DO), lambda i: (1, i, 0)),
            full(wnb), full(bnb),
        ],
        out_specs=pl.BlockSpec((NT, BATCH * OUT_DIM), lambda i: (i, 0)),
    )(acc_a, acc_a, acc_b, acc_b, wnb, bnb)


def kernel(x, edge_index, edge_attr, wind_mean, wind_std,
           W1, b1, W2, b2, Wn, bn):
    xT = jnp.transpose(x, (1, 0, 2)).reshape(N_NODES, DF)
    table = jnp.concatenate([xT, jnp.zeros((NTAB - N_NODES, DF), F32)], 0)

    src = edge_index[0]
    tgt = edge_index[1]
    padi = jnp.full((PAD,), N_NODES, jnp.int32)
    src_p = jnp.concatenate([src, padi])
    tgt_p = jnp.concatenate([tgt, padi])
    gidx = jnp.concatenate([src_p, tgt_p]).reshape(2 * NCHUNKS, CHUNK)

    dist = edge_attr[:, 0]
    direc = edge_attr[:, 1]
    dist_p = jnp.concatenate([dist, jnp.ones((PAD,), F32)])
    direc_p = jnp.concatenate([direc, jnp.zeros((PAD,), F32)])
    ea_pad = jnp.stack([dist_p, direc_p], 1)

    wind = jnp.zeros((1, 128), F32)
    wind = wind.at[0, 0:2].set(wind_mean).at[0, 2:4].set(wind_std)

    eye4 = jnp.eye(BATCH, dtype=F32)
    bf = jnp.bfloat16
    w1s = jnp.kron(eye4, W1[:16]).astype(bf)
    w1t = jnp.kron(eye4, W1[16:32]).astype(bf)
    w1cd = jnp.concatenate([
        jnp.tile(W1[32:34], (1, BATCH)),
        jnp.kron(eye4, W1[34][None, :]),
        jnp.tile(b1, BATCH)[None],
        jnp.zeros((1, BATCH * EH), F32),
    ], axis=0)
    sel = jnp.zeros((DF, 8), F32)
    for b in range(BATCH):
        sel = sel.at[16 * b + 14, b].set(1.0).at[16 * b + 15, 4 + b].set(1.0)
    w2 = jnp.kron(eye4, W2).astype(bf)
    b2b = jnp.tile(b2, BATCH)[None]
    wnb = jnp.kron(eye4, Wn)
    bnb = jnp.tile(bn, BATCH)[None]

    eph = EP // 2
    g1 = jnp.concatenate([src_p[:eph], tgt_p[:eph]]).reshape(-1, CHUNK)
    g2 = jnp.concatenate([src_p[eph:], tgt_p[eph:]]).reshape(-1, CHUNK)
    t2 = tgt_p.reshape(NCHUNKS, CHUNK)
    s2 = src_p.reshape(NCHUNKS, CHUNK)
    hc = NCHUNKS // 2
    z = jnp.zeros((NACC // NS, DO), F32)

    stats = _tc_stats(dist.reshape(N_EDGES // 128, 128),
                      direc.reshape(N_EDGES // 128, 128))
    G1 = _sc_gather(gidx=g1, table=table)
    G2 = _sc_gather(gidx=g2, table=table)
    pos1 = _tc_edge_mlp(G1, ea_pad[:eph], stats, wind, sel,
                        w1s, w1t, w1cd, w2, b2b)
    acc_a = _sc_scatter(pos1, t2[:hc], s2[:hc], z)
    pos2 = _tc_edge_mlp(G2, ea_pad[eph:], stats, wind, sel,
                        w1s, w1t, w1cd, w2, b2b)
    acc_b = _sc_scatter(pos2, t2[hc:], s2[hc:], z)
    y = _tc_final(acc_a, acc_b, wnb, bnb)
    return y.reshape(N_NODES, BATCH, OUT_DIM).transpose(1, 0, 2)

# --- scband reference (transcript-rebuilt; emitter-appended) ---
"""Pipeline reference for scband-graph-gnn-74560632258710 (READ-ONLY COPY).

The authoritative reference and input builder live on the scoring server;
editing this copy changes nothing except your own understanding.
"""

import jax, jax.numpy as jnp
import numpy as np

N = 10000
E = 160000
B = 4
IN_DIM = 16
OUT_DIM = 16
E_H = 32
E_OUT = 30


def setup_inputs(seed: int = 0) -> dict:
    key = jax.random.key(seed)
    ks = jax.random.split(key, 10)
    x = jax.random.normal(ks[0], (B, N, IN_DIM), dtype=jnp.float32)
    edge_index = jax.random.randint(ks[1], (2, E), 0, N, dtype=jnp.int32)
    dist = jax.random.uniform(ks[2], (E,), minval=1.0, maxval=100.0, dtype=jnp.float32)
    direc = jax.random.uniform(ks[3], (E,), minval=0.0, maxval=360.0, dtype=jnp.float32)
    edge_attr = jnp.stack([dist, direc], axis=1)
    wind_mean = jnp.array([2.5, 180.0], dtype=jnp.float32)
    wind_std = jnp.array([1.5, 90.0], dtype=jnp.float32)
    W1 = jax.random.normal(ks[4], (2 * IN_DIM + 3, E_H), dtype=jnp.float32) * 0.1
    b1 = jnp.zeros((E_H,), dtype=jnp.float32)
    W2 = jax.random.normal(ks[5], (E_H, E_OUT), dtype=jnp.float32) * 0.1
    b2 = jnp.zeros((E_OUT,), dtype=jnp.float32)
    Wn = jax.random.normal(ks[6], (E_OUT, OUT_DIM), dtype=jnp.float32) * 0.1
    bn = jnp.zeros((OUT_DIM,), dtype=jnp.float32)
    return {"x": x, "edge_index": edge_index, "edge_attr": edge_attr,
            "wind_mean": wind_mean, "wind_std": wind_std,
            "W1": W1, "b1": b1, "W2": W2, "b2": b2, "Wn": Wn, "bn": bn}


def reference(x, edge_index, edge_attr, wind_mean, wind_std, W1, b1, W2, b2, Wn, bn):
    # buffer normalization (torch std uses ddof=1)
    ea_mean = edge_attr.mean(axis=0)
    ea_std = jnp.std(edge_attr, axis=0, ddof=1)
    edge_attr_norm = (edge_attr - ea_mean) / ea_std

    edge_src = edge_index[0]
    edge_target = edge_index[1]
    node_src = x[:, edge_src]      # [B, E, D] gather
    node_target = x[:, edge_target]  # [B, E, D] gather

    src_wind = node_src[:, :, -2:] * wind_std[None, None, :] + wind_mean[None, None, :]
    src_wind_speed = src_wind[:, :, 0]
    src_wind_direc = src_wind[:, :, 1]

    Bsz = x.shape[0]
    ea_b = jnp.broadcast_to(edge_attr[None, :, :], (Bsz,) + edge_attr.shape)
    city_dist = ea_b[:, :, 0]
    city_direc = ea_b[:, :, 1]
    theta = jnp.abs(city_direc - src_wind_direc)
    edge_weight = jax.nn.relu(3.0 * src_wind_speed * jnp.cos(theta) / city_dist)

    ean_b = jnp.broadcast_to(edge_attr_norm[None, :, :], (Bsz,) + edge_attr_norm.shape)
    out = jnp.concatenate([node_src, node_target, ean_b, edge_weight[:, :, None]], axis=-1)

    h = jax.nn.sigmoid(out @ W1 + b1)
    out = jax.nn.sigmoid(h @ W2 + b2)

    Nn = x.shape[1]
    out_add = jnp.zeros((Bsz, Nn, out.shape[-1]), dtype=out.dtype).at[:, edge_target, :].add(out)
    out_sub = jnp.zeros((Bsz, Nn, out.shape[-1]), dtype=out.dtype).at[:, edge_src, :].add(-out)
    out = out_add + out_sub

    return jax.nn.sigmoid(out @ Wn + bn)

if __name__ == "__main__":
    import jax
    _d = setup_inputs()
    print(jax.jit(kernel)(*tuple(_d.values())))

</pallas_src>

<mosaic_0001>
#map = affine_map<(d0, d1) -> (0, 0)>
module attributes {stable_mosaic.version = 14 : i64} {
  func.func @k(%arg0: i32, %arg1: i32, %arg2: memref<10008x64xf32, #tpu.memory_space<hbm>>, %arg3: memref<1280x128xi32, #tpu.memory_space<hbm>>, %arg4: memref<163840x64xf32, #tpu.memory_space<hbm>>, %arg5: memref<40x128xi32, #tpu.memory_space<vmem>>, %arg6: memref<1024x64xf32, #tpu.memory_space<vmem>>, %arg7: memref<!tpu.dma_semaphore, #tpu.memory_space<semaphore_mem>>, %arg8: memref<!tpu.dma_semaphore, #tpu.memory_space<semaphore_mem>>) attributes {dimension_semantics = [#tpu.dimension_semantics<core_parallel>, #tpu.dimension_semantics<subcore_parallel>], iteration_bounds = array<i64: 2, 16>, scalar_prefetch = 0 : i64, scratch_operands = 4 : i64, tpu.core_type = #tpu.core_type<sc_vector_subcore>, window_params = [{transform_indices = #map}, {transform_indices = #map}, {transform_indices = #map}]} {
    %mul3A = arith.constant 16 : i32
    %mul3A_0 = arith.muli %arg0, %mul3A : i32
    %add3A = arith.addi %mul3A_0, %arg1 : i32
    %mul3A_1 = arith.constant 40 : i32
    %mul3A_2 = arith.muli %add3A, %mul3A_1 : i32
    "tpu.region"() ({
      %run_scoped3A = tpu.sem_alloc : memref<!tpu.dma_semaphore, #tpu.memory_space<semaphore_mem>>
      %dma_start3A_46 = arith.constant 0 : i32
      %dma_start3A_47 = tpu.memref_slice %arg3[%mul3A_2, %dma_start3A_46] : memref<1280x128xi32, #tpu.memory_space<hbm>> -> memref<40x128xi32, #tpu.memory_space<hbm>>
      %dma_start3A_48 = arith.constant 0 : i32
      %dma_start3A_49 = tpu.memref_slice %arg3[%mul3A_2, %dma_start3A_48] : memref<1280x128xi32, #tpu.memory_space<hbm>> -> memref<40x128xi32, #tpu.memory_space<hbm>>
      tpu.enqueue_dma source(%dma_start3A_49 : memref<40x128xi32, #tpu.memory_space<hbm>>) target(%arg5 : memref<40x128xi32, #tpu.memory_space<vmem>>) target_semaphore(%run_scoped3A : memref<!tpu.dma_semaphore, #tpu.memory_space<semaphore_mem>>)
      %dma_wait3A = arith.constant 0 : i32
      %dma_wait3A_50 = tpu.memref_slice %arg3[%mul3A_2, %dma_wait3A] : memref<1280x128xi32, #tpu.memory_space<hbm>> -> memref<40x128xi32, #tpu.memory_space<hbm>>
      %dma_wait3A_51 = arith.constant 0 : i32
      %dma_wait3A_52 = tpu.memref_slice %arg3[%mul3A_2, %dma_wait3A_51] : memref<1280x128xi32, #tpu.memory_space<hbm>> -> memref<40x128xi32, #tpu.memory_space<hbm>>
      tpu.wait_dma2 semaphore(%run_scoped3A : memref<!tpu.dma_semaphore, #tpu.memory_space<semaphore_mem>>) src(%dma_wait3A_52 : memref<40x128xi32, #tpu.memory_space<hbm>>) dst(%arg5 : memref<40x128xi32, #tpu.memory_space<vmem>>)
      tpu.yield
    }) : () -> ()
    %dma_start3A = arith.constant 0 : i32
    %dma_start3A_3 = arith.constant 0 : i32
    %dma_start3A_4 = arith.constant 0 : i32
    %dma_start3A_5 = tpu.memref_slice %arg6[%dma_start3A_3, %dma_start3A_4] : memref<1024x64xf32, #tpu.memory_space<vmem>> -> memref<128x64xf32, #tpu.memory_space<vmem>>
    %dma_start3A_6 = arith.constant 0 : i32
    %dma_start3A_7 = tpu.memref_slice %arg5[%dma_start3A, %dma_start3A_6] : memref<40x128xi32, #tpu.memory_space<vmem>> -> memref<1x128xi32, #tpu.memory_space<vmem>>
    %dma_start3A_8 = tpu.memref_squeeze %dma_start3A_7 : memref<1x128xi32, #tpu.memory_space<vmem>> -> memref<128xi32, #tpu.memory_space<vmem>>
    %dma_start3A_9 = arith.constant 0 : i32
    %dma_start3A_10 = arith.constant 0 : i32
    %dma_start3A_11 = tpu.memref_slice %arg2[%dma_start3A_9, %dma_start3A_10] : memref<10008x64xf32, #tpu.memory_space<hbm>> -> memref<10008x64xf32, #tpu.memory_space<hbm>>
    tpu.enqueue_indirect_dma source(%dma_start3A_11 : memref<10008x64xf32, #tpu.memory_space<hbm>>) target(%dma_start3A_5 : memref<128x64xf32, #tpu.memory_space<vmem>>) offsets(%dma_start3A_8 : memref<128xi32, #tpu.memory_space<vmem>>) semaphore(%arg7 : memref<!tpu.dma_semaphore, #tpu.memory_space<semaphore_mem>>)
    %dma_start3A_12 = arith.constant 1 : i32
    %dma_start3A_13 = arith.constant 128 : i32
    %dma_start3A_14 = arith.constant 0 : i32
    %dma_start3A_15 = tpu.memref_slice %arg6[%dma_start3A_13, %dma_start3A_14] : memref<1024x64xf32, #tpu.memory_space<vmem>> -> memref<128x64xf32, #tpu.memory_space<vmem>>
    %dma_start3A_16 = arith.constant 0 : i32
    %dma_start3A_17 = tpu.memref_slice %arg5[%dma_start3A_12, %dma_start3A_16] : memref<40x128xi32, #tpu.memory_space<vmem>> -> memref<1x128xi32, #tpu.memory_space<vmem>>
    %dma_start3A_18 = tpu.memref_squeeze %dma_start3A_17 : memref<1x128xi32, #tpu.memory_space<vmem>> -> memref<128xi32, #tpu.memory_space<vmem>>
    %dma_start3A_19 = arith.constant 0 : i32
    %dma_start3A_20 = arith.constant 0 : i32
    %dma_start3A_21 = tpu.memref_slice %arg2[%dma_start3A_19, %dma_start3A_20] : memref<10008x64xf32, #tpu.memory_space<hbm>> -> memref<10008x64xf32, #tpu.memory_space<hbm>>
    tpu.enqueue_indirect_dma source(%dma_start3A_21 : memref<10008x64xf32, #tpu.memory_space<hbm>>) target(%dma_start3A_15 : memref<128x64xf32, #tpu.memory_space<vmem>>) offsets(%dma_start3A_18 : memref<128xi32, #tpu.memory_space<vmem>>) semaphore(%arg7 : memref<!tpu.dma_semaphore, #tpu.memory_space<semaphore_mem>>)
    %dma_start3A_22 = arith.constant 2 : i32
    %dma_start3A_23 = arith.constant 256 : i32
    %dma_start3A_24 = arith.constant 0 : i32
    %dma_start3A_25 = tpu.memref_slice %arg6[%dma_start3A_23, %dma_start3A_24] : memref<1024x64xf32, #tpu.memory_space<vmem>> -> memref<128x64xf32, #tpu.memory_space<vmem>>
    %dma_start3A_26 = arith.constant 0 : i32
    %dma_start3A_27 = tpu.memref_slice %arg5[%dma_start3A_22, %dma_start3A_26] : memref<40x128xi32, #tpu.memory_space<vmem>> -> memref<1x128xi32, #tpu.memory_space<vmem>>
    %dma_start3A_28 = tpu.memref_squeeze %dma_start3A_27 : memref<1x128xi32, #tpu.memory_space<vmem>> -> memref<128xi32, #tpu.memory_space<vmem>>
    %dma_start3A_29 = arith.constant 0 : i32
    %dma_start3A_30 = arith.constant 0 : i32
    %dma_start3A_31 = tpu.memref_slice %arg2[%dma_start3A_29, %dma_start3A_30] : memref<10008x64xf32, #tpu.memory_space<hbm>> -> memref<10008x64xf32, #tpu.memory_space<hbm>>
    tpu.enqueue_indirect_dma source(%dma_start3A_31 : memref<10008x64xf32, #tpu.memory_space<hbm>>) target(%dma_start3A_25 : memref<128x64xf32, #tpu.memory_space<vmem>>) offsets(%dma_start3A_28 : memref<128xi32, #tpu.memory_space<vmem>>) semaphore(%arg7 : memref<!tpu.dma_semaphore, #tpu.memory_space<semaphore_mem>>)
    %dma_start3A_32 = arith.constant 3 : i32
    %dma_start3A_33 = arith.constant 384 : i32
    %dma_start3A_34 = arith.constant 0 : i32
    %dma_start3A_35 = tpu.memref_slice %arg6[%dma_start3A_33, %dma_start3A_34] : memref<1024x64xf32, #tpu.memory_space<vmem>> -> memref<128x64xf32, #tpu.memory_space<vmem>>
    %dma_start3A_36 = arith.constant 0 : i32
    %dma_start3A_37 = tpu.memref_slice %arg5[%dma_start3A_32, %dma_start3A_36] : memref<40x128xi32, #tpu.memory_space<vmem>> -> memref<1x128xi32, #tpu.memory_space<vmem>>
    %dma_start3A_38 = tpu.memref_squeeze %dma_start3A_37 : memref<1x128xi32, #tpu.memory_space<vmem>> -> memref<128xi32, #tpu.memory_space<vmem>>
    %dma_start3A_39 = arith.constant 0 : i32
    %dma_start3A_40 = arith.constant 0 : i32
    %dma_start3A_41 = tpu.memref_slice %arg2[%dma_start3A_39, %dma_start3A_40] : memref<10008x64xf32, #tpu.memory_space<hbm>> -> memref<10008x64xf32, #tpu.memory_space<hbm>>
    tpu.enqueue_indirect_dma source(%dma_start3A_41 : memref<10008x64xf32, #tpu.memory_space<hbm>>) target(%dma_start3A_35 : memref<128x64xf32, #tpu.memory_space<vmem>>) offsets(%dma_start3A_38 : memref<128xi32, #tpu.memory_space<vmem>>) semaphore(%arg7 : memref<!tpu.dma_semaphore, #tpu.memory_space<semaphore_mem>>)
    %scan3A = arith.constant 0 : i32
    %scan3A_42 = arith.constant 5 : i32
    %scan3A_43 = arith.addi %scan3A, %scan3A_42 : i32
    %scan3A_44 = arith.constant 1 : i32
    scf.for %scan3A_46 = %scan3A to %scan3A_43 step %scan3A_44  : i32 {
      %mul3A_47 = arith.constant 1 : i32
      %mul3A_48 = arith.muli %scan3A_46, %mul3A_47 : i32
      %add3A_49 = arith.constant 0 : i32
      %add3A_50 = arith.addi %add3A_49, %mul3A_48 : i32
      %mul3A_51 = arith.constant 2 : i32
      %mul3A_52 = arith.muli %mul3A_51, %add3A_50 : i32
      %add3A_53 = arith.constant 1 : i32
      %add3A_54 = arith.addi %mul3A_52, %add3A_53 : i32
      %mul3A_55 = arith.constant 4 : i32
      %mul3A_56 = arith.muli %add3A_54, %mul3A_55 : i32
      %add3A_57 = arith.constant 0 : i32
      %add3A_58 = arith.addi %mul3A_56, %add3A_57 : i32
      %dma_start3A_59 = arith.constant 512 : i32
      %dma_start3A_60 = arith.constant 0 : i32
      %dma_start3A_61 = tpu.memref_slice %arg6[%dma_start3A_59, %dma_start3A_60] : memref<1024x64xf32, #tpu.memory_space<vmem>> -> memref<128x64xf32, #tpu.memory_space<vmem>>
      %dma_start3A_62 = arith.constant 0 : i32
      %dma_start3A_63 = tpu.memref_slice %arg5[%add3A_58, %dma_start3A_62] : memref<40x128xi32, #tpu.memory_space<vmem>> -> memref<1x128xi32, #tpu.memory_space<vmem>>
      %dma_start3A_64 = tpu.memref_squeeze %dma_start3A_63 : memref<1x128xi32, #tpu.memory_space<vmem>> -> memref<128xi32, #tpu.memory_space<vmem>>
      %dma_start3A_65 = arith.constant 0 : i32
      %dma_start3A_66 = arith.constant 0 : i32
      %dma_start3A_67 = tpu.memref_slice %arg2[%dma_start3A_65, %dma_start3A_66] : memref<10008x64xf32, #tpu.memory_space<hbm>> -> memref<10008x64xf32, #tpu.memory_space<hbm>>
      tpu.enqueue_indirect_dma source(%dma_start3A_67 : memref<10008x64xf32, #tpu.memory_space<hbm>>) target(%dma_start3A_61 : memref<128x64xf32, #tpu.memory_space<vmem>>) offsets(%dma_start3A_64 : memref<128xi32, #tpu.memory_space<vmem>>) semaphore(%arg8 : memref<!tpu.dma_semaphore, #tpu.memory_space<semaphore_mem>>)
      %mul3A_68 = arith.constant 4 : i32
      %mul3A_69 = arith.muli %add3A_54, %mul3A_68 : i32
      %add3A_70 = arith.constant 1 : i32
      %add3A_71 = arith.addi %mul3A_69, %add3A_70 : i32
      %dma_start3A_72 = arith.constant 640 : i32
      %dma_start3A_73 = arith.constant 0 : i32
      %dma_start3A_74 = tpu.memref_slice %arg6[%dma_start3A_72, %dma_start3A_73] : memref<1024x64xf32, #tpu.memory_space<vmem>> -> memref<128x64xf32, #tpu.memory_space<vmem>>
      %dma_start3A_75 = arith.constant 0 : i32
      %dma_start3A_76 = tpu.memref_slice %arg5[%add3A_71, %dma_start3A_75] : memref<40x128xi32, #tpu.memory_space<vmem>> -> memref<1x128xi32, #tpu.memory_space<vmem>>
      %dma_start3A_77 = tpu.memref_squeeze %dma_start3A_76 : memref<1x128xi32, #tpu.memory_space<vmem>> -> memref<128xi32, #tpu.memory_space<vmem>>
      %dma_start3A_78 = arith.constant 0 : i32
      %dma_start3A_79 = arith.constant 0 : i32
      %dma_start3A_80 = tpu.memref_slice %arg2[%dma_start3A_78, %dma_start3A_79] : memref<10008x64xf32, #tpu.memory_space<hbm>> -> memref<10008x64xf32, #tpu.memory_space<hbm>>
      tpu.enqueue_indirect_dma source(%dma_start3A_80 : memref<10008x64xf32, #tpu.memory_space<hbm>>) target(%dma_start3A_74 : memref<128x64xf32, #tpu.memory_space<vmem>>) offsets(%dma_start3A_77 : memref<128xi32, #tpu.memory_space<vmem>>) semaphore(%arg8 : memref<!tpu.dma_semaphore, #tpu.memory_space<semaphore_mem>>)
      %mul3A_81 = arith.constant 4 : i32
      %mul3A_82 = arith.muli %add3A_54, %mul3A_81 : i32
      %add3A_83 = arith.constant 2 : i32
      %add3A_84 = arith.addi %mul3A_82, %add3A_83 : i32
      %dma_start3A_85 = arith.constant 768 : i32
      %dma_start3A_86 = arith.constant 0 : i32
      %dma_start3A_87 = tpu.memref_slice %arg6[%dma_start3A_85, %dma_start3A_86] : memref<1024x64xf32, #tpu.memory_space<vmem>> -> memref<128x64xf32, #tpu.memory_space<vmem>>
      %dma_start3A_88 = arith.constant 0 : i32
      %dma_start3A_89 = tpu.memref_slice %arg5[%add3A_84, %dma_start3A_88] : memref<40x128xi32, #tpu.memory_space<vmem>> -> memref<1x128xi32, #tpu.memory_space<vmem>>
      %dma_start3A_90 = tpu.memref_squeeze %dma_start3A_89 : memref<1x128xi32, #tpu.memory_space<vmem>> -> memref<128xi32, #tpu.memory_space<vmem>>
      %dma_start3A_91 = arith.constant 0 : i32
      %dma_start3A_92 = arith.constant 0 : i32
      %dma_start3A_93 = tpu.memref_slice %arg2[%dma_start3A_91, %dma_start3A_92] : memref<10008x64xf32, #tpu.memory_space<hbm>> -> memref<10008x64xf32, #tpu.memory_space<hbm>>
      tpu.enqueue_indirect_dma source(%dma_start3A_93 : memref<10008x64xf32, #tpu.memory_space<hbm>>) target(%dma_start3A_87 : memref<128x64xf32, #tpu.memory_space<vmem>>) offsets(%dma_start3A_90 : memref<128xi32, #tpu.memory_space<vmem>>) semaphore(%arg8 : memref<!tpu.dma_semaphore, #tpu.memory_space<semaphore_mem>>)
      %mul3A_94 = arith.constant 4 : i32
      %mul3A_95 = arith.muli %add3A_54, %mul3A_94 : i32
      %add3A_96 = arith.constant 3 : i32
      %add3A_97 = arith.addi %mul3A_95, %add3A_96 : i32
      %dma_start3A_98 = arith.constant 896 : i32
      %dma_start3A_99 = arith.constant 0 : i32
      %dma_start3A_100 = tpu.memref_slice %arg6[%dma_start3A_98, %dma_start3A_99] : memref<1024x64xf32, #tpu.memory_space<vmem>> -> memref<128x64xf32, #tpu.memory_space<vmem>>
      %dma_start3A_101 = arith.constant 0 : i32
      %dma_start3A_102 = tpu.memref_slice %arg5[%add3A_97, %dma_start3A_101] : memref<40x128xi32, #tpu.memory_space<vmem>> -> memref<1x128xi32, #tpu.memory_space<vmem>>
      %dma_start3A_103 = tpu.memref_squeeze %dma_start3A_102 : memref<1x128xi32, #tpu.memory_space<vmem>> -> memref<128xi32, #tpu.memory_space<vmem>>
      %dma_start3A_104 = arith.constant 0 : i32
      %dma_start3A_105 = arith.constant 0 : i32
      %dma_start3A_106 = tpu.memref_slice %arg2[%dma_start3A_104, %dma_start3A_105] : memref<10008x64xf32, #tpu.memory_space<hbm>> -> memref<10008x64xf32, #tpu.memory_space<hbm>>
      tpu.enqueue_indirect_dma source(%dma_start3A_106 : memref<10008x64xf32, #tpu.memory_space<hbm>>) target(%dma_start3A_100 : memref<128x64xf32, #tpu.memory_space<vmem>>) offsets(%dma_start3A_103 : memref<128xi32, #tpu.memory_space<vmem>>) semaphore(%arg8 : memref<!tpu.dma_semaphore, #tpu.memory_space<semaphore_mem>>)
      %dma_wait3A = arith.constant 0 : i32
      %dma_wait3A_107 = arith.constant 0 : i32
      %dma_wait3A_108 = tpu.memref_slice %arg6[%dma_wait3A, %dma_wait3A_107] : memref<1024x64xf32, #tpu.memory_space<vmem>> -> memref<512x64xf32, #tpu.memory_space<vmem>>
      %dma_wait3A_109 = arith.constant 0 : i32
      %dma_wait3A_110 = arith.constant 0 : i32
      %dma_wait3A_111 = tpu.memref_slice %arg2[%dma_wait3A_109, %dma_wait3A_110] : memref<10008x64xf32, #tpu.memory_space<hbm>> -> memref<512x64xf32, #tpu.memory_space<hbm>>
      %dma_wait3A_112 = arith.constant 0 : i32
      %dma_wait3A_113 = arith.constant 0 : i32
      %dma_wait3A_114 = tpu.memref_slice %arg6[%dma_wait3A_112, %dma_wait3A_113] : memref<1024x64xf32, #tpu.memory_space<vmem>> -> memref<512x64xf32, #tpu.memory_space<vmem>>
      %dma_wait3A_115 = arith.constant 0 : i32
      %dma_wait3A_116 = arith.constant 0 : i32
      %dma_wait3A_117 = tpu.memref_slice %arg2[%dma_wait3A_115, %dma_wait3A_116] : memref<10008x64xf32, #tpu.memory_space<hbm>> -> memref<512x64xf32, #tpu.memory_space<hbm>>
      tpu.wait_dma2 semaphore(%arg7 : memref<!tpu.dma_semaphore, #tpu.memory_space<semaphore_mem>>) src(%dma_wait3A_117 : memref<512x64xf32, #tpu.memory_space<hbm>>) dst(%dma_wait3A_114 : memref<512x64xf32, #tpu.memory_space<vmem>>)
      %mul3A_118 = arith.constant 4 : i32
      %mul3A_119 = arith.muli %mul3A_52, %mul3A_118 : i32
      %add3A_120 = arith.addi %mul3A_2, %mul3A_119 : i32
      %mul3A_121 = arith.constant 128 : i32
      %mul3A_122 = arith.muli %add3A_120, %mul3A_121 : i32
      "tpu.region"() ({
        %run_scoped3A = tpu.sem_alloc : memref<!tpu.dma_semaphore, #tpu.memory_space<semaphore_mem>>
        %dma_start3A_144 = arith.constant 0 : i32
        %dma_start3A_145 = arith.constant 0 : i32
        %dma_start3A_146 = tpu.memref_slice %arg6[%dma_start3A_144, %dma_start3A_145] : memref<1024x64xf32, #tpu.memory_space<vmem>> -> memref<512x64xf32, #tpu.memory_space<vmem>>
        %dma_start3A_147 = arith.constant 0 : i32
        %dma_start3A_148 = tpu.memref_slice %arg4[%mul3A_122, %dma_start3A_147] : memref<163840x64xf32, #tpu.memory_space<hbm>> -> memref<512x64xf32, #tpu.memory_space<hbm>>
        %dma_start3A_149 = arith.constant 0 : i32
        %dma_start3A_150 = tpu.memref_slice %arg4[%mul3A_122, %dma_start3A_149] : memref<163840x64xf32, #tpu.memory_space<hbm>> -> memref<512x64xf32, #tpu.memory_space<hbm>>
        %dma_start3A_151 = arith.constant 0 : i32
        %dma_start3A_152 = arith.constant 0 : i32
        %dma_start3A_153 = tpu.memref_slice %arg6[%dma_start3A_151, %dma_start3A_152] : memref<1024x64xf32, #tpu.memory_space<vmem>> -> memref<512x64xf32, #tpu.memory_space<vmem>>
        tpu.enqueue_dma source(%dma_start3A_153 : memref<512x64xf32, #tpu.memory_space<vmem>>) target(%dma_start3A_150 : memref<512x64xf32, #tpu.memory_space<hbm>>) target_semaphore(%run_scoped3A : memref<!tpu.dma_semaphore, #tpu.memory_space<semaphore_mem>>)
        %dma_wait3A_154 = arith.constant 0 : i32
        %dma_wait3A_155 = arith.constant 0 : i32
        %dma_wait3A_156 = tpu.memref_slice %arg6[%dma_wait3A_154, %dma_wait3A_155] : memref<1024x64xf32, #tpu.memory_space<vmem>> -> memref<512x64xf32, #tpu.memory_space<vmem>>
        %dma_wait3A_157 = arith.constant 0 : i32
        %dma_wait3A_158 = tpu.memref_slice %arg4[%mul3A_122, %dma_wait3A_157] : memref<163840x64xf32, #tpu.memory_space<hbm>> -> memref<512x64xf32, #tpu.memory_space<hbm>>
        %dma_wait3A_159 = arith.constant 0 : i32
        %dma_wait3A_160 = tpu.memref_slice %arg4[%mul3A_122, %dma_wait3A_159] : memref<163840x64xf32, #tpu.memory_space<hbm>> -> memref<512x64xf32, #tpu.memory_space<hbm>>
        %dma_wait3A_161 = arith.constant 0 : i32
        %dma_wait3A_162 = arith.constant 0 : i32
        %dma_wait3A_163 = tpu.memref_slice %arg6[%dma_wait3A_161, %dma_wait3A_162] : memref<1024x64xf32, #tpu.memory_space<vmem>> -> memref<512x64xf32, #tpu.memory_space<vmem>>
        tpu.wait_dma2 semaphore(%run_scoped3A : memref<!tpu.dma_semaphore, #tpu.memory_space<semaphore_mem>>) src(%dma_wait3A_163 : memref<512x64xf32, #tpu.memory_space<vmem>>) dst(%dma_wait3A_160 : memref<512x64xf32, #tpu.memory_space<hbm>>)
        tpu.yield
      }) : () -> ()
      %add3A_123 = arith.constant 2 : i32
      %add3A_124 = arith.addi %mul3A_52, %add3A_123 : i32
      %lt3A = arith.constant 10 : i32
      %lt3A_125 = arith.cmpi slt, %add3A_124, %lt3A : i32
      %convert_element_type3A = arith.extui %lt3A_125 : i1 to i32
      %cond3A = arith.constant 0 : i32
      %cond3A_126 = arith.cmpi ne, %convert_element_type3A, %cond3A : i32
      scf.if %cond3A_126 {
        %add3A_144 = arith.constant 2 : i32
        %add3A_145 = arith.addi %mul3A_52, %add3A_144 : i32
        %mul3A_146 = arith.constant 4 : i32
        %mul3A_147 = arith.muli %add3A_145, %mul3A_146 : i32
        %add3A_148 = arith.constant 0 : i32
        %add3A_149 = arith.addi %mul3A_147, %add3A_148 : i32
        %dma_start3A_150 = arith.constant 0 : i32
        %dma_start3A_151 = arith.constant 0 : i32
        %dma_start3A_152 = tpu.memref_slice %arg6[%dma_start3A_150, %dma_start3A_151] : memref<1024x64xf32, #tpu.memory_space<vmem>> -> memref<128x64xf32, #tpu.memory_space<vmem>>
        %dma_start3A_153 = arith.constant 0 : i32
        %dma_start3A_154 = tpu.memref_slice %arg5[%add3A_149, %dma_start3A_153] : memref<40x128xi32, #tpu.memory_space<vmem>> -> memref<1x128xi32, #tpu.memory_space<vmem>>
        %dma_start3A_155 = tpu.memref_squeeze %dma_start3A_154 : memref<1x128xi32, #tpu.memory_space<vmem>> -> memref<128xi32, #tpu.memory_space<vmem>>
        %dma_start3A_156 = arith.constant 0 : i32
        %dma_start3A_157 = arith.constant 0 : i32
        %dma_start3A_158 = tpu.memref_slice %arg2[%dma_start3A_156, %dma_start3A_157] : memref<10008x64xf32, #tpu.memory_space<hbm>> -> memref<10008x64xf32, #tpu.memory_space<hbm>>
        tpu.enqueue_indirect_dma source(%dma_start3A_158 : memref<10008x64xf32, #tpu.memory_space<hbm>>) target(%dma_start3A_152 : memref<128x64xf32, #tpu.memory_space<vmem>>) offsets(%dma_start3A_155 : memref<128xi32, #tpu.memory_space<vmem>>) semaphore(%arg7 : memref<!tpu.dma_semaphore, #tpu.memory_space<semaphore_mem>>)
        %mul3A_159 = arith.constant 4 : i32
        %mul3A_160 = arith.muli %add3A_145, %mul3A_159 : i32
        %add3A_161 = arith.constant 1 : i32
        %add3A_162 = arith.addi %mul3A_160, %add3A_161 : i32
        %dma_start3A_163 = arith.constant 128 : i32
        %dma_start3A_164 = arith.constant 0 : i32
        %dma_start3A_165 = tpu.memref_slice %arg6[%dma_start3A_163, %dma_start3A_164] : memref<1024x64xf32, #tpu.memory_space<vmem>> -> memref<128x64xf32, #tpu.memory_space<vmem>>
        %dma_start3A_166 = arith.constant 0 : i32
        %dma_start3A_167 = tpu.memref_slice %arg5[%add3A_162, %dma_start3A_166] : memref<40x128xi32, #tpu.memory_space<vmem>> -> memref<1x128xi32, #tpu.memory_space<vmem>>
        %dma_start3A_168 = tpu.memref_squeeze %dma_start3A_167 : memref<1x128xi32, #tpu.memory_space<vmem>> -> memref<128xi32, #tpu.memory_space<vmem>>
        %dma_start3A_169 = arith.constant 0 : i32
        %dma_start3A_170 = arith.constant 0 : i32
        %dma_start3A_171 = tpu.memref_slice %arg2[%dma_start3A_169, %dma_start3A_170] : memref<10008x64xf32, #tpu.memory_space<hbm>> -> memref<10008x64xf32, #tpu.memory_space<hbm>>
        tpu.enqueue_indirect_dma source(%dma_start3A_171 : memref<10008x64xf32, #tpu.memory_space<hbm>>) target(%dma_start3A_165 : memref<128x64xf32, #tpu.memory_space<vmem>>) offsets(%dma_start3A_168 : memref<128xi32, #tpu.memory_space<vmem>>) semaphore(%arg7 : memref<!tpu.dma_semaphore, #tpu.memory_space<semaphore_mem>>)
        %mul3A_172 = arith.constant 4 : i32
        %mul3A_173 = arith.muli %add3A_145, %mul3A_172 : i32
        %add3A_174 = arith.constant 2 : i32
        %add3A_175 = arith.addi %mul3A_173, %add3A_174 : i32
        %dma_start3A_176 = arith.constant 256 : i32
        %dma_start3A_177 = arith.constant 0 : i32
        %dma_start3A_178 = tpu.memref_slice %arg6[%dma_start3A_176, %dma_start3A_177] : memref<1024x64xf32, #tpu.memory_space<vmem>> -> memref<128x64xf32, #tpu.memory_space<vmem>>
        %dma_start3A_179 = arith.constant 0 : i32
        %dma_start3A_180 = tpu.memref_slice %arg5[%add3A_175, %dma_start3A_179] : memref<40x128xi32, #tpu.memory_space<vmem>> -> memref<1x128xi32, #tpu.memory_space<vmem>>
        %dma_start3A_181 = tpu.memref_squeeze %dma_start3A_180 : memref<1x128xi32, #tpu.memory_space<vmem>> -> memref<128xi32, #tpu.memory_space<vmem>>
        %dma_start3A_182 = arith.constant 0 : i32
        %dma_start3A_183 = arith.constant 0 : i32
        %dma_start3A_184 = tpu.memref_slice %arg2[%dma_start3A_182, %dma_start3A_183] : memref<10008x64xf32, #tpu.memory_space<hbm>> -> memref<10008x64xf32, #tpu.memory_space<hbm>>
        tpu.enqueue_indirect_dma source(%dma_start3A_184 : memref<10008x64xf32, #tpu.memory_space<hbm>>) target(%dma_start3A_178 : memref<128x64xf32, #tpu.memory_space<vmem>>) offsets(%dma_start3A_181 : memref<128xi32, #tpu.memory_space<vmem>>) semaphore(%arg7 : memref<!tpu.dma_semaphore, #tpu.memory_space<semaphore_mem>>)
        %mul3A_185 = arith.constant 4 : i32
        %mul3A_186 = arith.muli %add3A_145, %mul3A_185 : i32
        %add3A_187 = arith.constant 3 : i32
        %add3A_188 = arith.addi %mul3A_186, %add3A_187 : i32
        %dma_start3A_189 = arith.constant 384 : i32
        %dma_start3A_190 = arith.constant 0 : i32
        %dma_start3A_191 = tpu.memref_slice %arg6[%dma_start3A_189, %dma_start3A_190] : memref<1024x64xf32, #tpu.memory_space<vmem>> -> memref<128x64xf32, #tpu.memory_space<vmem>>
        %dma_start3A_192 = arith.constant 0 : i32
        %dma_start3A_193 = tpu.memref_slice %arg5[%add3A_188, %dma_start3A_192] : memref<40x128xi32, #tpu.memory_space<vmem>> -> memref<1x128xi32, #tpu.memory_space<vmem>>
        %dma_start3A_194 = tpu.memref_squeeze %dma_start3A_193 : memref<1x128xi32, #tpu.memory_space<vmem>> -> memref<128xi32, #tpu.memory_space<vmem>>
        %dma_start3A_195 = arith.constant 0 : i32
        %dma_start3A_196 = arith.constant 0 : i32
        %dma_start3A_197 = tpu.memref_slice %arg2[%dma_start3A_195, %dma_start3A_196] : memref<10008x64xf32, #tpu.memory_space<hbm>> -> memref<10008x64xf32, #tpu.memory_space<hbm>>
        tpu.enqueue_indirect_dma source(%dma_start3A_197 : memref<10008x64xf32, #tpu.memory_space<hbm>>) target(%dma_start3A_191 : memref<128x64xf32, #tpu.memory_space<vmem>>) offsets(%dma_start3A_194 : memref<128xi32, #tpu.memory_space<vmem>>) semaphore(%arg7 : memref<!tpu.dma_semaphore, #tpu.memory_space<semaphore_mem>>)
      } else {
      }
      %dma_wait3A_127 = arith.constant 0 : i32
      %dma_wait3A_128 = arith.constant 0 : i32
      %dma_wait3A_129 = tpu.memref_slice %arg6[%dma_wait3A_127, %dma_wait3A_128] : memref<1024x64xf32, #tpu.memory_space<vmem>> -> memref<512x64xf32, #tpu.memory_space<vmem>>
      %dma_wait3A_130 = arith.constant 0 : i32
      %dma_wait3A_131 = arith.constant 0 : i32
      %dma_wait3A_132 = tpu.memref_slice %arg2[%dma_wait3A_130, %dma_wait3A_131] : memref<10008x64xf32, #tpu.memory_space<hbm>> -> memref<512x64xf32, #tpu.memory_space<hbm>>
      %dma_wait3A_133 = arith.constant 0 : i32
      %dma_wait3A_134 = arith.constant 0 : i32
      %dma_wait3A_135 = tpu.memref_slice %arg6[%dma_wait3A_133, %dma_wait3A_134] : memref<1024x64xf32, #tpu.memory_space<vmem>> -> memref<512x64xf32, #tpu.memory_space<vmem>>
      %dma_wait3A_136 = arith.constant 0 : i32
      %dma_wait3A_137 = arith.constant 0 : i32
      %dma_wait3A_138 = tpu.memref_slice %arg2[%dma_wait3A_136, %dma_wait3A_137] : memref<10008x64xf32, #tpu.memory_space<hbm>> -> memref<512x64xf32, #tpu.memory_space<hbm>>
      tpu.wait_dma2 semaphore(%arg8 : memref<!tpu.dma_semaphore, #tpu.memory_space<semaphore_mem>>) src(%dma_wait3A_138 : memref<512x64xf32, #tpu.memory_space<hbm>>) dst(%dma_wait3A_135 : memref<512x64xf32, #tpu.memory_space<vmem>>)
      %mul3A_139 = arith.constant 4 : i32
      %mul3A_140 = arith.muli %add3A_54, %mul3A_139 : i32
      %add3A_141 = arith.addi %mul3A_2, %mul3A_140 : i32
      %mul3A_142 = arith.constant 128 : i32
      %mul3A_143 = arith.muli %add3A_141, %mul3A_142 : i32
      "tpu.region"() ({
        %run_scoped3A = tpu.sem_alloc : memref<!tpu.dma_semaphore, #tpu.memory_space<semaphore_mem>>
        %dma_start3A_144 = arith.constant 512 : i32
        %dma_start3A_145 = arith.constant 0 : i32
        %dma_start3A_146 = tpu.memref_slice %arg6[%dma_start3A_144, %dma_start3A_145] : memref<1024x64xf32, #tpu.memory_space<vmem>> -> memref<512x64xf32, #tpu.memory_space<vmem>>
        %dma_start3A_147 = arith.constant 0 : i32
        %dma_start3A_148 = tpu.memref_slice %arg4[%mul3A_143, %dma_start3A_147] : memref<163840x64xf32, #tpu.memory_space<hbm>> -> memref<512x64xf32, #tpu.memory_space<hbm>>
        %dma_start3A_149 = arith.constant 0 : i32
        %dma_start3A_150 = tpu.memref_slice %arg4[%mul3A_143, %dma_start3A_149] : memref<163840x64xf32, #tpu.memory_space<hbm>> -> memref<512x64xf32, #tpu.memory_space<hbm>>
        %dma_start3A_151 = arith.constant 512 : i32
        %dma_start3A_152 = arith.constant 0 : i32
        %dma_start3A_153 = tpu.memref_slice %arg6[%dma_start3A_151, %dma_start3A_152] : memref<1024x64xf32, #tpu.memory_space<vmem>> -> memref<512x64xf32, #tpu.memory_space<vmem>>
        tpu.enqueue_dma source(%dma_start3A_153 : memref<512x64xf32, #tpu.memory_space<vmem>>) target(%dma_start3A_150 : memref<512x64xf32, #tpu.memory_space<hbm>>) target_semaphore(%run_scoped3A : memref<!tpu.dma_semaphore, #tpu.memory_space<semaphore_mem>>)
        %dma_wait3A_154 = arith.constant 512 : i32
        %dma_wait3A_155 = arith.constant 0 : i32
        %dma_wait3A_156 = tpu.memref_slice %arg6[%dma_wait3A_154, %dma_wait3A_155] : memref<1024x64xf32, #tpu.memory_space<vmem>> -> memref<512x64xf32, #tpu.memory_space<vmem>>
        %dma_wait3A_157 = arith.constant 0 : i32
        %dma_wait3A_158 = tpu.memref_slice %arg4[%mul3A_143, %dma_wait3A_157] : memref<163840x64xf32, #tpu.memory_space<hbm>> -> memref<512x64xf32, #tpu.memory_space<hbm>>
        %dma_wait3A_159 = arith.constant 0 : i32
        %dma_wait3A_160 = tpu.memref_slice %arg4[%mul3A_143, %dma_wait3A_159] : memref<163840x64xf32, #tpu.memory_space<hbm>> -> memref<512x64xf32, #tpu.memory_space<hbm>>
        %dma_wait3A_161 = arith.constant 512 : i32
        %dma_wait3A_162 = arith.constant 0 : i32
        %dma_wait3A_163 = tpu.memref_slice %arg6[%dma_wait3A_161, %dma_wait3A_162] : memref<1024x64xf32, #tpu.memory_space<vmem>> -> memref<512x64xf32, #tpu.memory_space<vmem>>
        tpu.wait_dma2 semaphore(%run_scoped3A : memref<!tpu.dma_semaphore, #tpu.memory_space<semaphore_mem>>) src(%dma_wait3A_163 : memref<512x64xf32, #tpu.memory_space<vmem>>) dst(%dma_wait3A_160 : memref<512x64xf32, #tpu.memory_space<hbm>>)
        tpu.yield
      }) : () -> ()
    }
    %scan3A_45 = arith.constant 5 : i32
    return
  }
}

#map = affine_map<(d0, d1) -> (0, 0)>
module attributes {stable_mosaic.version = 14 : i64} {
  func.func @k(%arg0: i32, %arg1: i32, %arg2: memref<10008x64xf32, #tpu.memory_space<hbm>>, %arg3: memref<1280x128xi32, #tpu.memory_space<hbm>>, %arg4: memref<163840x64xf32, #tpu.memory_space<hbm>>, %arg5: memref<40x128xi32, #tpu.memory_space<vmem>>, %arg6: memref<1024x64xf32, #tpu.memory_space<vmem>>, %arg7: memref<!tpu.dma_semaphore, #tpu.memory_space<semaphore_mem>>, %arg8: memref<!tpu.dma_semaphore, #tpu.memory_space<semaphore_mem>>) attributes {dimension_semantics = [#tpu.dimension_semantics<core_parallel>, #tpu.dimension_semantics<subcore_parallel>], iteration_bounds = array<i64: 2, 16>, scalar_prefetch = 0 : i64, scratch_operands = 4 : i64, tpu.core_type = #tpu.core_type<sc_vector_subcore>, window_params = [{transform_indices = #map}, {transform_indices = #map}, {transform_indices = #map}]} {
    %mul3A = arith.constant 16 : i32
    %mul3A_0 = arith.muli %arg0, %mul3A : i32
    %add3A = arith.addi %mul3A_0, %arg1 : i32
    %mul3A_1 = arith.constant 40 : i32
    %mul3A_2 = arith.muli %add3A, %mul3A_1 : i32
    "tpu.region"() ({
      %run_scoped3A = tpu.sem_alloc : memref<!tpu.dma_semaphore, #tpu.memory_space<semaphore_mem>>
      %dma_start3A_46 = arith.constant 0 : i32
      %dma_start3A_47 = tpu.memref_slice %arg3[%mul3A_2, %dma_start3A_46] : memref<1280x128xi32, #tpu.memory_space<hbm>> -> memref<40x128xi32, #tpu.memory_space<hbm>>
      %dma_start3A_48 = arith.constant 0 : i32
      %dma_start3A_49 = tpu.memref_slice %arg3[%mul3A_2, %dma_start3A_48] : memref<1280x128xi32, #tpu.memory_space<hbm>> -> memref<40x128xi32, #tpu.memory_space<hbm>>
      tpu.enqueue_dma source(%dma_start3A_49 : memref<40x128xi32, #tpu.memory_space<hbm>>) target(%arg5 : memref<40x128xi32, #tpu.memory_space<vmem>>) target_semaphore(%run_scoped3A : memref<!tpu.dma_semaphore, #tpu.memory_space<semaphore_mem>>)
      %dma_wait3A = arith.constant 0 : i32
      %dma_wait3A_50 = tpu.memref_slice %arg3[%mul3A_2, %dma_wait3A] : memref<1280x128xi32, #tpu.memory_space<hbm>> -> memref<40x128xi32, #tpu.memory_space<hbm>>
      %dma_wait3A_51 = arith.constant 0 : i32
      %dma_wait3A_52 = tpu.memref_slice %arg3[%mul3A_2, %dma_wait3A_51] : memref<1280x128xi32, #tpu.memory_space<hbm>> -> memref<40x128xi32, #tpu.memory_space<hbm>>
      tpu.wait_dma2 semaphore(%run_scoped3A : memref<!tpu.dma_semaphore, #tpu.memory_space<semaphore_mem>>) src(%dma_wait3A_52 : memref<40x128xi32, #tpu.memory_space<hbm>>) dst(%arg5 : memref<40x128xi32, #tpu.memory_space<vmem>>)
      tpu.yield
    }) : () -> ()
    %dma_start3A = arith.constant 0 : i32
    %dma_start3A_3 = arith.constant 0 : i32
    %dma_start3A_4 = arith.constant 0 : i32
    %dma_start3A_5 = tpu.memref_slice %arg6[%dma_start3A_3, %dma_start3A_4] : memref<1024x64xf32, #tpu.memory_space<vmem>> -> memref<128x64xf32, #tpu.memory_space<vmem>>
    %dma_start3A_6 = arith.constant 0 : i32
    %dma_start3A_7 = tpu.memref_slice %arg5[%dma_start3A, %dma_start3A_6] : memref<40x128xi32, #tpu.memory_space<vmem>> -> memref<1x128xi32, #tpu.memory_space<vmem>>
    %dma_start3A_8 = tpu.memref_squeeze %dma_start3A_7 : memref<1x128xi32, #tpu.memory_space<vmem>> -> memref<128xi32, #tpu.memory_space<vmem>>
    %dma_start3A_9 = arith.constant 0 : i32
    %dma_start3A_10 = arith.constant 0 : i32
    %dma_start3A_11 = tpu.memref_slice %arg2[%dma_start3A_9, %dma_start3A_10] : memref<10008x64xf32, #tpu.memory_space<hbm>> -> memref<10008x64xf32, #tpu.memory_space<hbm>>
    tpu.enqueue_indirect_dma source(%dma_start3A_11 : memref<10008x64xf32, #tpu.memory_space<hbm>>) target(%dma_start3A_5 : memref<128x64xf32, #tpu.memory_space<vmem>>) offsets(%dma_start3A_8 : memref<128xi32, #tpu.memory_space<vmem>>) semaphore(%arg7 : memref<!tpu.dma_semaphore, #tpu.memory_space<semaphore_mem>>)
    %dma_start3A_12 = arith.constant 1 : i32
    %dma_start3A_13 = arith.constant 128 : i32
    %dma_start3A_14 = arith.constant 0 : i32
    %dma_start3A_15 = tpu.memref_slice %arg6[%dma_start3A_13, %dma_start3A_14] : memref<1024x64xf32, #tpu.memory_space<vmem>> -> memref<128x64xf32, #tpu.memory_space<vmem>>
    %dma_start3A_16 = arith.constant 0 : i32
    %dma_start3A_17 = tpu.memref_slice %arg5[%dma_start3A_12, %dma_start3A_16] : memref<40x128xi32, #tpu.memory_space<vmem>> -> memref<1x128xi32, #tpu.memory_space<vmem>>
    %dma_start3A_18 = tpu.memref_squeeze %dma_start3A_17 : memref<1x128xi32, #tpu.memory_space<vmem>> -> memref<128xi32, #tpu.memory_space<vmem>>
    %dma_start3A_19 = arith.constant 0 : i32
    %dma_start3A_20 = arith.constant 0 : i32
    %dma_start3A_21 = tpu.memref_slice %arg2[%dma_start3A_19, %dma_start3A_20] : memref<10008x64xf32, #tpu.memory_space<hbm>> -> memref<10008x64xf32, #tpu.memory_space<hbm>>
    tpu.enqueue_indirect_dma source(%dma_start3A_21 : memref<10008x64xf32, #tpu.memory_space<hbm>>) target(%dma_start3A_15 : memref<128x64xf32, #tpu.memory_space<vmem>>) offsets(%dma_start3A_18 : memref<128xi32, #tpu.memory_space<vmem>>) semaphore(%arg7 : memref<!tpu.dma_semaphore, #tpu.memory_space<semaphore_mem>>)
    %dma_start3A_22 = arith.constant 2 : i32
    %dma_start3A_23 = arith.constant 256 : i32
    %dma_start3A_24 = arith.constant 0 : i32
    %dma_start3A_25 = tpu.memref_slice %arg6[%dma_start3A_23, %dma_start3A_24] : memref<1024x64xf32, #tpu.memory_space<vmem>> -> memref<128x64xf32, #tpu.memory_space<vmem>>
    %dma_start3A_26 = arith.constant 0 : i32
    %dma_start3A_27 = tpu.memref_slice %arg5[%dma_start3A_22, %dma_start3A_26] : memref<40x128xi32, #tpu.memory_space<vmem>> -> memref<1x128xi32, #tpu.memory_space<vmem>>
    %dma_start3A_28 = tpu.memref_squeeze %dma_start3A_27 : memref<1x128xi32, #tpu.memory_space<vmem>> -> memref<128xi32, #tpu.memory_space<vmem>>
    %dma_start3A_29 = arith.constant 0 : i32
    %dma_start3A_30 = arith.constant 0 : i32
    %dma_start3A_31 = tpu.memref_slice %arg2[%dma_start3A_29, %dma_start3A_30] : memref<10008x64xf32, #tpu.memory_space<hbm>> -> memref<10008x64xf32, #tpu.memory_space<hbm>>
    tpu.enqueue_indirect_dma source(%dma_start3A_31 : memref<10008x64xf32, #tpu.memory_space<hbm>>) target(%dma_start3A_25 : memref<128x64xf32, #tpu.memory_space<vmem>>) offsets(%dma_start3A_28 : memref<128xi32, #tpu.memory_space<vmem>>) semaphore(%arg7 : memref<!tpu.dma_semaphore, #tpu.memory_space<semaphore_mem>>)
    %dma_start3A_32 = arith.constant 3 : i32
    %dma_start3A_33 = arith.constant 384 : i32
    %dma_start3A_34 = arith.constant 0 : i32
    %dma_start3A_35 = tpu.memref_slice %arg6[%dma_start3A_33, %dma_start3A_34] : memref<1024x64xf32, #tpu.memory_space<vmem>> -> memref<128x64xf32, #tpu.memory_space<vmem>>
    %dma_start3A_36 = arith.constant 0 : i32
    %dma_start3A_37 = tpu.memref_slice %arg5[%dma_start3A_32, %dma_start3A_36] : memref<40x128xi32, #tpu.memory_space<vmem>> -> memref<1x128xi32, #tpu.memory_space<vmem>>
    %dma_start3A_38 = tpu.memref_squeeze %dma_start3A_37 : memref<1x128xi32, #tpu.memory_space<vmem>> -> memref<128xi32, #tpu.memory_space<vmem>>
    %dma_start3A_39 = arith.constant 0 : i32
    %dma_start3A_40 = arith.constant 0 : i32
    %dma_start3A_41 = tpu.memref_slice %arg2[%dma_start3A_39, %dma_start3A_40] : memref<10008x64xf32, #tpu.memory_space<hbm>> -> memref<10008x64xf32, #tpu.memory_space<hbm>>
    tpu.enqueue_indirect_dma source(%dma_start3A_41 : memref<10008x64xf32, #tpu.memory_space<hbm>>) target(%dma_start3A_35 : memref<128x64xf32, #tpu.memory_space<vmem>>) offsets(%dma_start3A_38 : memref<128xi32, #tpu.memory_space<vmem>>) semaphore(%arg7 : memref<!tpu.dma_semaphore, #tpu.memory_space<semaphore_mem>>)
    %scan3A = arith.constant 0 : i32
    %scan3A_42 = arith.constant 5 : i32
    %scan3A_43 = arith.addi %scan3A, %scan3A_42 : i32
    %scan3A_44 = arith.constant 1 : i32
    scf.for %scan3A_46 = %scan3A to %scan3A_43 step %scan3A_44  : i32 {
      %mul3A_47 = arith.constant 1 : i32
      %mul3A_48 = arith.muli %scan3A_46, %mul3A_47 : i32
      %add3A_49 = arith.constant 0 : i32
      %add3A_50 = arith.addi %add3A_49, %mul3A_48 : i32
      %mul3A_51 = arith.constant 2 : i32
      %mul3A_52 = arith.muli %mul3A_51, %add3A_50 : i32
      %add3A_53 = arith.constant 1 : i32
      %add3A_54 = arith.addi %mul3A_52, %add3A_53 : i32
      %mul3A_55 = arith.constant 4 : i32
      %mul3A_56 = arith.muli %add3A_54, %mul3A_55 : i32
      %add3A_57 = arith.constant 0 : i32
      %add3A_58 = arith.addi %mul3A_56, %add3A_57 : i32
      %dma_start3A_59 = arith.constant 512 : i32
      %dma_start3A_60 = arith.constant 0 : i32
      %dma_start3A_61 = tpu.memref_slice %arg6[%dma_start3A_59, %dma_start3A_60] : memref<1024x64xf32, #tpu.memory_space<vmem>> -> memref<128x64xf32, #tpu.memory_space<vmem>>
      %dma_start3A_62 = arith.constant 0 : i32
      %dma_start3A_63 = tpu.memref_slice %arg5[%add3A_58, %dma_start3A_62] : memref<40x128xi32, #tpu.memory_space<vmem>> -> memref<1x128xi32, #tpu.memory_space<vmem>>
      %dma_start3A_64 = tpu.memref_squeeze %dma_start3A_63 : memref<1x128xi32, #tpu.memory_space<vmem>> -> memref<128xi32, #tpu.memory_space<vmem>>
      %dma_start3A_65 = arith.constant 0 : i32
      %dma_start3A_66 = arith.constant 0 : i32
      %dma_start3A_67 = tpu.memref_slice %arg2[%dma_start3A_65, %dma_start3A_66] : memref<10008x64xf32, #tpu.memory_space<hbm>> -> memref<10008x64xf32, #tpu.memory_space<hbm>>
      tpu.enqueue_indirect_dma source(%dma_start3A_67 : memref<10008x64xf32, #tpu.memory_space<hbm>>) target(%dma_start3A_61 : memref<128x64xf32, #tpu.memory_space<vmem>>) offsets(%dma_start3A_64 : memref<128xi32, #tpu.memory_space<vmem>>) semaphore(%arg8 : memref<!tpu.dma_semaphore, #tpu.memory_space<semaphore_mem>>)
      %mul3A_68 = arith.constant 4 : i32
      %mul3A_69 = arith.muli %add3A_54, %mul3A_68 : i32
      %add3A_70 = arith.constant 1 : i32
      %add3A_71 = arith.addi %mul3A_69, %add3A_70 : i32
      %dma_start3A_72 = arith.constant 640 : i32
      %dma_start3A_73 = arith.constant 0 : i32
      %dma_start3A_74 = tpu.memref_slice %arg6[%dma_start3A_72, %dma_start3A_73] : memref<1024x64xf32, #tpu.memory_space<vmem>> -> memref<128x64xf32, #tpu.memory_space<vmem>>
      %dma_start3A_75 = arith.constant 0 : i32
      %dma_start3A_76 = tpu.memref_slice %arg5[%add3A_71, %dma_start3A_75] : memref<40x128xi32, #tpu.memory_space<vmem>> -> memref<1x128xi32, #tpu.memory_space<vmem>>
      %dma_start3A_77 = tpu.memref_squeeze %dma_start3A_76 : memref<1x128xi32, #tpu.memory_space<vmem>> -> memref<128xi32, #tpu.memory_space<vmem>>
      %dma_start3A_78 = arith.constant 0 : i32
      %dma_start3A_79 = arith.constant 0 : i32
      %dma_start3A_80 = tpu.memref_slice %arg2[%dma_start3A_78, %dma_start3A_79] : memref<10008x64xf32, #tpu.memory_space<hbm>> -> memref<10008x64xf32, #tpu.memory_space<hbm>>
      tpu.enqueue_indirect_dma source(%dma_start3A_80 : memref<10008x64xf32, #tpu.memory_space<hbm>>) target(%dma_start3A_74 : memref<128x64xf32, #tpu.memory_space<vmem>>) offsets(%dma_start3A_77 : memref<128xi32, #tpu.memory_space<vmem>>) semaphore(%arg8 : memref<!tpu.dma_semaphore, #tpu.memory_space<semaphore_mem>>)
      %mul3A_81 = arith.constant 4 : i32
      %mul3A_82 = arith.muli %add3A_54, %mul3A_81 : i32
      %add3A_83 = arith.constant 2 : i32
      %add3A_84 = arith.addi %mul3A_82, %add3A_83 : i32
      %dma_start3A_85 = arith.constant 768 : i32
      %dma_start3A_86 = arith.constant 0 : i32
      %dma_start3A_87 = tpu.memref_slice %arg6[%dma_start3A_85, %dma_start3A_86] : memref<1024x64xf32, #tpu.memory_space<vmem>> -> memref<128x64xf32, #tpu.memory_space<vmem>>
      %dma_start3A_88 = arith.constant 0 : i32
      %dma_start3A_89 = tpu.memref_slice %arg5[%add3A_84, %dma_start3A_88] : memref<40x128xi32, #tpu.memory_space<vmem>> -> memref<1x128xi32, #tpu.memory_space<vmem>>
      %dma_start3A_90 = tpu.memref_squeeze %dma_start3A_89 : memref<1x128xi32, #tpu.memory_space<vmem>> -> memref<128xi32, #tpu.memory_space<vmem>>
      %dma_start3A_91 = arith.constant 0 : i32
      %dma_start3A_92 = arith.constant 0 : i32
      %dma_start3A_93 = tpu.memref_slice %arg2[%dma_start3A_91, %dma_start3A_92] : memref<10008x64xf32, #tpu.memory_space<hbm>> -> memref<10008x64xf32, #tpu.memory_space<hbm>>
      tpu.enqueue_indirect_dma source(%dma_start3A_93 : memref<10008x64xf32, #tpu.memory_space<hbm>>) target(%dma_start3A_87 : memref<128x64xf32, #tpu.memory_space<vmem>>) offsets(%dma_start3A_90 : memref<128xi32, #tpu.memory_space<vmem>>) semaphore(%arg8 : memref<!tpu.dma_semaphore, #tpu.memory_space<semaphore_mem>>)
      %mul3A_94 = arith.constant 4 : i32
      %mul3A_95 = arith.muli %add3A_54, %mul3A_94 : i32
      %add3A_96 = arith.constant 3 : i32
      %add3A_97 = arith.addi %mul3A_95, %add3A_96 : i32
      %dma_start3A_98 = arith.constant 896 : i32
      %dma_start3A_99 = arith.constant 0 : i32
      %dma_start3A_100 = tpu.memref_slice %arg6[%dma_start3A_98, %dma_start3A_99] : memref<1024x64xf32, #tpu.memory_space<vmem>> -> memref<128x64xf32, #tpu.memory_space<vmem>>
      %dma_start3A_101 = arith.constant 0 : i32
      %dma_start3A_102 = tpu.memref_slice %arg5[%add3A_97, %dma_start3A_101] : memref<40x128xi32, #tpu.memory_space<vmem>> -> memref<1x128xi32, #tpu.memory_space<vmem>>
      %dma_start3A_103 = tpu.memref_squeeze %dma_start3A_102 : memref<1x128xi32, #tpu.memory_space<vmem>> -> memref<128xi32, #tpu.memory_space<vmem>>
      %dma_start3A_104 = arith.constant 0 : i32
      %dma_start3A_105 = arith.constant 0 : i32
      %dma_start3A_106 = tpu.memref_slice %arg2[%dma_start3A_104, %dma_start3A_105] : memref<10008x64xf32, #tpu.memory_space<hbm>> -> memref<10008x64xf32, #tpu.memory_space<hbm>>
      tpu.enqueue_indirect_dma source(%dma_start3A_106 : memref<10008x64xf32, #tpu.memory_space<hbm>>) target(%dma_start3A_100 : memref<128x64xf32, #tpu.memory_space<vmem>>) offsets(%dma_start3A_103 : memref<128xi32, #tpu.memory_space<vmem>>) semaphore(%arg8 : memref<!tpu.dma_semaphore, #tpu.memory_space<semaphore_mem>>)
      %dma_wait3A = arith.constant 0 : i32
      %dma_wait3A_107 = arith.constant 0 : i32
      %dma_wait3A_108 = tpu.memref_slice %arg6[%dma_wait3A, %dma_wait3A_107] : memref<1024x64xf32, #tpu.memory_space<vmem>> -> memref<512x64xf32, #tpu.memory_space<vmem>>
      %dma_wait3A_109 = arith.constant 0 : i32
      %dma_wait3A_110 = arith.constant 0 : i32
      %dma_wait3A_111 = tpu.memref_slice %arg2[%dma_wait3A_109, %dma_wait3A_110] : memref<10008x64xf32, #tpu.memory_space<hbm>> -> memref<512x64xf32, #tpu.memory_space<hbm>>
      %dma_wait3A_112 = arith.constant 0 : i32
      %dma_wait3A_113 = arith.constant 0 : i32
      %dma_wait3A_114 = tpu.memref_slice %arg6[%dma_wait3A_112, %dma_wait3A_113] : memref<1024x64xf32, #tpu.memory_space<vmem>> -> memref<512x64xf32, #tpu.memory_space<vmem>>
      %dma_wait3A_115 = arith.constant 0 : i32
      %dma_wait3A_116 = arith.constant 0 : i32
      %dma_wait3A_117 = tpu.memref_slice %arg2[%dma_wait3A_115, %dma_wait3A_116] : memref<10008x64xf32, #tpu.memory_space<hbm>> -> memref<512x64xf32, #tpu.memory_space<hbm>>
      tpu.wait_dma2 semaphore(%arg7 : memref<!tpu.dma_semaphore, #tpu.memory_space<semaphore_mem>>) src(%dma_wait3A_117 : memref<512x64xf32, #tpu.memory_space<hbm>>) dst(%dma_wait3A_114 : memref<512x64xf32, #tpu.memory_space<vmem>>)
      %mul3A_118 = arith.constant 4 : i32
      %mul3A_119 = arith.muli %mul3A_52, %mul3A_118 : i32
      %add3A_120 = arith.addi %mul3A_2, %mul3A_119 : i32
      %mul3A_121 = arith.constant 128 : i32
      %mul3A_122 = arith.muli %add3A_120, %mul3A_121 : i32
      "tpu.region"() ({
        %run_scoped3A = tpu.sem_alloc : memref<!tpu.dma_semaphore, #tpu.memory_space<semaphore_mem>>
        %dma_start3A_144 = arith.constant 0 : i32
        %dma_start3A_145 = arith.constant 0 : i32
        %dma_start3A_146 = tpu.memref_slice %arg6[%dma_start3A_144, %dma_start3A_145] : memref<1024x64xf32, #tpu.memory_space<vmem>> -> memref<512x64xf32, #tpu.memory_space<vmem>>
        %dma_start3A_147 = arith.constant 0 : i32
        %dma_start3A_148 = tpu.memref_slice %arg4[%mul3A_122, %dma_start3A_147] : memref<163840x64xf32, #tpu.memory_space<hbm>> -> memref<512x64xf32, #tpu.memory_space<hbm>>
        %dma_start3A_149 = arith.constant 0 : i32
        %dma_start3A_150 = tpu.memref_slice %arg4[%mul3A_122, %dma_start3A_149] : memref<163840x64xf32, #tpu.memory_space<hbm>> -> memref<512x64xf32, #tpu.memory_space<hbm>>
        %dma_start3A_151 = arith.constant 0 : i32
        %dma_start3A_152 = arith.constant 0 : i32
        %dma_start3A_153 = tpu.memref_slice %arg6[%dma_start3A_151, %dma_start3A_152] : memref<1024x64xf32, #tpu.memory_space<vmem>> -> memref<512x64xf32, #tpu.memory_space<vmem>>
        tpu.enqueue_dma source(%dma_start3A_153 : memref<512x64xf32, #tpu.memory_space<vmem>>) target(%dma_start3A_150 : memref<512x64xf32, #tpu.memory_space<hbm>>) target_semaphore(%run_scoped3A : memref<!tpu.dma_semaphore, #tpu.memory_space<semaphore_mem>>)
        %dma_wait3A_154 = arith.constant 0 : i32
        %dma_wait3A_155 = arith.constant 0 : i32
        %dma_wait3A_156 = tpu.memref_slice %arg6[%dma_wait3A_154, %dma_wait3A_155] : memref<1024x64xf32, #tpu.memory_space<vmem>> -> memref<512x64xf32, #tpu.memory_space<vmem>>
        %dma_wait3A_157 = arith.constant 0 : i32
        %dma_wait3A_158 = tpu.memref_slice %arg4[%mul3A_122, %dma_wait3A_157] : memref<163840x64xf32, #tpu.memory_space<hbm>> -> memref<512x64xf32, #tpu.memory_space<hbm>>
        %dma_wait3A_159 = arith.constant 0 : i32
        %dma_wait3A_160 = tpu.memref_slice %arg4[%mul3A_122, %dma_wait3A_159] : memref<163840x64xf32, #tpu.memory_space<hbm>> -> memref<512x64xf32, #tpu.memory_space<hbm>>
        %dma_wait3A_161 = arith.constant 0 : i32
        %dma_wait3A_162 = arith.constant 0 : i32
        %dma_wait3A_163 = tpu.memref_slice %arg6[%dma_wait3A_161, %dma_wait3A_162] : memref<1024x64xf32, #tpu.memory_space<vmem>> -> memref<512x64xf32, #tpu.memory_space<vmem>>
        tpu.wait_dma2 semaphore(%run_scoped3A : memref<!tpu.dma_semaphore, #tpu.memory_space<semaphore_mem>>) src(%dma_wait3A_163 : memref<512x64xf32, #tpu.memory_space<vmem>>) dst(%dma_wait3A_160 : memref<512x64xf32, #tpu.memory_space<hbm>>)
        tpu.yield
      }) : () -> ()
      %add3A_123 = arith.constant 2 : i32
      %add3A_124 = arith.addi %mul3A_52, %add3A_123 : i32
      %lt3A = arith.constant 10 : i32
      %lt3A_125 = arith.cmpi slt, %add3A_124, %lt3A : i32
      %convert_element_type3A = arith.extui %lt3A_125 : i1 to i32
      %cond3A = arith.constant 0 : i32
      %cond3A_126 = arith.cmpi ne, %convert_element_type3A, %cond3A : i32
      scf.if %cond3A_126 {
        %add3A_144 = arith.constant 2 : i32
        %add3A_145 = arith.addi %mul3A_52, %add3A_144 : i32
        %mul3A_146 = arith.constant 4 : i32
        %mul3A_147 = arith.muli %add3A_145, %mul3A_146 : i32
        %add3A_148 = arith.constant 0 : i32
        %add3A_149 = arith.addi %mul3A_147, %add3A_148 : i32
        %dma_start3A_150 = arith.constant 0 : i32
        %dma_start3A_151 = arith.constant 0 : i32
        %dma_start3A_152 = tpu.memref_slice %arg6[%dma_start3A_150, %dma_start3A_151] : memref<1024x64xf32, #tpu.memory_space<vmem>> -> memref<128x64xf32, #tpu.memory_space<vmem>>
        %dma_start3A_153 = arith.constant 0 : i32
        %dma_start3A_154 = tpu.memref_slice %arg5[%add3A_149, %dma_start3A_153] : memref<40x128xi32, #tpu.memory_space<vmem>> -> memref<1x128xi32, #tpu.memory_space<vmem>>
        %dma_start3A_155 = tpu.memref_squeeze %dma_start3A_154 : memref<1x128xi32, #tpu.memory_space<vmem>> -> memref<128xi32, #tpu.memory_space<vmem>>
        %dma_start3A_156 = arith.constant 0 : i32
        %dma_start3A_157 = arith.constant 0 : i32
        %dma_start3A_158 = tpu.memref_slice %arg2[%dma_start3A_156, %dma_start3A_157] : memref<10008x64xf32, #tpu.memory_space<hbm>> -> memref<10008x64xf32, #tpu.memory_space<hbm>>
        tpu.enqueue_indirect_dma source(%dma_start3A_158 : memref<10008x64xf32, #tpu.memory_space<hbm>>) target(%dma_start3A_152 : memref<128x64xf32, #tpu.memory_space<vmem>>) offsets(%dma_start3A_155 : memref<128xi32, #tpu.memory_space<vmem>>) semaphore(%arg7 : memref<!tpu.dma_semaphore, #tpu.memory_space<semaphore_mem>>)
        %mul3A_159 = arith.constant 4 : i32
        %mul3A_160 = arith.muli %add3A_145, %mul3A_159 : i32
        %add3A_161 = arith.constant 1 : i32
        %add3A_162 = arith.addi %mul3A_160, %add3A_161 : i32
        %dma_start3A_163 = arith.constant 128 : i32
        %dma_start3A_164 = arith.constant 0 : i32
        %dma_start3A_165 = tpu.memref_slice %arg6[%dma_start3A_163, %dma_start3A_164] : memref<1024x64xf32, #tpu.memory_space<vmem>> -> memref<128x64xf32, #tpu.memory_space<vmem>>
        %dma_start3A_166 = arith.constant 0 : i32
        %dma_start3A_167 = tpu.memref_slice %arg5[%add3A_162, %dma_start3A_166] : memref<40x128xi32, #tpu.memory_space<vmem>> -> memref<1x128xi32, #tpu.memory_space<vmem>>
        %dma_start3A_168 = tpu.memref_squeeze %dma_start3A_167 : memref<1x128xi32, #tpu.memory_space<vmem>> -> memref<128xi32, #tpu.memory_space<vmem>>
        %dma_start3A_169 = arith.constant 0 : i32
        %dma_start3A_170 = arith.constant 0 : i32
        %dma_start3A_171 = tpu.memref_slice %arg2[%dma_start3A_169, %dma_start3A_170] : memref<10008x64xf32, #tpu.memory_space<hbm>> -> memref<10008x64xf32, #tpu.memory_space<hbm>>
        tpu.enqueue_indirect_dma source(%dma_start3A_171 : memref<10008x64xf32, #tpu.memory_space<hbm>>) target(%dma_start3A_165 : memref<128x64xf32, #tpu.memory_space<vmem>>) offsets(%dma_start3A_168 : memref<128xi32, #tpu.memory_space<vmem>>) semaphore(%arg7 : memref<!tpu.dma_semaphore, #tpu.memory_space<semaphore_mem>>)
        %mul3A_172 = arith.constant 4 : i32
        %mul3A_173 = arith.muli %add3A_145, %mul3A_172 : i32
        %add3A_174 = arith.constant 2 : i32
        %add3A_175 = arith.addi %mul3A_173, %add3A_174 : i32
        %dma_start3A_176 = arith.constant 256 : i32
        %dma_start3A_177 = arith.constant 0 : i32
        %dma_start3A_178 = tpu.memref_slice %arg6[%dma_start3A_176, %dma_start3A_177] : memref<1024x64xf32, #tpu.memory_space<vmem>> -> memref<128x64xf32, #tpu.memory_space<vmem>>
        %dma_start3A_179 = arith.constant 0 : i32
        %dma_start3A_180 = tpu.memref_slice %arg5[%add3A_175, %dma_start3A_179] : memref<40x128xi32, #tpu.memory_space<vmem>> -> memref<1x128xi32, #tpu.memory_space<vmem>>
        %dma_start3A_181 = tpu.memref_squeeze %dma_start3A_180 : memref<1x128xi32, #tpu.memory_space<vmem>> -> memref<128xi32, #tpu.memory_space<vmem>>
        %dma_start3A_182 = arith.constant 0 : i32
        %dma_start3A_183 = arith.constant 0 : i32
        %dma_start3A_184 = tpu.memref_slice %arg2[%dma_start3A_182, %dma_start3A_183] : memref<10008x64xf32, #tpu.memory_space<hbm>> -> memref<10008x64xf32, #tpu.memory_space<hbm>>
        tpu.enqueue_indirect_dma source(%dma_start3A_184 : memref<10008x64xf32, #tpu.memory_space<hbm>>) target(%dma_start3A_178 : memref<128x64xf32, #tpu.memory_space<vmem>>) offsets(%dma_start3A_181 : memref<128xi32, #tpu.memory_space<vmem>>) semaphore(%arg7 : memref<!tpu.dma_semaphore, #tpu.memory_space<semaphore_mem>>)
        %mul3A_185 = arith.constant 4 : i32
        %mul3A_186 = arith.muli %add3A_145, %mul3A_185 : i32
        %add3A_187 = arith.constant 3 : i32
        %add3A_188 = arith.addi %mul3A_186, %add3A_187 : i32
        %dma_start3A_189 = arith.constant 384 : i32
        %dma_start3A_190 = arith.constant 0 : i32
        %dma_start3A_191 = tpu.memref_slice %arg6[%dma_start3A_189, %dma_start3A_190] : memref<1024x64xf32, #tpu.memory_space<vmem>> -> memref<128x64xf32, #tpu.memory_space<vmem>>
        %dma_start3A_192 = arith.constant 0 : i32
        %dma_start3A_193 = tpu.memref_slice %arg5[%add3A_188, %dma_start3A_192] : memref<40x128xi32, #tpu.memory_space<vmem>> -> memref<1x128xi32, #tpu.memory_space<vmem>>
        %dma_start3A_194 = tpu.memref_squeeze %dma_start3A_193 : memref<1x128xi32, #tpu.memory_space<vmem>> -> memref<128xi32, #tpu.memory_space<vmem>>
        %dma_start3A_195 = arith.constant 0 : i32
        %dma_start3A_196 = arith.constant 0 : i32
        %dma_start3A_197 = tpu.memref_slice %arg2[%dma_start3A_195, %dma_start3A_196] : memref<10008x64xf32, #tpu.memory_space<hbm>> -> memref<10008x64xf32, #tpu.memory_space<hbm>>
        tpu.enqueue_indirect_dma source(%dma_start3A_197 : memref<10008x64xf32, #tpu.memory_space<hbm>>) target(%dma_start3A_191 : memref<128x64xf32, #tpu.memory_space<vmem>>) offsets(%dma_start3A_194 : memref<128xi32, #tpu.memory_space<vmem>>) semaphore(%arg7 : memref<!tpu.dma_semaphore, #tpu.memory_space<semaphore_mem>>)
      } else {
      }
      %dma_wait3A_127 = arith.constant 0 : i32
      %dma_wait3A_128 = arith.constant 0 : i32
      %dma_wait3A_129 = tpu.memref_slice %arg6[%dma_wait3A_127, %dma_wait3A_128] : memref<1024x64xf32, #tpu.memory_space<vmem>> -> memref<512x64xf32, #tpu.memory_space<vmem>>
      %dma_wait3A_130 = arith.constant 0 : i32
      %dma_wait3A_131 = arith.constant 0 : i32
      %dma_wait3A_132 = tpu.memref_slice %arg2[%dma_wait3A_130, %dma_wait3A_131] : memref<10008x64xf32, #tpu.memory_space<hbm>> -> memref<512x64xf32, #tpu.memory_space<hbm>>
      %dma_wait3A_133 = arith.constant 0 : i32
      %dma_wait3A_134 = arith.constant 0 : i32
      %dma_wait3A_135 = tpu.memref_slice %arg6[%dma_wait3A_133, %dma_wait3A_134] : memref<1024x64xf32, #tpu.memory_space<vmem>> -> memref<512x64xf32, #tpu.memory_space<vmem>>
      %dma_wait3A_136 = arith.constant 0 : i32
      %dma_wait3A_137 = arith.constant 0 : i32
      %dma_wait3A_138 = tpu.memref_slice %arg2[%dma_wait3A_136, %dma_wait3A_137] : memref<10008x64xf32, #tpu.memory_space<hbm>> -> memref<512x64xf32, #tpu.memory_space<hbm>>
      tpu.wait_dma2 semaphore(%arg8 : memref<!tpu.dma_semaphore, #tpu.memory_space<semaphore_mem>>) src(%dma_wait3A_138 : memref<512x64xf32, #tpu.memory_space<hbm>>) dst(%dma_wait3A_135 : memref<512x64xf32, #tpu.memory_space<vmem>>)
      %mul3A_139 = arith.constant 4 : i32
      %mul3A_140 = arith.muli %add3A_54, %mul3A_139 : i32
      %add3A_141 = arith.addi %mul3A_2, %mul3A_140 : i32
      %mul3A_142 = arith.constant 128 : i32
      %mul3A_143 = arith.muli %add3A_141, %mul3A_142 : i32
      "tpu.region"() ({
        %run_scoped3A = tpu.sem_alloc : memref<!tpu.dma_semaphore, #tpu.memory_space<semaphore_mem>>
        %dma_start3A_144 = arith.constant 512 : i32
        %dma_start3A_145 = arith.constant 0 : i32
        %dma_start3A_146 = tpu.memref_slice %arg6[%dma_start3A_144, %dma_start3A_145] : memref<1024x64xf32, #tpu.memory_space<vmem>> -> memref<512x64xf32, #tpu.memory_space<vmem>>
        %dma_start3A_147 = arith.constant 0 : i32
        %dma_start3A_148 = tpu.memref_slice %arg4[%mul3A_143, %dma_start3A_147] : memref<163840x64xf32, #tpu.memory_space<hbm>> -> memref<512x64xf32, #tpu.memory_space<hbm>>
        %dma_start3A_149 = arith.constant 0 : i32
        %dma_start3A_150 = tpu.memref_slice %arg4[%mul3A_143, %dma_start3A_149] : memref<163840x64xf32, #tpu.memory_space<hbm>> -> memref<512x64xf32, #tpu.memory_space<hbm>>
        %dma_start3A_151 = arith.constant 512 : i32
        %dma_start3A_152 = arith.constant 0 : i32
        %dma_start3A_153 = tpu.memref_slice %arg6[%dma_start3A_151, %dma_start3A_152] : memref<1024x64xf32, #tpu.memory_space<vmem>> -> memref<512x64xf32, #tpu.memory_space<vmem>>
        tpu.enqueue_dma source(%dma_start3A_153 : memref<512x64xf32, #tpu.memory_space<vmem>>) target(%dma_start3A_150 : memref<512x64xf32, #tpu.memory_space<hbm>>) target_semaphore(%run_scoped3A : memref<!tpu.dma_semaphore, #tpu.memory_space<semaphore_mem>>)
        %dma_wait3A_154 = arith.constant 512 : i32
        %dma_wait3A_155 = arith.constant 0 : i32
        %dma_wait3A_156 = tpu.memref_slice %arg6[%dma_wait3A_154, %dma_wait3A_155] : memref<1024x64xf32, #tpu.memory_space<vmem>> -> memref<512x64xf32, #tpu.memory_space<vmem>>
        %dma_wait3A_157 = arith.constant 0 : i32
        %dma_wait3A_158 = tpu.memref_slice %arg4[%mul3A_143, %dma_wait3A_157] : memref<163840x64xf32, #tpu.memory_space<hbm>> -> memref<512x64xf32, #tpu.memory_space<hbm>>
        %dma_wait3A_159 = arith.constant 0 : i32
        %dma_wait3A_160 = tpu.memref_slice %arg4[%mul3A_143, %dma_wait3A_159] : memref<163840x64xf32, #tpu.memory_space<hbm>> -> memref<512x64xf32, #tpu.memory_space<hbm>>
        %dma_wait3A_161 = arith.constant 512 : i32
        %dma_wait3A_162 = arith.constant 0 : i32
        %dma_wait3A_163 = tpu.memref_slice %arg6[%dma_wait3A_161, %dma_wait3A_162] : memref<1024x64xf32, #tpu.memory_space<vmem>> -> memref<512x64xf32, #tpu.memory_space<vmem>>
        tpu.wait_dma2 semaphore(%run_scoped3A : memref<!tpu.dma_semaphore, #tpu.memory_space<semaphore_mem>>) src(%dma_wait3A_163 : memref<512x64xf32, #tpu.memory_space<vmem>>) dst(%dma_wait3A_160 : memref<512x64xf32, #tpu.memory_space<hbm>>)
        tpu.yield
      }) : () -> ()
    }
    %scan3A_45 = arith.constant 5 : i32
    return
  }
}

#map = affine_map<(d0, d1) -> (0, 0)>
#map1 = affine_map<(d0, d1) -> (0, 0, 0)>
module attributes {stable_mosaic.version = 14 : i64} {
  func.func @k(%arg0: i32, %arg1: i32, %arg2: memref<81920x120xf32, #tpu.memory_space<hbm>>, %arg3: memref<640x128xi32, #tpu.memory_space<hbm>>, %arg4: memref<640x128xi32, #tpu.memory_space<hbm>>, %arg5: memref<626x120xf32, #tpu.memory_space<hbm>>, %arg6: memref<2x10000x120xf32, #tpu.memory_space<hbm>>, %arg7: memref<40x128xi32, #tpu.memory_space<vmem>>, %arg8: memref<128x120xf32, #tpu.memory_space<vmem>>, %arg9: memref<128x120xf32, #tpu.memory_space<vmem>>, %arg10: memref<10016x120xf32, #tpu.memory_space<vmem_shared>>, %arg11: memref<!tpu.dma_semaphore, #tpu.memory_space<semaphore_mem>>, %arg12: memref<!tpu.dma_semaphore, #tpu.memory_space<semaphore_mem>>) attributes {dimension_semantics = [#tpu.dimension_semantics<core_parallel>, #tpu.dimension_semantics<subcore_parallel>], iteration_bounds = array<i64: 2, 16>, scalar_prefetch = 0 : i64, scratch_operands = 6 : i64, tpu.core_type = #tpu.core_type<sc_vector_subcore>, window_params = [{transform_indices = #map}, {transform_indices = #map}, {transform_indices = #map}, {transform_indices = #map}, {transform_indices = #map1}]} {
    %mul3A = arith.constant 40 : i32
    %mul3A_0 = arith.muli %arg1, %mul3A : i32
    %eq3A = arith.constant 0 : i32
    %eq3A_1 = arith.cmpi eq, %arg0, %eq3A : i32
    %convert_element_type3A = arith.extui %eq3A_1 : i1 to i32
    %cond3A = arith.constant 0 : i32
    %cond3A_2 = arith.cmpi ne, %convert_element_type3A, %cond3A : i32
    scf.if %cond3A_2 {
      "tpu.region"() ({
        %run_scoped3A = tpu.sem_alloc : memref<!tpu.dma_semaphore, #tpu.memory_space<semaphore_mem>>
        %dma_start3A_25 = arith.constant 0 : i32
        %dma_start3A_26 = tpu.memref_slice %arg3[%mul3A_0, %dma_start3A_25] : memref<640x128xi32, #tpu.memory_space<hbm>> -> memref<40x128xi32, #tpu.memory_space<hbm>>
        %dma_start3A_27 = arith.constant 0 : i32
        %dma_start3A_28 = tpu.memref_slice %arg3[%mul3A_0, %dma_start3A_27] : memref<640x128xi32, #tpu.memory_space<hbm>> -> memref<40x128xi32, #tpu.memory_space<hbm>>
        tpu.enqueue_dma source(%dma_start3A_28 : memref<40x128xi32, #tpu.memory_space<hbm>>) target(%arg7 : memref<40x128xi32, #tpu.memory_space<vmem>>) target_semaphore(%run_scoped3A : memref<!tpu.dma_semaphore, #tpu.memory_space<semaphore_mem>>)
        %dma_wait3A = arith.constant 0 : i32
        %dma_wait3A_29 = tpu.memref_slice %arg3[%mul3A_0, %dma_wait3A] : memref<640x128xi32, #tpu.memory_space<hbm>> -> memref<40x128xi32, #tpu.memory_space<hbm>>
        %dma_wait3A_30 = arith.constant 0 : i32
        %dma_wait3A_31 = tpu.memref_slice %arg3[%mul3A_0, %dma_wait3A_30] : memref<640x128xi32, #tpu.memory_space<hbm>> -> memref<40x128xi32, #tpu.memory_space<hbm>>
        tpu.wait_dma2 semaphore(%run_scoped3A : memref<!tpu.dma_semaphore, #tpu.memory_space<semaphore_mem>>) src(%dma_wait3A_31 : memref<40x128xi32, #tpu.memory_space<hbm>>) dst(%arg7 : memref<40x128xi32, #tpu.memory_space<vmem>>)
        tpu.yield
      }) : () -> ()
    } else {
    }
    %eq3A_3 = arith.constant 1 : i32
    %eq3A_4 = arith.cmpi eq, %arg0, %eq3A_3 : i32
    %convert_element_type3A_5 = arith.extui %eq3A_4 : i1 to i32
    %cond3A_6 = arith.constant 0 : i32
    %cond3A_7 = arith.cmpi ne, %convert_element_type3A_5, %cond3A_6 : i32
    scf.if %cond3A_7 {
      "tpu.region"() ({
        %run_scoped3A = tpu.sem_alloc : memref<!tpu.dma_semaphore, #tpu.memory_space<semaphore_mem>>
        %dma_start3A_25 = arith.constant 0 : i32
        %dma_start3A_26 = tpu.memref_slice %arg4[%mul3A_0, %dma_start3A_25] : memref<640x128xi32, #tpu.memory_space<hbm>> -> memref<40x128xi32, #tpu.memory_space<hbm>>
        %dma_start3A_27 = arith.constant 0 : i32
        %dma_start3A_28 = tpu.memref_slice %arg4[%mul3A_0, %dma_start3A_27] : memref<640x128xi32, #tpu.memory_space<hbm>> -> memref<40x128xi32, #tpu.memory_space<hbm>>
        tpu.enqueue_dma source(%dma_start3A_28 : memref<40x128xi32, #tpu.memory_space<hbm>>) target(%arg7 : memref<40x128xi32, #tpu.memory_space<vmem>>) target_semaphore(%run_scoped3A : memref<!tpu.dma_semaphore, #tpu.memory_space<semaphore_mem>>)
        %dma_wait3A = arith.constant 0 : i32
        %dma_wait3A_29 = tpu.memref_slice %arg4[%mul3A_0, %dma_wait3A] : memref<640x128xi32, #tpu.memory_space<hbm>> -> memref<40x128xi32, #tpu.memory_space<hbm>>
        %dma_wait3A_30 = arith.constant 0 : i32
        %dma_wait3A_31 = tpu.memref_slice %arg4[%mul3A_0, %dma_wait3A_30] : memref<640x128xi32, #tpu.memory_space<hbm>> -> memref<40x128xi32, #tpu.memory_space<hbm>>
        tpu.wait_dma2 semaphore(%run_scoped3A : memref<!tpu.dma_semaphore, #tpu.memory_space<semaphore_mem>>) src(%dma_wait3A_31 : memref<40x128xi32, #tpu.memory_space<hbm>>) dst(%arg7 : memref<40x128xi32, #tpu.memory_space<vmem>>)
        tpu.yield
      }) : () -> ()
    } else {
    }
    %mul3A_8 = arith.constant 626 : i32
    %mul3A_9 = arith.muli %arg1, %mul3A_8 : i32
    "tpu.region"() ({
      %run_scoped3A = tpu.sem_alloc : memref<!tpu.dma_semaphore, #tpu.memory_space<semaphore_mem>>
      %dma_start3A_25 = arith.constant 0 : i32
      %dma_start3A_26 = tpu.memref_slice %arg10[%mul3A_9, %dma_start3A_25] : memref<10016x120xf32, #tpu.memory_space<vmem_shared>> -> memref<626x120xf32, #tpu.memory_space<vmem_shared>>
      tpu.enqueue_dma source(%arg5 : memref<626x120xf32, #tpu.memory_space<hbm>>) target(%dma_start3A_26 : memref<626x120xf32, #tpu.memory_space<vmem_shared>>) target_semaphore(%run_scoped3A : memref<!tpu.dma_semaphore, #tpu.memory_space<semaphore_mem>>)
      %dma_wait3A = arith.constant 0 : i32
      %dma_wait3A_27 = tpu.memref_slice %arg10[%mul3A_9, %dma_wait3A] : memref<10016x120xf32, #tpu.memory_space<vmem_shared>> -> memref<626x120xf32, #tpu.memory_space<vmem_shared>>
      tpu.wait_dma2 semaphore(%run_scoped3A : memref<!tpu.dma_semaphore, #tpu.memory_space<semaphore_mem>>) src(%arg5 : memref<626x120xf32, #tpu.memory_space<hbm>>) dst(%dma_wait3A_27 : memref<626x120xf32, #tpu.memory_space<vmem_shared>>)
      tpu.yield
    }) : () -> ()
    %barrier3A = arith.constant 0 : index
    tpu.barrier barrier_id(%barrier3A)
    %add3A = arith.constant 0 : i32
    %add3A_10 = arith.addi %mul3A_0, %add3A : i32
    %mul3A_11 = arith.constant 128 : i32
    %mul3A_12 = arith.muli %add3A_10, %mul3A_11 : i32
    %dma_start3A = arith.constant 0 : i32
    %dma_start3A_13 = tpu.memref_slice %arg2[%mul3A_12, %dma_start3A] : memref<81920x120xf32, #tpu.memory_space<hbm>> -> memref<128x120xf32, #tpu.memory_space<hbm>>
    %dma_start3A_14 = arith.constant 0 : i32
    %dma_start3A_15 = tpu.memref_slice %arg2[%mul3A_12, %dma_start3A_14] : memref<81920x120xf32, #tpu.memory_space<hbm>> -> memref<128x120xf32, #tpu.memory_space<hbm>>
    tpu.enqueue_dma source(%dma_start3A_15 : memref<128x120xf32, #tpu.memory_space<hbm>>) target(%arg8 : memref<128x120xf32, #tpu.memory_space<vmem>>) target_semaphore(%arg11 : memref<!tpu.dma_semaphore, #tpu.memory_space<semaphore_mem>>)
    %scan3A = arith.constant 0 : i32
    %scan3A_16 = arith.constant 20 : i32
    %scan3A_17 = arith.addi %scan3A, %scan3A_16 : i32
    %scan3A_18 = arith.constant 1 : i32
    scf.for %scan3A_25 = %scan3A to %scan3A_17 step %scan3A_18  : i32 {
      %mul3A_26 = arith.constant 1 : i32
      %mul3A_27 = arith.muli %scan3A_25, %mul3A_26 : i32
      %add3A_28 = arith.constant 0 : i32
      %add3A_29 = arith.addi %add3A_28, %mul3A_27 : i32
      %mul3A_30 = arith.constant 2 : i32
      %mul3A_31 = arith.muli %mul3A_30, %add3A_29 : i32
      %add3A_32 = arith.constant 1 : i32
      %add3A_33 = arith.addi %mul3A_31, %add3A_32 : i32
      %add3A_34 = arith.addi %mul3A_0, %add3A_33 : i32
      %mul3A_35 = arith.constant 128 : i32
      %mul3A_36 = arith.muli %add3A_34, %mul3A_35 : i32
      %dma_start3A_37 = arith.constant 0 : i32
      %dma_start3A_38 = tpu.memref_slice %arg2[%mul3A_36, %dma_start3A_37] : memref<81920x120xf32, #tpu.memory_space<hbm>> -> memref<128x120xf32, #tpu.memory_space<hbm>>
      %dma_start3A_39 = arith.constant 0 : i32
      %dma_start3A_40 = tpu.memref_slice %arg2[%mul3A_36, %dma_start3A_39] : memref<81920x120xf32, #tpu.memory_space<hbm>> -> memref<128x120xf32, #tpu.memory_space<hbm>>
      tpu.enqueue_dma source(%dma_start3A_40 : memref<128x120xf32, #tpu.memory_space<hbm>>) target(%arg9 : memref<128x120xf32, #tpu.memory_space<vmem>>) target_semaphore(%arg12 : memref<!tpu.dma_semaphore, #tpu.memory_space<semaphore_mem>>)
      %dma_wait3A = arith.constant 0 : i32
      %dma_wait3A_41 = arith.constant 0 : i32
      %dma_wait3A_42 = tpu.memref_slice %arg2[%dma_wait3A, %dma_wait3A_41] : memref<81920x120xf32, #tpu.memory_space<hbm>> -> memref<128x120xf32, #tpu.memory_space<hbm>>
      %dma_wait3A_43 = arith.constant 0 : i32
      %dma_wait3A_44 = arith.constant 0 : i32
      %dma_wait3A_45 = tpu.memref_slice %arg2[%dma_wait3A_43, %dma_wait3A_44] : memref<81920x120xf32, #tpu.memory_space<hbm>> -> memref<128x120xf32, #tpu.memory_space<hbm>>
      tpu.wait_dma2 semaphore(%arg11 : memref<!tpu.dma_semaphore, #tpu.memory_space<semaphore_mem>>) src(%dma_wait3A_45 : memref<128x120xf32, #tpu.memory_space<hbm>>) dst(%arg8 : memref<128x120xf32, #tpu.memory_space<vmem>>)
      "tpu.region"() ({
        %run_scoped3A = tpu.sem_alloc : memref<!tpu.dma_semaphore, #tpu.memory_space<semaphore_mem>>
        %dma_start3A_58 = arith.constant 0 : i32
        %dma_start3A_59 = tpu.memref_slice %arg7[%mul3A_31, %dma_start3A_58] : memref<40x128xi32, #tpu.memory_space<vmem>> -> memref<1x128xi32, #tpu.memory_space<vmem>>
        %dma_start3A_60 = tpu.memref_squeeze %dma_start3A_59 : memref<1x128xi32, #tpu.memory_space<vmem>> -> memref<128xi32, #tpu.memory_space<vmem>>
        %dma_start3A_61 = arith.constant 0 : i32
        %dma_start3A_62 = arith.constant 0 : i32
        %dma_start3A_63 = tpu.memref_slice %arg10[%dma_start3A_61, %dma_start3A_62] : memref<10016x120xf32, #tpu.memory_space<vmem_shared>> -> memref<10016x120xf32, #tpu.memory_space<vmem_shared>>
        tpu.enqueue_indirect_dma source(%arg8 : memref<128x120xf32, #tpu.memory_space<vmem>>) target(%dma_start3A_63 : memref<10016x120xf32, #tpu.memory_space<vmem_shared>>) offsets(%dma_start3A_60 : memref<128xi32, #tpu.memory_space<vmem>>) semaphore(%run_scoped3A : memref<!tpu.dma_semaphore, #tpu.memory_space<semaphore_mem>>) {add = true}
        %dma_wait3A_64 = arith.constant 0 : i32
        %dma_wait3A_65 = tpu.memref_slice %arg7[%mul3A_31, %dma_wait3A_64] : memref<40x128xi32, #tpu.memory_space<vmem>> -> memref<1x128xi32, #tpu.memory_space<vmem>>
        %dma_wait3A_66 = tpu.memref_squeeze %dma_wait3A_65 : memref<1x128xi32, #tpu.memory_space<vmem>> -> memref<128xi32, #tpu.memory_space<vmem>>
        %dma_wait3A_67 = arith.constant 0 : i32
        %dma_wait3A_68 = arith.constant 0 : i32
        %dma_wait3A_69 = tpu.memref_slice %arg10[%dma_wait3A_67, %dma_wait3A_68] : memref<10016x120xf32, #tpu.memory_space<vmem_shared>> -> memref<10016x120xf32, #tpu.memory_space<vmem_shared>>
        tpu.wait_indirect_dma semaphore(%run_scoped3A : memref<!tpu.dma_semaphore, #tpu.memory_space<semaphore_mem>>) src(%arg8 : memref<128x120xf32, #tpu.memory_space<vmem>>) dst(%dma_wait3A_69 : memref<10016x120xf32, #tpu.memory_space<vmem_shared>>)
        tpu.yield
      }) : () -> ()
      %add3A_46 = arith.constant 2 : i32
      %add3A_47 = arith.addi %mul3A_31, %add3A_46 : i32
      %lt3A = arith.constant 40 : i32
      %lt3A_48 = arith.cmpi slt, %add3A_47, %lt3A : i32
      %convert_element_type3A_49 = arith.extui %lt3A_48 : i1 to i32
      %cond3A_50 = arith.constant 0 : i32
      %cond3A_51 = arith.cmpi ne, %convert_element_type3A_49, %cond3A_50 : i32
      scf.if %cond3A_51 {
        %add3A_58 = arith.constant 2 : i32
        %add3A_59 = arith.addi %mul3A_31, %add3A_58 : i32
        %add3A_60 = arith.addi %mul3A_0, %add3A_59 : i32
        %mul3A_61 = arith.constant 128 : i32
        %mul3A_62 = arith.muli %add3A_60, %mul3A_61 : i32
        %dma_start3A_63 = arith.constant 0 : i32
        %dma_start3A_64 = tpu.memref_slice %arg2[%mul3A_62, %dma_start3A_63] : memref<81920x120xf32, #tpu.memory_space<hbm>> -> memref<128x120xf32, #tpu.memory_space<hbm>>
        %dma_start3A_65 = arith.constant 0 : i32
        %dma_start3A_66 = tpu.memref_slice %arg2[%mul3A_62, %dma_start3A_65] : memref<81920x120xf32, #tpu.memory_space<hbm>> -> memref<128x120xf32, #tpu.memory_space<hbm>>
        tpu.enqueue_dma source(%dma_start3A_66 : memref<128x120xf32, #tpu.memory_space<hbm>>) target(%arg8 : memref<128x120xf32, #tpu.memory_space<vmem>>) target_semaphore(%arg11 : memref<!tpu.dma_semaphore, #tpu.memory_space<semaphore_mem>>)
      } else {
      }
      %dma_wait3A_52 = arith.constant 0 : i32
      %dma_wait3A_53 = arith.constant 0 : i32
      %dma_wait3A_54 = tpu.memref_slice %arg2[%dma_wait3A_52, %dma_wait3A_53] : memref<81920x120xf32, #tpu.memory_space<hbm>> -> memref<128x120xf32, #tpu.memory_space<hbm>>
      %dma_wait3A_55 = arith.constant 0 : i32
      %dma_wait3A_56 = arith.constant 0 : i32
      %dma_wait3A_57 = tpu.memref_slice %arg2[%dma_wait3A_55, %dma_wait3A_56] : memref<81920x120xf32, #tpu.memory_space<hbm>> -> memref<128x120xf32, #tpu.memory_space<hbm>>
      tpu.wait_dma2 semaphore(%arg12 : memref<!tpu.dma_semaphore, #tpu.memory_space<semaphore_mem>>) src(%dma_wait3A_57 : memref<128x120xf32, #tpu.memory_space<hbm>>) dst(%arg9 : memref<128x120xf32, #tpu.memory_space<vmem>>)
      "tpu.region"() ({
        %run_scoped3A = tpu.sem_alloc : memref<!tpu.dma_semaphore, #tpu.memory_space<semaphore_mem>>
        %dma_start3A_58 = arith.constant 0 : i32
        %dma_start3A_59 = tpu.memref_slice %arg7[%add3A_33, %dma_start3A_58] : memref<40x128xi32, #tpu.memory_space<vmem>> -> memref<1x128xi32, #tpu.memory_space<vmem>>
        %dma_start3A_60 = tpu.memref_squeeze %dma_start3A_59 : memref<1x128xi32, #tpu.memory_space<vmem>> -> memref<128xi32, #tpu.memory_space<vmem>>
        %dma_start3A_61 = arith.constant 0 : i32
        %dma_start3A_62 = arith.constant 0 : i32
        %dma_start3A_63 = tpu.memref_slice %arg10[%dma_start3A_61, %dma_start3A_62] : memref<10016x120xf32, #tpu.memory_space<vmem_shared>> -> memref<10016x120xf32, #tpu.memory_space<vmem_shared>>
        tpu.enqueue_indirect_dma source(%arg9 : memref<128x120xf32, #tpu.memory_space<vmem>>) target(%dma_start3A_63 : memref<10016x120xf32, #tpu.memory_space<vmem_shared>>) offsets(%dma_start3A_60 : memref<128xi32, #tpu.memory_space<vmem>>) semaphore(%run_scoped3A : memref<!tpu.dma_semaphore, #tpu.memory_space<semaphore_mem>>) {add = true}
        %dma_wait3A_64 = arith.constant 0 : i32
        %dma_wait3A_65 = tpu.memref_slice %arg7[%add3A_33, %dma_wait3A_64] : memref<40x128xi32, #tpu.memory_space<vmem>> -> memref<1x128xi32, #tpu.memory_space<vmem>>
        %dma_wait3A_66 = tpu.memref_squeeze %dma_wait3A_65 : memref<1x128xi32, #tpu.memory_space<vmem>> -> memref<128xi32, #tpu.memory_space<vmem>>
        %dma_wait3A_67 = arith.constant 0 : i32
        %dma_wait3A_68 = arith.constant 0 : i32
        %dma_wait3A_69 = tpu.memref_slice %arg10[%dma_wait3A_67, %dma_wait3A_68] : memref<10016x120xf32, #tpu.memory_space<vmem_shared>> -> memref<10016x120xf32, #tpu.memory_space<vmem_shared>>
        tpu.wait_indirect_dma semaphore(%run_scoped3A : memref<!tpu.dma_semaphore, #tpu.memory_space<semaphore_mem>>) src(%arg9 : memref<128x120xf32, #tpu.memory_space<vmem>>) dst(%dma_wait3A_69 : memref<10016x120xf32, #tpu.memory_space<vmem_shared>>)
        tpu.yield
      }) : () -> ()
    }
    %scan3A_19 = arith.constant 20 : i32
    %barrier3A_20 = arith.constant 0 : index
    tpu.barrier barrier_id(%barrier3A_20)
    %mul3A_21 = arith.constant 625 : i32
    %mul3A_22 = arith.muli %arg1, %mul3A_21 : i32
    %mul3A_23 = arith.constant 625 : i32
    %mul3A_24 = arith.muli %arg1, %mul3A_23 : i32
    "tpu.region"() ({
      %run_scoped3A = tpu.sem_alloc : memref<!tpu.dma_semaphore, #tpu.memory_space<semaphore_mem>>
      %dma_start3A_25 = arith.constant 0 : i32
      %dma_start3A_26 = arith.constant 0 : i32
      %dma_start3A_27 = tpu.memref_slice %arg6[%arg0, %dma_start3A_25, %dma_start3A_26] : memref<2x10000x120xf32, #tpu.memory_space<hbm>> -> memref<1x10000x120xf32, #tpu.memory_space<hbm>>
      %dma_start3A_28 = tpu.memref_squeeze %dma_start3A_27 : memref<1x10000x120xf32, #tpu.memory_space<hbm>> -> memref<10000x120xf32, #tpu.memory_space<hbm>>
      %dma_start3A_29 = arith.constant 0 : i32
      %dma_start3A_30 = tpu.memref_slice %dma_start3A_28[%mul3A_24, %dma_start3A_29] : memref<10000x120xf32, #tpu.memory_space<hbm>> -> memref<625x120xf32, #tpu.memory_space<hbm>>
      %dma_start3A_31 = arith.constant 0 : i32
      %dma_start3A_32 = tpu.memref_slice %arg10[%mul3A_22, %dma_start3A_31] : memref<10016x120xf32, #tpu.memory_space<vmem_shared>> -> memref<625x120xf32, #tpu.memory_space<vmem_shared>>
      tpu.enqueue_dma source(%dma_start3A_32 : memref<625x120xf32, #tpu.memory_space<vmem_shared>>) target(%dma_start3A_30 : memref<625x120xf32, #tpu.memory_space<hbm>>) target_semaphore(%run_scoped3A : memref<!tpu.dma_semaphore, #tpu.memory_space<semaphore_mem>>)
      %dma_wait3A = arith.constant 0 : i32
      %dma_wait3A_33 = arith.constant 0 : i32
      %dma_wait3A_34 = tpu.memref_slice %arg6[%arg0, %dma_wait3A, %dma_wait3A_33] : memref<2x10000x120xf32, #tpu.memory_space<hbm>> -> memref<1x10000x120xf32, #tpu.memory_space<hbm>>
      %dma_wait3A_35 = tpu.memref_squeeze %dma_wait3A_34 : memref<1x10000x120xf32, #tpu.memory_space<hbm>> -> memref<10000x120xf32, #tpu.memory_space<hbm>>
      %dma_wait3A_36 = arith.constant 0 : i32
      %dma_wait3A_37 = tpu.memref_slice %dma_wait3A_35[%mul3A_24, %dma_wait3A_36] : memref<10000x120xf32, #tpu.memory_space<hbm>> -> memref<625x120xf32, #tpu.memory_space<hbm>>
      %dma_wait3A_38 = arith.constant 0 : i32
      %dma_wait3A_39 = tpu.memref_slice %arg10[%mul3A_22, %dma_wait3A_38] : memref<10016x120xf32, #tpu.memory_space<vmem_shared>> -> memref<625x120xf32, #tpu.memory_space<vmem_shared>>
      tpu.wait_dma2 semaphore(%run_scoped3A : memref<!tpu.dma_semaphore, #tpu.memory_space<semaphore_mem>>) src(%dma_wait3A_39 : memref<625x120xf32, #tpu.memory_space<vmem_shared>>) dst(%dma_wait3A_37 : memref<625x120xf32, #tpu.memory_space<hbm>>)
      tpu.yield
    }) : () -> ()
    return
  }
}

#map = affine_map<(d0, d1) -> (0, 0)>
#map1 = affine_map<(d0, d1) -> (0, 0, 0)>
module attributes {stable_mosaic.version = 14 : i64} {
  func.func @k(%arg0: i32, %arg1: i32, %arg2: memref<81920x120xf32, #tpu.memory_space<hbm>>, %arg3: memref<640x128xi32, #tpu.memory_space<hbm>>, %arg4: memref<640x128xi32, #tpu.memory_space<hbm>>, %arg5: memref<626x120xf32, #tpu.memory_space<hbm>>, %arg6: memref<2x10000x120xf32, #tpu.memory_space<hbm>>, %arg7: memref<40x128xi32, #tpu.memory_space<vmem>>, %arg8: memref<128x120xf32, #tpu.memory_space<vmem>>, %arg9: memref<128x120xf32, #tpu.memory_space<vmem>>, %arg10: memref<10016x120xf32, #tpu.memory_space<vmem_shared>>, %arg11: memref<!tpu.dma_semaphore, #tpu.memory_space<semaphore_mem>>, %arg12: memref<!tpu.dma_semaphore, #tpu.memory_space<semaphore_mem>>) attributes {dimension_semantics = [#tpu.dimension_semantics<core_parallel>, #tpu.dimension_semantics<subcore_parallel>], iteration_bounds = array<i64: 2, 16>, scalar_prefetch = 0 : i64, scratch_operands = 6 : i64, tpu.core_type = #tpu.core_type<sc_vector_subcore>, window_params = [{transform_indices = #map}, {transform_indices = #map}, {transform_indices = #map}, {transform_indices = #map}, {transform_indices = #map1}]} {
    %mul3A = arith.constant 40 : i32
    %mul3A_0 = arith.muli %arg1, %mul3A : i32
    %eq3A = arith.constant 0 : i32
    %eq3A_1 = arith.cmpi eq, %arg0, %eq3A : i32
    %convert_element_type3A = arith.extui %eq3A_1 : i1 to i32
    %cond3A = arith.constant 0 : i32
    %cond3A_2 = arith.cmpi ne, %convert_element_type3A, %cond3A : i32
    scf.if %cond3A_2 {
      "tpu.region"() ({
        %run_scoped3A = tpu.sem_alloc : memref<!tpu.dma_semaphore, #tpu.memory_space<semaphore_mem>>
        %dma_start3A_25 = arith.constant 0 : i32
        %dma_start3A_26 = tpu.memref_slice %arg3[%mul3A_0, %dma_start3A_25] : memref<640x128xi32, #tpu.memory_space<hbm>> -> memref<40x128xi32, #tpu.memory_space<hbm>>
        %dma_start3A_27 = arith.constant 0 : i32
        %dma_start3A_28 = tpu.memref_slice %arg3[%mul3A_0, %dma_start3A_27] : memref<640x128xi32, #tpu.memory_space<hbm>> -> memref<40x128xi32, #tpu.memory_space<hbm>>
        tpu.enqueue_dma source(%dma_start3A_28 : memref<40x128xi32, #tpu.memory_space<hbm>>) target(%arg7 : memref<40x128xi32, #tpu.memory_space<vmem>>) target_semaphore(%run_scoped3A : memref<!tpu.dma_semaphore, #tpu.memory_space<semaphore_mem>>)
        %dma_wait3A = arith.constant 0 : i32
        %dma_wait3A_29 = tpu.memref_slice %arg3[%mul3A_0, %dma_wait3A] : memref<640x128xi32, #tpu.memory_space<hbm>> -> memref<40x128xi32, #tpu.memory_space<hbm>>
        %dma_wait3A_30 = arith.constant 0 : i32
        %dma_wait3A_31 = tpu.memref_slice %arg3[%mul3A_0, %dma_wait3A_30] : memref<640x128xi32, #tpu.memory_space<hbm>> -> memref<40x128xi32, #tpu.memory_space<hbm>>
        tpu.wait_dma2 semaphore(%run_scoped3A : memref<!tpu.dma_semaphore, #tpu.memory_space<semaphore_mem>>) src(%dma_wait3A_31 : memref<40x128xi32, #tpu.memory_space<hbm>>) dst(%arg7 : memref<40x128xi32, #tpu.memory_space<vmem>>)
        tpu.yield
      }) : () -> ()
    } else {
    }
    %eq3A_3 = arith.constant 1 : i32
    %eq3A_4 = arith.cmpi eq, %arg0, %eq3A_3 : i32
    %convert_element_type3A_5 = arith.extui %eq3A_4 : i1 to i32
    %cond3A_6 = arith.constant 0 : i32
    %cond3A_7 = arith.cmpi ne, %convert_element_type3A_5, %cond3A_6 : i32
    scf.if %cond3A_7 {
      "tpu.region"() ({
        %run_scoped3A = tpu.sem_alloc : memref<!tpu.dma_semaphore, #tpu.memory_space<semaphore_mem>>
        %dma_start3A_25 = arith.constant 0 : i32
        %dma_start3A_26 = tpu.memref_slice %arg4[%mul3A_0, %dma_start3A_25] : memref<640x128xi32, #tpu.memory_space<hbm>> -> memref<40x128xi32, #tpu.memory_space<hbm>>
        %dma_start3A_27 = arith.constant 0 : i32
        %dma_start3A_28 = tpu.memref_slice %arg4[%mul3A_0, %dma_start3A_27] : memref<640x128xi32, #tpu.memory_space<hbm>> -> memref<40x128xi32, #tpu.memory_space<hbm>>
        tpu.enqueue_dma source(%dma_start3A_28 : memref<40x128xi32, #tpu.memory_space<hbm>>) target(%arg7 : memref<40x128xi32, #tpu.memory_space<vmem>>) target_semaphore(%run_scoped3A : memref<!tpu.dma_semaphore, #tpu.memory_space<semaphore_mem>>)
        %dma_wait3A = arith.constant 0 : i32
        %dma_wait3A_29 = tpu.memref_slice %arg4[%mul3A_0, %dma_wait3A] : memref<640x128xi32, #tpu.memory_space<hbm>> -> memref<40x128xi32, #tpu.memory_space<hbm>>
        %dma_wait3A_30 = arith.constant 0 : i32
        %dma_wait3A_31 = tpu.memref_slice %arg4[%mul3A_0, %dma_wait3A_30] : memref<640x128xi32, #tpu.memory_space<hbm>> -> memref<40x128xi32, #tpu.memory_space<hbm>>
        tpu.wait_dma2 semaphore(%run_scoped3A : memref<!tpu.dma_semaphore, #tpu.memory_space<semaphore_mem>>) src(%dma_wait3A_31 : memref<40x128xi32, #tpu.memory_space<hbm>>) dst(%arg7 : memref<40x128xi32, #tpu.memory_space<vmem>>)
        tpu.yield
      }) : () -> ()
    } else {
    }
    %mul3A_8 = arith.constant 626 : i32
    %mul3A_9 = arith.muli %arg1, %mul3A_8 : i32
    "tpu.region"() ({
      %run_scoped3A = tpu.sem_alloc : memref<!tpu.dma_semaphore, #tpu.memory_space<semaphore_mem>>
      %dma_start3A_25 = arith.constant 0 : i32
      %dma_start3A_26 = tpu.memref_slice %arg10[%mul3A_9, %dma_start3A_25] : memref<10016x120xf32, #tpu.memory_space<vmem_shared>> -> memref<626x120xf32, #tpu.memory_space<vmem_shared>>
      tpu.enqueue_dma source(%arg5 : memref<626x120xf32, #tpu.memory_space<hbm>>) target(%dma_start3A_26 : memref<626x120xf32, #tpu.memory_space<vmem_shared>>) target_semaphore(%run_scoped3A : memref<!tpu.dma_semaphore, #tpu.memory_space<semaphore_mem>>)
      %dma_wait3A = arith.constant 0 : i32
      %dma_wait3A_27 = tpu.memref_slice %arg10[%mul3A_9, %dma_wait3A] : memref<10016x120xf32, #tpu.memory_space<vmem_shared>> -> memref<626x120xf32, #tpu.memory_space<vmem_shared>>
      tpu.wait_dma2 semaphore(%run_scoped3A : memref<!tpu.dma_semaphore, #tpu.memory_space<semaphore_mem>>) src(%arg5 : memref<626x120xf32, #tpu.memory_space<hbm>>) dst(%dma_wait3A_27 : memref<626x120xf32, #tpu.memory_space<vmem_shared>>)
      tpu.yield
    }) : () -> ()
    %barrier3A = arith.constant 0 : index
    tpu.barrier barrier_id(%barrier3A)
    %add3A = arith.constant 0 : i32
    %add3A_10 = arith.addi %mul3A_0, %add3A : i32
    %mul3A_11 = arith.constant 128 : i32
    %mul3A_12 = arith.muli %add3A_10, %mul3A_11 : i32
    %dma_start3A = arith.constant 0 : i32
    %dma_start3A_13 = tpu.memref_slice %arg2[%mul3A_12, %dma_start3A] : memref<81920x120xf32, #tpu.memory_space<hbm>> -> memref<128x120xf32, #tpu.memory_space<hbm>>
    %dma_start3A_14 = arith.constant 0 : i32
    %dma_start3A_15 = tpu.memref_slice %arg2[%mul3A_12, %dma_start3A_14] : memref<81920x120xf32, #tpu.memory_space<hbm>> -> memref<128x120xf32, #tpu.memory_space<hbm>>
    tpu.enqueue_dma source(%dma_start3A_15 : memref<128x120xf32, #tpu.memory_space<hbm>>) target(%arg8 : memref<128x120xf32, #tpu.memory_space<vmem>>) target_semaphore(%arg11 : memref<!tpu.dma_semaphore, #tpu.memory_space<semaphore_mem>>)
    %scan3A = arith.constant 0 : i32
    %scan3A_16 = arith.constant 20 : i32
    %scan3A_17 = arith.addi %scan3A, %scan3A_16 : i32
    %scan3A_18 = arith.constant 1 : i32
    scf.for %scan3A_25 = %scan3A to %scan3A_17 step %scan3A_18  : i32 {
      %mul3A_26 = arith.constant 1 : i32
      %mul3A_27 = arith.muli %scan3A_25, %mul3A_26 : i32
      %add3A_28 = arith.constant 0 : i32
      %add3A_29 = arith.addi %add3A_28, %mul3A_27 : i32
      %mul3A_30 = arith.constant 2 : i32
      %mul3A_31 = arith.muli %mul3A_30, %add3A_29 : i32
      %add3A_32 = arith.constant 1 : i32
      %add3A_33 = arith.addi %mul3A_31, %add3A_32 : i32
      %add3A_34 = arith.addi %mul3A_0, %add3A_33 : i32
      %mul3A_35 = arith.constant 128 : i32
      %mul3A_36 = arith.muli %add3A_34, %mul3A_35 : i32
      %dma_start3A_37 = arith.constant 0 : i32
      %dma_start3A_38 = tpu.memref_slice %arg2[%mul3A_36, %dma_start3A_37] : memref<81920x120xf32, #tpu.memory_space<hbm>> -> memref<128x120xf32, #tpu.memory_space<hbm>>
      %dma_start3A_39 = arith.constant 0 : i32
      %dma_start3A_40 = tpu.memref_slice %arg2[%mul3A_36, %dma_start3A_39] : memref<81920x120xf32, #tpu.memory_space<hbm>> -> memref<128x120xf32, #tpu.memory_space<hbm>>
      tpu.enqueue_dma source(%dma_start3A_40 : memref<128x120xf32, #tpu.memory_space<hbm>>) target(%arg9 : memref<128x120xf32, #tpu.memory_space<vmem>>) target_semaphore(%arg12 : memref<!tpu.dma_semaphore, #tpu.memory_space<semaphore_mem>>)
      %dma_wait3A = arith.constant 0 : i32
      %dma_wait3A_41 = arith.constant 0 : i32
      %dma_wait3A_42 = tpu.memref_slice %arg2[%dma_wait3A, %dma_wait3A_41] : memref<81920x120xf32, #tpu.memory_space<hbm>> -> memref<128x120xf32, #tpu.memory_space<hbm>>
      %dma_wait3A_43 = arith.constant 0 : i32
      %dma_wait3A_44 = arith.constant 0 : i32
      %dma_wait3A_45 = tpu.memref_slice %arg2[%dma_wait3A_43, %dma_wait3A_44] : memref<81920x120xf32, #tpu.memory_space<hbm>> -> memref<128x120xf32, #tpu.memory_space<hbm>>
      tpu.wait_dma2 semaphore(%arg11 : memref<!tpu.dma_semaphore, #tpu.memory_space<semaphore_mem>>) src(%dma_wait3A_45 : memref<128x120xf32, #tpu.memory_space<hbm>>) dst(%arg8 : memref<128x120xf32, #tpu.memory_space<vmem>>)
      "tpu.region"() ({
        %run_scoped3A = tpu.sem_alloc : memref<!tpu.dma_semaphore, #tpu.memory_space<semaphore_mem>>
        %dma_start3A_58 = arith.constant 0 : i32
        %dma_start3A_59 = tpu.memref_slice %arg7[%mul3A_31, %dma_start3A_58] : memref<40x128xi32, #tpu.memory_space<vmem>> -> memref<1x128xi32, #tpu.memory_space<vmem>>
        %dma_start3A_60 = tpu.memref_squeeze %dma_start3A_59 : memref<1x128xi32, #tpu.memory_space<vmem>> -> memref<128xi32, #tpu.memory_space<vmem>>
        %dma_start3A_61 = arith.constant 0 : i32
        %dma_start3A_62 = arith.constant 0 : i32
        %dma_start3A_63 = tpu.memref_slice %arg10[%dma_start3A_61, %dma_start3A_62] : memref<10016x120xf32, #tpu.memory_space<vmem_shared>> -> memref<10016x120xf32, #tpu.memory_space<vmem_shared>>
        tpu.enqueue_indirect_dma source(%arg8 : memref<128x120xf32, #tpu.memory_space<vmem>>) target(%dma_start3A_63 : memref<10016x120xf32, #tpu.memory_space<vmem_shared>>) offsets(%dma_start3A_60 : memref<128xi32, #tpu.memory_space<vmem>>) semaphore(%run_scoped3A : memref<!tpu.dma_semaphore, #tpu.memory_space<semaphore_mem>>) {add = true}
        %dma_wait3A_64 = arith.constant 0 : i32
        %dma_wait3A_65 = tpu.memref_slice %arg7[%mul3A_31, %dma_wait3A_64] : memref<40x128xi32, #tpu.memory_space<vmem>> -> memref<1x128xi32, #tpu.memory_space<vmem>>
        %dma_wait3A_66 = tpu.memref_squeeze %dma_wait3A_65 : memref<1x128xi32, #tpu.memory_space<vmem>> -> memref<128xi32, #tpu.memory_space<vmem>>
        %dma_wait3A_67 = arith.constant 0 : i32
        %dma_wait3A_68 = arith.constant 0 : i32
        %dma_wait3A_69 = tpu.memref_slice %arg10[%dma_wait3A_67, %dma_wait3A_68] : memref<10016x120xf32, #tpu.memory_space<vmem_shared>> -> memref<10016x120xf32, #tpu.memory_space<vmem_shared>>
        tpu.wait_indirect_dma semaphore(%run_scoped3A : memref<!tpu.dma_semaphore, #tpu.memory_space<semaphore_mem>>) src(%arg8 : memref<128x120xf32, #tpu.memory_space<vmem>>) dst(%dma_wait3A_69 : memref<10016x120xf32, #tpu.memory_space<vmem_shared>>)
        tpu.yield
      }) : () -> ()
      %add3A_46 = arith.constant 2 : i32
      %add3A_47 = arith.addi %mul3A_31, %add3A_46 : i32
      %lt3A = arith.constant 40 : i32
      %lt3A_48 = arith.cmpi slt, %add3A_47, %lt3A : i32
      %convert_element_type3A_49 = arith.extui %lt3A_48 : i1 to i32
      %cond3A_50 = arith.constant 0 : i32
      %cond3A_51 = arith.cmpi ne, %convert_element_type3A_49, %cond3A_50 : i32
      scf.if %cond3A_51 {
        %add3A_58 = arith.constant 2 : i32
        %add3A_59 = arith.addi %mul3A_31, %add3A_58 : i32
        %add3A_60 = arith.addi %mul3A_0, %add3A_59 : i32
        %mul3A_61 = arith.constant 128 : i32
        %mul3A_62 = arith.muli %add3A_60, %mul3A_61 : i32
        %dma_start3A_63 = arith.constant 0 : i32
        %dma_start3A_64 = tpu.memref_slice %arg2[%mul3A_62, %dma_start3A_63] : memref<81920x120xf32, #tpu.memory_space<hbm>> -> memref<128x120xf32, #tpu.memory_space<hbm>>
        %dma_start3A_65 = arith.constant 0 : i32
        %dma_start3A_66 = tpu.memref_slice %arg2[%mul3A_62, %dma_start3A_65] : memref<81920x120xf32, #tpu.memory_space<hbm>> -> memref<128x120xf32, #tpu.memory_space<hbm>>
        tpu.enqueue_dma source(%dma_start3A_66 : memref<128x120xf32, #tpu.memory_space<hbm>>) target(%arg8 : memref<128x120xf32, #tpu.memory_space<vmem>>) target_semaphore(%arg11 : memref<!tpu.dma_semaphore, #tpu.memory_space<semaphore_mem>>)
      } else {
      }
      %dma_wait3A_52 = arith.constant 0 : i32
      %dma_wait3A_53 = arith.constant 0 : i32
      %dma_wait3A_54 = tpu.memref_slice %arg2[%dma_wait3A_52, %dma_wait3A_53] : memref<81920x120xf32, #tpu.memory_space<hbm>> -> memref<128x120xf32, #tpu.memory_space<hbm>>
      %dma_wait3A_55 = arith.constant 0 : i32
      %dma_wait3A_56 = arith.constant 0 : i32
      %dma_wait3A_57 = tpu.memref_slice %arg2[%dma_wait3A_55, %dma_wait3A_56] : memref<81920x120xf32, #tpu.memory_space<hbm>> -> memref<128x120xf32, #tpu.memory_space<hbm>>
      tpu.wait_dma2 semaphore(%arg12 : memref<!tpu.dma_semaphore, #tpu.memory_space<semaphore_mem>>) src(%dma_wait3A_57 : memref<128x120xf32, #tpu.memory_space<hbm>>) dst(%arg9 : memref<128x120xf32, #tpu.memory_space<vmem>>)
      "tpu.region"() ({
        %run_scoped3A = tpu.sem_alloc : memref<!tpu.dma_semaphore, #tpu.memory_space<semaphore_mem>>
        %dma_start3A_58 = arith.constant 0 : i32
        %dma_start3A_59 = tpu.memref_slice %arg7[%add3A_33, %dma_start3A_58] : memref<40x128xi32, #tpu.memory_space<vmem>> -> memref<1x128xi32, #tpu.memory_space<vmem>>
        %dma_start3A_60 = tpu.memref_squeeze %dma_start3A_59 : memref<1x128xi32, #tpu.memory_space<vmem>> -> memref<128xi32, #tpu.memory_space<vmem>>
        %dma_start3A_61 = arith.constant 0 : i32
        %dma_start3A_62 = arith.constant 0 : i32
        %dma_start3A_63 = tpu.memref_slice %arg10[%dma_start3A_61, %dma_start3A_62] : memref<10016x120xf32, #tpu.memory_space<vmem_shared>> -> memref<10016x120xf32, #tpu.memory_space<vmem_shared>>
        tpu.enqueue_indirect_dma source(%arg9 : memref<128x120xf32, #tpu.memory_space<vmem>>) target(%dma_start3A_63 : memref<10016x120xf32, #tpu.memory_space<vmem_shared>>) offsets(%dma_start3A_60 : memref<128xi32, #tpu.memory_space<vmem>>) semaphore(%run_scoped3A : memref<!tpu.dma_semaphore, #tpu.memory_space<semaphore_mem>>) {add = true}
        %dma_wait3A_64 = arith.constant 0 : i32
        %dma_wait3A_65 = tpu.memref_slice %arg7[%add3A_33, %dma_wait3A_64] : memref<40x128xi32, #tpu.memory_space<vmem>> -> memref<1x128xi32, #tpu.memory_space<vmem>>
        %dma_wait3A_66 = tpu.memref_squeeze %dma_wait3A_65 : memref<1x128xi32, #tpu.memory_space<vmem>> -> memref<128xi32, #tpu.memory_space<vmem>>
        %dma_wait3A_67 = arith.constant 0 : i32
        %dma_wait3A_68 = arith.constant 0 : i32
        %dma_wait3A_69 = tpu.memref_slice %arg10[%dma_wait3A_67, %dma_wait3A_68] : memref<10016x120xf32, #tpu.memory_space<vmem_shared>> -> memref<10016x120xf32, #tpu.memory_space<vmem_shared>>
        tpu.wait_indirect_dma semaphore(%run_scoped3A : memref<!tpu.dma_semaphore, #tpu.memory_space<semaphore_mem>>) src(%arg9 : memref<128x120xf32, #tpu.memory_space<vmem>>) dst(%dma_wait3A_69 : memref<10016x120xf32, #tpu.memory_space<vmem_shared>>)
        tpu.yield
      }) : () -> ()
    }
    %scan3A_19 = arith.constant 20 : i32
    %barrier3A_20 = arith.constant 0 : index
    tpu.barrier barrier_id(%barrier3A_20)
    %mul3A_21 = arith.constant 625 : i32
    %mul3A_22 = arith.muli %arg1, %mul3A_21 : i32
    %mul3A_23 = arith.constant 625 : i32
    %mul3A_24 = arith.muli %arg1, %mul3A_23 : i32
    "tpu.region"() ({
      %run_scoped3A = tpu.sem_alloc : memref<!tpu.dma_semaphore, #tpu.memory_space<semaphore_mem>>
      %dma_start3A_25 = arith.constant 0 : i32
      %dma_start3A_26 = arith.constant 0 : i32
      %dma_start3A_27 = tpu.memref_slice %arg6[%arg0, %dma_start3A_25, %dma_start3A_26] : memref<2x10000x120xf32, #tpu.memory_space<hbm>> -> memref<1x10000x120xf32, #tpu.memory_space<hbm>>
      %dma_start3A_28 = tpu.memref_squeeze %dma_start3A_27 : memref<1x10000x120xf32, #tpu.memory_space<hbm>> -> memref<10000x120xf32, #tpu.memory_space<hbm>>
      %dma_start3A_29 = arith.constant 0 : i32
      %dma_start3A_30 = tpu.memref_slice %dma_start3A_28[%mul3A_24, %dma_start3A_29] : memref<10000x120xf32, #tpu.memory_space<hbm>> -> memref<625x120xf32, #tpu.memory_space<hbm>>
      %dma_start3A_31 = arith.constant 0 : i32
      %dma_start3A_32 = tpu.memref_slice %arg10[%mul3A_22, %dma_start3A_31] : memref<10016x120xf32, #tpu.memory_space<vmem_shared>> -> memref<625x120xf32, #tpu.memory_space<vmem_shared>>
      tpu.enqueue_dma source(%dma_start3A_32 : memref<625x120xf32, #tpu.memory_space<vmem_shared>>) target(%dma_start3A_30 : memref<625x120xf32, #tpu.memory_space<hbm>>) target_semaphore(%run_scoped3A : memref<!tpu.dma_semaphore, #tpu.memory_space<semaphore_mem>>)
      %dma_wait3A = arith.constant 0 : i32
      %dma_wait3A_33 = arith.constant 0 : i32
      %dma_wait3A_34 = tpu.memref_slice %arg6[%arg0, %dma_wait3A, %dma_wait3A_33] : memref<2x10000x120xf32, #tpu.memory_space<hbm>> -> memref<1x10000x120xf32, #tpu.memory_space<hbm>>
      %dma_wait3A_35 = tpu.memref_squeeze %dma_wait3A_34 : memref<1x10000x120xf32, #tpu.memory_space<hbm>> -> memref<10000x120xf32, #tpu.memory_space<hbm>>
      %dma_wait3A_36 = arith.constant 0 : i32
      %dma_wait3A_37 = tpu.memref_slice %dma_wait3A_35[%mul3A_24, %dma_wait3A_36] : memref<10000x120xf32, #tpu.memory_space<hbm>> -> memref<625x120xf32, #tpu.memory_space<hbm>>
      %dma_wait3A_38 = arith.constant 0 : i32
      %dma_wait3A_39 = tpu.memref_slice %arg10[%mul3A_22, %dma_wait3A_38] : memref<10016x120xf32, #tpu.memory_space<vmem_shared>> -> memref<625x120xf32, #tpu.memory_space<vmem_shared>>
      tpu.wait_dma2 semaphore(%run_scoped3A : memref<!tpu.dma_semaphore, #tpu.memory_space<semaphore_mem>>) src(%dma_wait3A_39 : memref<625x120xf32, #tpu.memory_space<vmem_shared>>) dst(%dma_wait3A_37 : memref<625x120xf32, #tpu.memory_space<hbm>>)
      tpu.yield
    }) : () -> ()
    return
  }
}

module attributes {stable_mosaic.version = 14 : i64} {
  func.func @_stats_body(%arg0: memref<1250x128xf32, #tpu.memory_space<vmem>>, %arg1: memref<1250x128xf32, #tpu.memory_space<vmem>>, %arg2: memref<8x128xf32, #tpu.memory_space<vmem>>) attributes {dimension_semantics = [], scalar_prefetch = 0 : i64, scratch_operands = 0 : i64, tpu.core_type = #tpu.core_type<tc>} {
    %get3A = arith.constant 0 : index
    %get3A_0 = arith.constant 0 : index
    %get3A_1 = vector.load %arg0[%get3A, %get3A_0] : memref<1250x128xf32, #tpu.memory_space<vmem>>, vector<1250x128xf32>
    %get3A_2 = arith.constant 0 : index
    %get3A_3 = arith.constant 0 : index
    %get3A_4 = vector.load %arg1[%get3A_2, %get3A_3] : memref<1250x128xf32, #tpu.memory_space<vmem>>, vector<1250x128xf32>
    %reduce_sum3A = vector.shape_cast %get3A_1 : vector<1250x128xf32> to vector<1x1250x128xf32>
    %reduce_sum3A_5 = arith.constant dense<0.000000e+00> : vector<1xf32>
    %reduce_sum3A_6 = vector.multi_reduction <add>, %reduce_sum3A, %reduce_sum3A_5 [1, 2] : vector<1x1250x128xf32> to vector<1xf32>
    %reduce_sum3A_7 = vector.shape_cast %reduce_sum3A_6 : vector<1xf32> to vector<1x1x1xf32>
    %reduce_sum3A_8 = vector.extract %reduce_sum3A_7[0, 0, 0] : f32 from vector<1x1x1xf32>
    %mul3A = arith.mulf %get3A_1, %get3A_1 : vector<1250x128xf32>
    %reduce_sum3A_9 = vector.shape_cast %mul3A : vector<1250x128xf32> to vector<1x1250x128xf32>
    %reduce_sum3A_10 = arith.constant dense<0.000000e+00> : vector<1xf32>
    %reduce_sum3A_11 = vector.multi_reduction <add>, %reduce_sum3A_9, %reduce_sum3A_10 [1, 2] : vector<1x1250x128xf32> to vector<1xf32>
    %reduce_sum3A_12 = vector.shape_cast %reduce_sum3A_11 : vector<1xf32> to vector<1x1x1xf32>
    %reduce_sum3A_13 = vector.extract %reduce_sum3A_12[0, 0, 0] : f32 from vector<1x1x1xf32>
    %reduce_sum3A_14 = vector.shape_cast %get3A_4 : vector<1250x128xf32> to vector<1x1250x128xf32>
    %reduce_sum3A_15 = arith.constant dense<0.000000e+00> : vector<1xf32>
    %reduce_sum3A_16 = vector.multi_reduction <add>, %reduce_sum3A_14, %reduce_sum3A_15 [1, 2] : vector<1x1250x128xf32> to vector<1xf32>
    %reduce_sum3A_17 = vector.shape_cast %reduce_sum3A_16 : vector<1xf32> to vector<1x1x1xf32>
    %reduce_sum3A_18 = vector.extract %reduce_sum3A_17[0, 0, 0] : f32 from vector<1x1x1xf32>
    %mul3A_19 = arith.mulf %get3A_4, %get3A_4 : vector<1250x128xf32>
    %reduce_sum3A_20 = vector.shape_cast %mul3A_19 : vector<1250x128xf32> to vector<1x1250x128xf32>
    %reduce_sum3A_21 = arith.constant dense<0.000000e+00> : vector<1xf32>
    %reduce_sum3A_22 = vector.multi_reduction <add>, %reduce_sum3A_20, %reduce_sum3A_21 [1, 2] : vector<1x1250x128xf32> to vector<1xf32>
    %reduce_sum3A_23 = vector.shape_cast %reduce_sum3A_22 : vector<1xf32> to vector<1x1x1xf32>
    %reduce_sum3A_24 = vector.extract %reduce_sum3A_23[0, 0, 0] : f32 from vector<1x1x1xf32>
    %div3A = arith.constant 1.600000e+05 : f32
    %div3A_25 = arith.divf %reduce_sum3A_8, %div3A : f32
    %div3A_26 = arith.constant 1.600000e+05 : f32
    %div3A_27 = arith.divf %reduce_sum3A_18, %div3A_26 : f32
    %mul3A_28 = arith.mulf %reduce_sum3A_8, %div3A_25 : f32
    %sub3A = arith.subf %reduce_sum3A_13, %mul3A_28 : f32
    %div3A_29 = arith.constant 1.599990e+05 : f32
    %div3A_30 = arith.divf %sub3A, %div3A_29 : f32
    %rsqrt3A = math.rsqrt %div3A_30 : f32
    %mul3A_31 = arith.mulf %reduce_sum3A_18, %div3A_27 : f32
    %sub3A_32 = arith.subf %reduce_sum3A_24, %mul3A_31 : f32
    %div3A_33 = arith.constant 1.599990e+05 : f32
    %div3A_34 = arith.divf %sub3A_32, %div3A_33 : f32
    %rsqrt3A_35 = math.rsqrt %div3A_34 : f32
    %iota3A = tpu.iota {dimensions = array<i32: 0>} : vector<8x128xi32>
    %iota3A_36 = tpu.iota {dimensions = array<i32: 1>} : vector<8x128xi32>
    %eq3A = arith.constant 0 : i32
    %eq3A_37 = vector.broadcast %eq3A : i32 to vector<8x128xi32>
    %eq3A_38 = arith.cmpi eq, %iota3A, %eq3A_37 : vector<8x128xi32>
    %eq3A_39 = arith.constant 0 : i32
    %eq3A_40 = vector.broadcast %eq3A_39 : i32 to vector<8x128xi32>
    %eq3A_41 = arith.cmpi eq, %iota3A_36, %eq3A_40 : vector<8x128xi32>
    %and3A = arith.andi %eq3A_38, %eq3A_41 : vector<8x128xi1>
    %jit3A = arith.constant 0.000000e+00 : f32
    %broadcast_in_dim3A = vector.broadcast %div3A_25 : f32 to vector<8x128xf32>
    %broadcast_in_dim3A_42 = vector.broadcast %jit3A : f32 to vector<8x128xf32>
    %select_n3A = arith.select %and3A, %broadcast_in_dim3A, %broadcast_in_dim3A_42 : vector<8x128xi1>, vector<8x128xf32>
    %eq3A_43 = arith.constant 0 : i32
    %eq3A_44 = vector.broadcast %eq3A_43 : i32 to vector<8x128xi32>
    %eq3A_45 = arith.cmpi eq, %iota3A, %eq3A_44 : vector<8x128xi32>
    %eq3A_46 = arith.constant 1 : i32
    %eq3A_47 = vector.broadcast %eq3A_46 : i32 to vector<8x128xi32>
    %eq3A_48 = arith.cmpi eq, %iota3A_36, %eq3A_47 : vector<8x128xi32>
    %and3A_49 = arith.andi %eq3A_45, %eq3A_48 : vector<8x128xi1>
    %jit3A_50 = arith.constant 0.000000e+00 : f32
    %broadcast_in_dim3A_51 = vector.broadcast %div3A_27 : f32 to vector<8x128xf32>
    %broadcast_in_dim3A_52 = vector.broadcast %jit3A_50 : f32 to vector<8x128xf32>
    %select_n3A_53 = arith.select %and3A_49, %broadcast_in_dim3A_51, %broadcast_in_dim3A_52 : vector<8x128xi1>, vector<8x128xf32>
    %add3A = arith.addf %select_n3A, %select_n3A_53 : vector<8x128xf32>
    %eq3A_54 = arith.constant 1 : i32
    %eq3A_55 = vector.broadcast %eq3A_54 : i32 to vector<8x128xi32>
    %eq3A_56 = arith.cmpi eq, %iota3A, %eq3A_55 : vector<8x128xi32>
    %eq3A_57 = arith.constant 0 : i32
    %eq3A_58 = vector.broadcast %eq3A_57 : i32 to vector<8x128xi32>
    %eq3A_59 = arith.cmpi eq, %iota3A_36, %eq3A_58 : vector<8x128xi32>
    %and3A_60 = arith.andi %eq3A_56, %eq3A_59 : vector<8x128xi1>
    %jit3A_61 = arith.constant 0.000000e+00 : f32
    %broadcast_in_dim3A_62 = vector.broadcast %rsqrt3A : f32 to vector<8x128xf32>
    %broadcast_in_dim3A_63 = vector.broadcast %jit3A_61 : f32 to vector<8x128xf32>
    %select_n3A_64 = arith.select %and3A_60, %broadcast_in_dim3A_62, %broadcast_in_dim3A_63 : vector<8x128xi1>, vector<8x128xf32>
    %add3A_65 = arith.addf %add3A, %select_n3A_64 : vector<8x128xf32>
    %eq3A_66 = arith.constant 1 : i32
    %eq3A_67 = vector.broadcast %eq3A_66 : i32 to vector<8x128xi32>
    %eq3A_68 = arith.cmpi eq, %iota3A, %eq3A_67 : vector<8x128xi32>
    %eq3A_69 = arith.constant 1 : i32
    %eq3A_70 = vector.broadcast %eq3A_69 : i32 to vector<8x128xi32>
    %eq3A_71 = arith.cmpi eq, %iota3A_36, %eq3A_70 : vector<8x128xi32>
    %and3A_72 = arith.andi %eq3A_68, %eq3A_71 : vector<8x128xi1>
    %jit3A_73 = arith.constant 0.000000e+00 : f32
    %broadcast_in_dim3A_74 = vector.broadcast %rsqrt3A_35 : f32 to vector<8x128xf32>
    %broadcast_in_dim3A_75 = vector.broadcast %jit3A_73 : f32 to vector<8x128xf32>
    %select_n3A_76 = arith.select %and3A_72, %broadcast_in_dim3A_74, %broadcast_in_dim3A_75 : vector<8x128xi1>, vector<8x128xf32>
    %add3A_77 = arith.addf %add3A_65, %select_n3A_76 : vector<8x128xf32>
    %swap3A = arith.constant 0 : index
    %swap3A_78 = arith.constant 0 : index
    %swap3A_79 = vector.load %arg2[%swap3A, %swap3A_78] : memref<8x128xf32, #tpu.memory_space<vmem>>, vector<8x128xf32>
    tpu.vector_store %arg2[%swap3A, %swap3A_78], %add3A_77 {strides = array<i32>} : memref<8x128xf32, #tpu.memory_space<vmem>>, vector<8x128xf32>,
    return
  }
}

module attributes {stable_mosaic.version = 14 : i64} {
  func.func @_edge_body(%arg0: i32, %arg1: memref<4096x64xf32, #tpu.memory_space<vmem>>, %arg2: memref<4096x64xf32, #tpu.memory_space<vmem>>, %arg3: memref<4096x2xf32, #tpu.memory_space<vmem>>, %arg4: memref<8x128xf32, #tpu.memory_space<vmem>>, %arg5: memref<1x128xf32, #tpu.memory_space<vmem>>, %arg6: memref<64x8xf32, #tpu.memory_space<vmem>>, %arg7: memref<64x128xbf16, #tpu.memory_space<vmem>>, %arg8: memref<64x128xbf16, #tpu.memory_space<vmem>>, %arg9: memref<8x128xf32, #tpu.memory_space<vmem>>, %arg10: memref<128x120xbf16, #tpu.memory_space<vmem>>, %arg11: memref<1x120xf32, #tpu.memory_space<vmem>>, %arg12: memref<4096x120xf32, #tpu.memory_space<vmem>>) attributes {dimension_semantics = [#tpu.dimension_semantics<arbitrary>], iteration_bounds = array<i64: 20>, scalar_prefetch = 0 : i64, scratch_operands = 0 : i64, tpu.core_type = #tpu.core_type<tc>, window_params = [{transform_indices = @transform_0, window_bounds = array<i64: 4096, 64>}, {transform_indices = @transform_1, window_bounds = array<i64: 4096, 64>}, {transform_indices = @transform_2, window_bounds = array<i64: 4096, 2>}, {pipeline_mode = #tpu.pipeline_mode<synchronous>, transform_indices = @transform_3, window_bounds = array<i64: 8, 128>}, {pipeline_mode = #tpu.pipeline_mode<synchronous>, transform_indices = @transform_4, window_bounds = array<i64: 1, 128>}, {pipeline_mode = #tpu.pipeline_mode<synchronous>, transform_indices = @transform_5, window_bounds = array<i64: 64, 8>}, {pipeline_mode = #tpu.pipeline_mode<synchronous>, transform_indices = @transform_6, window_bounds = array<i64: 64, 128>}, {pipeline_mode = #tpu.pipeline_mode<synchronous>, transform_indices = @transform_7, window_bounds = array<i64: 64, 128>}, {pipeline_mode = #tpu.pipeline_mode<synchronous>, transform_indices = @transform_8, window_bounds = array<i64: 8, 128>}, {pipeline_mode = #tpu.pipeline_mode<synchronous>, transform_indices = @transform_9, window_bounds = array<i64: 128, 120>}, {pipeline_mode = #tpu.pipeline_mode<synchronous>, transform_indices = @transform_10, window_bounds = array<i64: 1, 120>}, {transform_indices = @transform_11, window_bounds = array<i64: 4096, 120>}]} {
    %get3A = arith.constant 0 : index
    %get3A_0 = arith.constant 0 : index
    %get3A_1 = vector.load %arg1[%get3A, %get3A_0] : memref<4096x64xf32, #tpu.memory_space<vmem>>, vector<4096x64xf32>
    %get3A_2 = arith.constant 0 : index
    %get3A_3 = arith.constant 0 : index
    %get3A_4 = vector.load %arg2[%get3A_2, %get3A_3] : memref<4096x64xf32, #tpu.memory_space<vmem>>, vector<4096x64xf32>
    %get3A_5 = arith.constant 0 : index
    %get3A_6 = arith.constant 0 : index
    %get3A_7 = vector.load %arg3[%get3A_5, %get3A_6] : memref<4096x2xf32, #tpu.memory_space<vmem>>, vector<4096x2xf32>
    %get3A_8 = arith.constant 0 : index
    %get3A_9 = arith.constant 0 : index
    %get3A_10 = vector.load %arg6[%get3A_8, %get3A_9] : memref<64x8xf32, #tpu.memory_space<vmem>>, vector<64x8xf32>
    %dot_general3A = arith.constant dense<0.000000e+00> : vector<4096x8xf32>
    %dot_general3A_11 = tpu.matmul %get3A_1, %get3A_10, %dot_general3A {dimension_numbers = #tpu.dot_dimension_numbers<[1], [0], [0], [1], [0, 0, 1, 1], [], []>, transpose_lhs_hint = false} : vector<4096x64xf32>, vector<64x8xf32>, vector<4096x8xf32> -> vector<4096x8xf32>
    %get3A_12 = arith.constant 0 : index
    %get3A_13 = arith.constant 0 : index
    %get3A_14 = vector.load %arg5[%get3A_12, %get3A_13] : memref<1x128xf32, #tpu.memory_space<vmem>>, vector<1x1xf32>
    %get3A_15 = arith.constant 0 : index
    %get3A_16 = arith.constant 1 : index
    %get3A_17 = vector.load %arg5[%get3A_15, %get3A_16] : memref<1x128xf32, #tpu.memory_space<vmem>>, vector<1x1xf32>
    %get3A_18 = arith.constant 0 : index
    %get3A_19 = arith.constant 2 : index
    %get3A_20 = vector.load %arg5[%get3A_18, %get3A_19] : memref<1x128xf32, #tpu.memory_space<vmem>>, vector<1x1xf32>
    %get3A_21 = arith.constant 0 : index
    %get3A_22 = arith.constant 3 : index
    %get3A_23 = vector.load %arg5[%get3A_21, %get3A_22] : memref<1x128xf32, #tpu.memory_space<vmem>>, vector<1x1xf32>
    %slice3A = vector.extract_strided_slice %dot_general3A_11 {offsets = [0, 0], sizes = [4096, 4], strides = [1, 1]} : vector<4096x8xf32> to vector<4096x4xf32>
    %mul3A = vector.broadcast %get3A_20 : vector<1x1xf32> to vector<4096x4xf32>
    %mul3A_24 = arith.mulf %slice3A, %mul3A : vector<4096x4xf32>
    %add3A = vector.broadcast %get3A_14 : vector<1x1xf32> to vector<4096x4xf32>
    %add3A_25 = arith.addf %mul3A_24, %add3A : vector<4096x4xf32>
    %slice3A_26 = vector.extract_strided_slice %dot_general3A_11 {offsets = [0, 4], sizes = [4096, 4], strides = [1, 1]} : vector<4096x8xf32> to vector<4096x4xf32>
    %mul3A_27 = vector.broadcast %get3A_23 : vector<1x1xf32> to vector<4096x4xf32>
    %mul3A_28 = arith.mulf %slice3A_26, %mul3A_27 : vector<4096x4xf32>
    %add3A_29 = vector.broadcast %get3A_17 : vector<1x1xf32> to vector<4096x4xf32>
    %add3A_30 = arith.addf %mul3A_28, %add3A_29 : vector<4096x4xf32>
    %slice3A_31 = vector.extract_strided_slice %get3A_7 {offsets = [0, 0], sizes = [4096, 1], strides = [1, 1]} : vector<4096x2xf32> to vector<4096x1xf32>
    %slice3A_32 = vector.extract_strided_slice %get3A_7 {offsets = [0, 1], sizes = [4096, 1], strides = [1, 1]} : vector<4096x2xf32> to vector<4096x1xf32>
    %mul3A_33 = arith.constant 3.000000e+00 : f32
    %mul3A_34 = vector.broadcast %mul3A_33 : f32 to vector<4096x4xf32>
    %mul3A_35 = arith.mulf %mul3A_34, %add3A_25 : vector<4096x4xf32>
    %sub3A = vector.broadcast %slice3A_32 : vector<4096x1xf32> to vector<4096x4xf32>
    %sub3A_36 = arith.subf %sub3A, %add3A_30 : vector<4096x4xf32>
    %abs3A = math.absf %sub3A_36 : vector<4096x4xf32>
    %cos3A = math.cos %abs3A : vector<4096x4xf32>
    %mul3A_37 = arith.mulf %mul3A_35, %cos3A : vector<4096x4xf32>
    %div3A = vector.broadcast %slice3A_31 : vector<4096x1xf32> to vector<4096x4xf32>
    %div3A_38 = arith.divf %mul3A_37, %div3A : vector<4096x4xf32>
    %max3A = arith.constant 0.000000e+00 : f32
    %max3A_39 = vector.broadcast %max3A : f32 to vector<4096x4xf32>
    %max3A_40 = arith.maximumf %div3A_38, %max3A_39 : vector<4096x4xf32>
    %get3A_41 = arith.constant 1 : index
    %get3A_42 = arith.constant 0 : index
    %get3A_43 = vector.load %arg4[%get3A_41, %get3A_42] : memref<8x128xf32, #tpu.memory_space<vmem>>, vector<1x1xf32>
    %get3A_44 = arith.constant 1 : index
    %get3A_45 = arith.constant 1 : index
    %get3A_46 = vector.load %arg4[%get3A_44, %get3A_45] : memref<8x128xf32, #tpu.memory_space<vmem>>, vector<1x1xf32>
    %get3A_47 = arith.constant 0 : index
    %get3A_48 = arith.constant 0 : index
    %get3A_49 = vector.load %arg4[%get3A_47, %get3A_48] : memref<8x128xf32, #tpu.memory_space<vmem>>, vector<1x1xf32>
    %mul3A_50 = arith.mulf %get3A_49, %get3A_43 : vector<1x1xf32>
    %get3A_51 = arith.constant 0 : index
    %get3A_52 = arith.constant 1 : index
    %get3A_53 = vector.load %arg4[%get3A_51, %get3A_52] : memref<8x128xf32, #tpu.memory_space<vmem>>, vector<1x1xf32>
    %mul3A_54 = arith.mulf %get3A_53, %get3A_46 : vector<1x1xf32>
    %get3A_55 = arith.constant 0 : index
    %get3A_56 = arith.constant 0 : index
    %get3A_57 = vector.load %arg9[%get3A_55, %get3A_56] : memref<8x128xf32, #tpu.memory_space<vmem>>, vector<1x128xf32>
    %mul3A_58 = vector.broadcast %get3A_43 : vector<1x1xf32> to vector<1x128xf32>
    %mul3A_59 = arith.mulf %get3A_57, %mul3A_58 : vector<1x128xf32>
    %get3A_60 = arith.constant 1 : index
    %get3A_61 = arith.constant 0 : index
    %get3A_62 = vector.load %arg9[%get3A_60, %get3A_61] : memref<8x128xf32, #tpu.memory_space<vmem>>, vector<1x128xf32>
    %mul3A_63 = vector.broadcast %get3A_46 : vector<1x1xf32> to vector<1x128xf32>
    %mul3A_64 = arith.mulf %get3A_62, %mul3A_63 : vector<1x128xf32>
    %get3A_65 = arith.constant 6 : index
    %get3A_66 = arith.constant 0 : index
    %get3A_67 = vector.load %arg9[%get3A_65, %get3A_66] : memref<8x128xf32, #tpu.memory_space<vmem>>, vector<1x128xf32>
    %get3A_68 = arith.constant 0 : index
    %get3A_69 = arith.constant 0 : index
    %get3A_70 = vector.load %arg9[%get3A_68, %get3A_69] : memref<8x128xf32, #tpu.memory_space<vmem>>, vector<1x128xf32>
    %mul3A_71 = vector.broadcast %mul3A_50 : vector<1x1xf32> to vector<1x128xf32>
    %mul3A_72 = arith.mulf %get3A_70, %mul3A_71 : vector<1x128xf32>
    %sub3A_73 = arith.subf %get3A_67, %mul3A_72 : vector<1x128xf32>
    %get3A_74 = arith.constant 1 : index
    %get3A_75 = arith.constant 0 : index
    %get3A_76 = vector.load %arg9[%get3A_74, %get3A_75] : memref<8x128xf32, #tpu.memory_space<vmem>>, vector<1x128xf32>
    %mul3A_77 = vector.broadcast %mul3A_54 : vector<1x1xf32> to vector<1x128xf32>
    %mul3A_78 = arith.mulf %get3A_76, %mul3A_77 : vector<1x128xf32>
    %sub3A_79 = arith.subf %sub3A_73, %mul3A_78 : vector<1x128xf32>
    %get3A_80 = arith.constant 2 : index
    %get3A_81 = arith.constant 0 : index
    %get3A_82 = vector.load %arg9[%get3A_80, %get3A_81] : memref<8x128xf32, #tpu.memory_space<vmem>>, vector<4x128xf32>
    %concatenate3A = tpu.concatenate %mul3A_59, %mul3A_64, %get3A_82, %sub3A_79 in 0 : vector<1x128xf32>, vector<1x128xf32>, vector<4x128xf32>, vector<1x128xf32> -> vector<7x128xf32>
    %broadcast_in_dim3A = arith.constant 1.000000e+00 : f32
    %broadcast_in_dim3A_83 = vector.broadcast %broadcast_in_dim3A : f32 to vector<4096x1xf32>
    %concatenate3A_84 = tpu.concatenate %get3A_7, %max3A_40, %broadcast_in_dim3A_83 in 1 : vector<4096x2xf32>, vector<4096x4xf32>, vector<4096x1xf32> -> vector<4096x7xf32>
    %convert_element_type3A = arith.truncf %get3A_1 : vector<4096x64xf32> to vector<4096x64xbf16>
    %get3A_85 = arith.constant 0 : index
    %get3A_86 = arith.constant 0 : index
    %get3A_87 = vector.load %arg7[%get3A_85, %get3A_86] : memref<64x128xbf16, #tpu.memory_space<vmem>>, vector<64x128xbf16>
    %dot_general3A_88 = arith.constant dense<0.000000e+00> : vector<4096x128xf32>
    %dot_general3A_89 = tpu.matmul %convert_element_type3A, %get3A_87, %dot_general3A_88 {dimension_numbers = #tpu.dot_dimension_numbers<[1], [0], [0], [1], [0, 0, 1, 1], [], []>, transpose_lhs_hint = false} : vector<4096x64xbf16>, vector<64x128xbf16>, vector<4096x128xf32> -> vector<4096x128xf32>
    %convert_element_type3A_90 = arith.truncf %get3A_4 : vector<4096x64xf32> to vector<4096x64xbf16>
    %get3A_91 = arith.constant 0 : index
    %get3A_92 = arith.constant 0 : index
    %get3A_93 = vector.load %arg8[%get3A_91, %get3A_92] : memref<64x128xbf16, #tpu.memory_space<vmem>>, vector<64x128xbf16>
    %dot_general3A_94 = arith.constant dense<0.000000e+00> : vector<4096x128xf32>
    %dot_general3A_95 = tpu.matmul %convert_element_type3A_90, %get3A_93, %dot_general3A_94 {dimension_numbers = #tpu.dot_dimension_numbers<[1], [0], [0], [1], [0, 0, 1, 1], [], []>, transpose_lhs_hint = false} : vector<4096x64xbf16>, vector<64x128xbf16>, vector<4096x128xf32> -> vector<4096x128xf32>
    %add3A_96 = arith.addf %dot_general3A_89, %dot_general3A_95 : vector<4096x128xf32>
    %dot_general3A_97 = arith.constant dense<0.000000e+00> : vector<4096x128xf32>
    %dot_general3A_98 = tpu.matmul %concatenate3A_84, %concatenate3A, %dot_general3A_97 {dimension_numbers = #tpu.dot_dimension_numbers<[1], [0], [0], [1], [0, 0, 1, 1], [], []>, transpose_lhs_hint = false} : vector<4096x7xf32>, vector<7x128xf32>, vector<4096x128xf32> -> vector<4096x128xf32>
    %add3A_99 = arith.addf %add3A_96, %dot_general3A_98 : vector<4096x128xf32>
    %mul3A_100 = arith.constant 5.000000e-01 : f32
    %mul3A_101 = vector.broadcast %mul3A_100 : f32 to vector<4096x128xf32>
    %mul3A_102 = arith.mulf %mul3A_101, %add3A_99 : vector<4096x128xf32>
    %tanh3A = math.tanh %mul3A_102 : vector<4096x128xf32>
    %mul3A_103 = arith.constant 5.000000e-01 : f32
    %mul3A_104 = vector.broadcast %mul3A_103 : f32 to vector<4096x128xf32>
    %mul3A_105 = arith.mulf %mul3A_104, %tanh3A : vector<4096x128xf32>
    %add3A_106 = arith.constant 5.000000e-01 : f32
    %add3A_107 = vector.broadcast %add3A_106 : f32 to vector<4096x128xf32>
    %add3A_108 = arith.addf %mul3A_105, %add3A_107 : vector<4096x128xf32>
    %convert_element_type3A_109 = arith.truncf %add3A_108 : vector<4096x128xf32> to vector<4096x128xbf16>
    %get3A_110 = arith.constant 0 : index
    %get3A_111 = arith.constant 0 : index
    %get3A_112 = vector.load %arg10[%get3A_110, %get3A_111] : memref<128x120xbf16, #tpu.memory_space<vmem>>, vector<128x120xbf16>
    %dot_general3A_113 = arith.constant dense<0.000000e+00> : vector<4096x120xf32>
    %dot_general3A_114 = tpu.matmul %convert_element_type3A_109, %get3A_112, %dot_general3A_113 {dimension_numbers = #tpu.dot_dimension_numbers<[1], [0], [0], [1], [0, 0, 1, 1], [], []>, transpose_lhs_hint = false} : vector<4096x128xbf16>, vector<128x120xbf16>, vector<4096x120xf32> -> vector<4096x120xf32>
    %get3A_115 = arith.constant 0 : index
    %get3A_116 = arith.constant 0 : index
    %get3A_117 = vector.load %arg11[%get3A_115, %get3A_116] : memref<1x120xf32, #tpu.memory_space<vmem>>, vector<1x120xf32>
    %add3A_118 = vector.broadcast %get3A_117 : vector<1x120xf32> to vector<4096x120xf32>
    %add3A_119 = arith.addf %dot_general3A_114, %add3A_118 : vector<4096x120xf32>
    %mul3A_120 = arith.constant 5.000000e-01 : f32
    %mul3A_121 = vector.broadcast %mul3A_120 : f32 to vector<4096x120xf32>
    %mul3A_122 = arith.mulf %mul3A_121, %add3A_119 : vector<4096x120xf32>
    %tanh3A_123 = math.tanh %mul3A_122 : vector<4096x120xf32>
    %mul3A_124 = arith.constant 5.000000e-01 : f32
    %mul3A_125 = vector.broadcast %mul3A_124 : f32 to vector<4096x120xf32>
    %mul3A_126 = arith.mulf %mul3A_125, %tanh3A_123 : vector<4096x120xf32>
    %add3A_127 = arith.constant 5.000000e-01 : f32
    %add3A_128 = vector.broadcast %add3A_127 : f32 to vector<4096x120xf32>
    %add3A_129 = arith.addf %mul3A_126, %add3A_128 : vector<4096x120xf32>
    %swap3A = arith.constant 0 : index
    %swap3A_130 = arith.constant 0 : index
    %swap3A_131 = vector.load %arg12[%swap3A, %swap3A_130] : memref<4096x120xf32, #tpu.memory_space<vmem>>, vector<4096x120xf32>
    tpu.vector_store %arg12[%swap3A, %swap3A_130], %add3A_129 {strides = array<i32>} : memref<4096x120xf32, #tpu.memory_space<vmem>>, vector<4096x120xf32>,
    return
  }
  func.func @transform_0(%arg0: i32) -> (i32, i32) {
    %c0_i32 = arith.constant 0 : i32
    %c0_i32_0 = arith.constant 0 : i32
    return %arg0, %c0_i32 : i32, i32
  }
  func.func @transform_1(%arg0: i32) -> (i32, i32) {
    %add3A = arith.constant 20 : i32
    %add3A_0 = arith.addi %arg0, %add3A : i32
    %c0_i32 = arith.constant 0 : i32
    %c0_i32_1 = arith.constant 0 : i32
    return %add3A_0, %c0_i32 : i32, i32
  }
  func.func @transform_2(%arg0: i32) -> (i32, i32) {
    %c0_i32 = arith.constant 0 : i32
    %c0_i32_0 = arith.constant 0 : i32
    return %arg0, %c0_i32 : i32, i32
  }
  func.func @transform_3(%arg0: i32) -> (i32, i32) {
    %c0_i32 = arith.constant 0 : i32
    %c0_i32_0 = arith.constant 0 : i32
    %c0_i32_1 = arith.constant 0 : i32
    return %c0_i32, %c0_i32_0 : i32, i32
  }
  func.func @transform_4(%arg0: i32) -> (i32, i32) {
    %c0_i32 = arith.constant 0 : i32
    %c0_i32_0 = arith.constant 0 : i32
    %c0_i32_1 = arith.constant 0 : i32
    return %c0_i32, %c0_i32_0 : i32, i32
  }
  func.func @transform_5(%arg0: i32) -> (i32, i32) {
    %c0_i32 = arith.constant 0 : i32
    %c0_i32_0 = arith.constant 0 : i32
    %c0_i32_1 = arith.constant 0 : i32
    return %c0_i32, %c0_i32_0 : i32, i32
  }
  func.func @transform_6(%arg0: i32) -> (i32, i32) {
    %c0_i32 = arith.constant 0 : i32
    %c0_i32_0 = arith.constant 0 : i32
    %c0_i32_1 = arith.constant 0 : i32
    return %c0_i32, %c0_i32_0 : i32, i32
  }
  func.func @transform_7(%arg0: i32) -> (i32, i32) {
    %c0_i32 = arith.constant 0 : i32
    %c0_i32_0 = arith.constant 0 : i32
    %c0_i32_1 = arith.constant 0 : i32
    return %c0_i32, %c0_i32_0 : i32, i32
  }
  func.func @transform_8(%arg0: i32) -> (i32, i32) {
    %c0_i32 = arith.constant 0 : i32
    %c0_i32_0 = arith.constant 0 : i32
    %c0_i32_1 = arith.constant 0 : i32
    return %c0_i32, %c0_i32_0 : i32, i32
  }
  func.func @transform_9(%arg0: i32) -> (i32, i32) {
    %c0_i32 = arith.constant 0 : i32
    %c0_i32_0 = arith.constant 0 : i32
    %c0_i32_1 = arith.constant 0 : i32
    return %c0_i32, %c0_i32_0 : i32, i32
  }
  func.func @transform_10(%arg0: i32) -> (i32, i32) {
    %c0_i32 = arith.constant 0 : i32
    %c0_i32_0 = arith.constant 0 : i32
    %c0_i32_1 = arith.constant 0 : i32
    return %c0_i32, %c0_i32_0 : i32, i32
  }
  func.func @transform_11(%arg0: i32) -> (i32, i32) {
    %c0_i32 = arith.constant 0 : i32
    %c0_i32_0 = arith.constant 0 : i32
    return %arg0, %c0_i32 : i32, i32
  }
}

module attributes {stable_mosaic.version = 14 : i64} {
  func.func @_final_body(%arg0: i32, %arg1: memref<1x2000x120xf32, #tpu.memory_space<vmem>>, %arg2: memref<1x2000x120xf32, #tpu.memory_space<vmem>>, %arg3: memref<1x2000x120xf32, #tpu.memory_space<vmem>>, %arg4: memref<1x2000x120xf32, #tpu.memory_space<vmem>>, %arg5: memref<120x64xf32, #tpu.memory_space<vmem>>, %arg6: memref<1x64xf32, #tpu.memory_space<vmem>>, %arg7: memref<2000x64xf32, #tpu.memory_space<vmem>>) attributes {dimension_semantics = [#tpu.dimension_semantics<arbitrary>], iteration_bounds = array<i64: 5>, scalar_prefetch = 0 : i64, scratch_operands = 0 : i64, tpu.core_type = #tpu.core_type<tc>, window_params = [{transform_indices = @transform_0, window_bounds = array<i64: 1, 2000, 120>}, {transform_indices = @transform_1, window_bounds = array<i64: 1, 2000, 120>}, {transform_indices = @transform_2, window_bounds = array<i64: 1, 2000, 120>}, {transform_indices = @transform_3, window_bounds = array<i64: 1, 2000, 120>}, {pipeline_mode = #tpu.pipeline_mode<synchronous>, transform_indices = @transform_4, window_bounds = array<i64: 120, 64>}, {pipeline_mode = #tpu.pipeline_mode<synchronous>, transform_indices = @transform_5, window_bounds = array<i64: 1, 64>}, {transform_indices = @transform_6, window_bounds = array<i64: 2000, 64>}]} {
    %get3A = arith.constant 0 : index
    %get3A_0 = arith.constant 0 : index
    %get3A_1 = arith.constant 0 : index
    %get3A_2 = vector.load %arg1[%get3A, %get3A_0, %get3A_1] : memref<1x2000x120xf32, #tpu.memory_space<vmem>>, vector<1x2000x120xf32>
    %get3A_3 = vector.shape_cast %get3A_2 : vector<1x2000x120xf32> to vector<2000x120xf32>
    %get3A_4 = arith.constant 0 : index
    %get3A_5 = arith.constant 0 : index
    %get3A_6 = arith.constant 0 : index
    %get3A_7 = vector.load %arg2[%get3A_4, %get3A_5, %get3A_6] : memref<1x2000x120xf32, #tpu.memory_space<vmem>>, vector<1x2000x120xf32>
    %get3A_8 = vector.shape_cast %get3A_7 : vector<1x2000x120xf32> to vector<2000x120xf32>
    %sub3A = arith.subf %get3A_3, %get3A_8 : vector<2000x120xf32>
    %get3A_9 = arith.constant 0 : index
    %get3A_10 = arith.constant 0 : index
    %get3A_11 = arith.constant 0 : index
    %get3A_12 = vector.load %arg3[%get3A_9, %get3A_10, %get3A_11] : memref<1x2000x120xf32, #tpu.memory_space<vmem>>, vector<1x2000x120xf32>
    %get3A_13 = vector.shape_cast %get3A_12 : vector<1x2000x120xf32> to vector<2000x120xf32>
    %get3A_14 = arith.constant 0 : index
    %get3A_15 = arith.constant 0 : index
    %get3A_16 = arith.constant 0 : index
    %get3A_17 = vector.load %arg4[%get3A_14, %get3A_15, %get3A_16] : memref<1x2000x120xf32, #tpu.memory_space<vmem>>, vector<1x2000x120xf32>
    %get3A_18 = vector.shape_cast %get3A_17 : vector<1x2000x120xf32> to vector<2000x120xf32>
    %sub3A_19 = arith.subf %get3A_13, %get3A_18 : vector<2000x120xf32>
    %add3A = arith.addf %sub3A, %sub3A_19 : vector<2000x120xf32>
    %get3A_20 = arith.constant 0 : index
    %get3A_21 = arith.constant 0 : index
    %get3A_22 = vector.load %arg5[%get3A_20, %get3A_21] : memref<120x64xf32, #tpu.memory_space<vmem>>, vector<120x64xf32>
    %dot_general3A = arith.constant dense<0.000000e+00> : vector<2000x64xf32>
    %dot_general3A_23 = tpu.matmul %add3A, %get3A_22, %dot_general3A {dimension_numbers = #tpu.dot_dimension_numbers<[1], [0], [0], [1], [0, 0, 1, 1], [], []>, transpose_lhs_hint = false} : vector<2000x120xf32>, vector<120x64xf32>, vector<2000x64xf32> -> vector<2000x64xf32>
    %get3A_24 = arith.constant 0 : index
    %get3A_25 = arith.constant 0 : index
    %get3A_26 = vector.load %arg6[%get3A_24, %get3A_25] : memref<1x64xf32, #tpu.memory_space<vmem>>, vector<1x64xf32>
    %add3A_27 = vector.broadcast %get3A_26 : vector<1x64xf32> to vector<2000x64xf32>
    %add3A_28 = arith.addf %dot_general3A_23, %add3A_27 : vector<2000x64xf32>
    %mul3A = arith.constant 5.000000e-01 : f32
    %mul3A_29 = vector.broadcast %mul3A : f32 to vector<2000x64xf32>
    %mul3A_30 = arith.mulf %mul3A_29, %add3A_28 : vector<2000x64xf32>
    %tanh3A = math.tanh %mul3A_30 : vector<2000x64xf32>
    %mul3A_31 = arith.constant 5.000000e-01 : f32
    %mul3A_32 = vector.broadcast %mul3A_31 : f32 to vector<2000x64xf32>
    %mul3A_33 = arith.mulf %mul3A_32, %tanh3A : vector<2000x64xf32>
    %add3A_34 = arith.constant 5.000000e-01 : f32
    %add3A_35 = vector.broadcast %add3A_34 : f32 to vector<2000x64xf32>
    %add3A_36 = arith.addf %mul3A_33, %add3A_35 : vector<2000x64xf32>
    %swap3A = arith.constant 0 : index
    %swap3A_37 = arith.constant 0 : index
    %swap3A_38 = vector.load %arg7[%swap3A, %swap3A_37] : memref<2000x64xf32, #tpu.memory_space<vmem>>, vector<2000x64xf32>
    tpu.vector_store %arg7[%swap3A, %swap3A_37], %add3A_36 {strides = array<i32>} : memref<2000x64xf32, #tpu.memory_space<vmem>>, vector<2000x64xf32>,
    return
  }
  func.func @transform_0(%arg0: i32) -> (i32, i32, i32) {
    %c0_i32 = arith.constant 0 : i32
    %c0_i32_0 = arith.constant 0 : i32
    %c0_i32_1 = arith.constant 0 : i32
    return %c0_i32, %arg0, %c0_i32_0 : i32, i32, i32
  }
  func.func @transform_1(%arg0: i32) -> (i32, i32, i32) {
    %c1_i32 = arith.constant 1 : i32
    %c0_i32 = arith.constant 0 : i32
    %c0_i32_0 = arith.constant 0 : i32
    return %c1_i32, %arg0, %c0_i32 : i32, i32, i32
  }
  func.func @transform_2(%arg0: i32) -> (i32, i32, i32) {
    %c0_i32 = arith.constant 0 : i32
    %c0_i32_0 = arith.constant 0 : i32
    %c0_i32_1 = arith.constant 0 : i32
    return %c0_i32, %arg0, %c0_i32_0 : i32, i32, i32
  }
  func.func @transform_3(%arg0: i32) -> (i32, i32, i32) {
    %c1_i32 = arith.constant 1 : i32
    %c0_i32 = arith.constant 0 : i32
    %c0_i32_0 = arith.constant 0 : i32
    return %c1_i32, %arg0, %c0_i32 : i32, i32, i32
  }
  func.func @transform_4(%arg0: i32) -> (i32, i32) {
    %c0_i32 = arith.constant 0 : i32
    %c0_i32_0 = arith.constant 0 : i32
    %c0_i32_1 = arith.constant 0 : i32
    return %c0_i32, %c0_i32_0 : i32, i32
  }
  func.func @transform_5(%arg0: i32) -> (i32, i32) {
    %c0_i32 = arith.constant 0 : i32
    %c0_i32_0 = arith.constant 0 : i32
    %c0_i32_1 = arith.constant 0 : i32
    return %c0_i32, %c0_i32_0 : i32, i32
  }
  func.func @transform_6(%arg0: i32) -> (i32, i32) {
    %c0_i32 = arith.constant 0 : i32
    %c0_i32_0 = arith.constant 0 : i32
    return %arg0, %c0_i32 : i32, i32
  }
}

</mosaic_0001>

<sc_bundles>
// kernel: kernel.10.cloned.1.call-start
scs
__scs_entry_jumppad:
0x0: {  	(pc) =	sbr.rel $0x88, $3  }
0x1: {  	(tag) =	ssettag $0x0;
	lr =	simm.s32 $0x1  }
0x2: {  	[smem:$0x3F96] =	sst lr;
	_ =	strace $0xD0000000  }
0x3: {  	_ = 	snop  }
0x4: {  	_ = 	snop  }
0x5: {  	_ = 	snop  }
0x6: {  	_ = 	snop  }
0x7: {  	_ = 	snop  }
__scs_overlays_trampoline_lowered:
0x8: {  	[smem:$0x3FA5] =	sst s0  }
0x9: {  	[smem:$0x3FA6] =	sst s1  }
0xa: {  	[smem:$0x3FA7] =	sst s2  }
0xb: {  	[smem:$0x3FA8] =	sst s3  }
0xc: {  	[smem:$0x3FA9] =	sst s4  }
0xd: {  	[smem:$0x3FAA] =	sst s5  }
0xe: {  	[smem:$0x3FAB] =	sst s6  }
0xf: {  	[smem:$0x3FAC] =	sst s7  }
0x10: {  	[smem:$0x3FAD] =	sst s8  }
0x11: {  	[smem:$0x3FAE] =	sst s9;
	s0 =	simm.s32 @!p0 $0x0  }
0x12: {  	s1 =	sld [smem:$0x3F94];
	s0 =	simm.s32 @p0 $0x1  }
0x13: {  	[smem:$0x3FAF] =	sst s0;
	s0 =	simm.s32 @!p1 $0x0  }
0x14: {  	s2 =	sld [smem:$0x3F93];
	s0 =	simm.s32 @p1 $0x1  }
0x15: {  	[smem:$0x3FB0] =	sst s0;
	s0 =	simm.s32 @!p2 $0x0  }
0x16: {  	s3 =	sld [smem:$0x3FDB];
	s0 =	simm.s32 @p2 $0x1  }
0x17: {  	s4 =	simm.s32 $0x1BF5;
	[smem:$0x3FB2] =	sst s0  }
0x18: {  	s0 =	sld [smem:$0x3F95];
	_ =	swait.ge [sflag:s4], $0x0  }
0x19: {  	s7 =	sld [smem:$0x3F96]  }
0x1a: {  	s8 =	sadd.s32 $0xFFFFE003, lr  }
0x1b: {  	s9 =	sadd.s32 $0xFFFFFEF7, lr;
	s5 =	simm.s32 $0xFFFFFFFF;
	p2 =	slt.u32 s8, $0xFFFFF086  }
0x1c: {  	p1 =	slt.u32 s9, $0xF7A;
	s5 =	simm.s32 @!p2 $0x0  }
0x1d: {  	s5 =	simm.s32 @p1 $0x1;
	p0 =	seq.s32 s7, s2  }
0x1e: {  	s7 =	smul.u32 @!p0 $0xF7A, s2;
	p2 =	seq.s32 @!p0 s5, $0x0  }
0x1f: {  	s9 =	smul.u32 $0xF7A, s1;
	s8 =	simm.s32 @!p0 $0x1BF5;
	p2 =	por !p2, p0  }
0x20: {  	[sflag:s8] =	ssyncset.s32 @!p0 $0xFFFFF086;
	s6 =	sadd.s32 @!p0 s3, s7;
	s7 =	simm.s32 @!p0 $0x108  }
0x21: {  	s3 =	sadd.s32 s3, s9;
	s6 =	sadd.s32 @!p0 $0x88, s6;
	s7 =	simm.s32 @p2 $0x1082  }
0x22: {  	[simem:s7], [sflag:s8] =	dma.local @!p0 [hbm:s6], $0xF7A  }
0x23: {  	s9 =	sor.u32 $0xD0000000, s2;
	s6 =	simm.s32 $0x108;
	_ =	swait.ge @!p0 [sflag:s8], $0x0  }
0x24: {  	s3 =	sadd.s32 $0x88, s3;
	s6 =	simm.s32 @!p1 $0x1082;
	[sflag:s4] =	ssyncset.s32 $0xFFFFF086  }
0x25: {  	[simem:s6], [sflag:s4] =	dma.local [hbm:s3], $0xF7A  }
0x26: {  	[smem:$0x3F96] =	sst s1;
	(tag) =	ssettag s2;
	_ =	strace s9  }
0x27: {  	s1 =	sld [smem:$0x3FA6]  }
0x28: {  	s2 =	sld [smem:$0x3FA7]  }
0x29: {  	s4 =	sld [smem:$0x3FA9]  }
0x2a: {  	p0 =	seq.s32 s5, $0x0;
	s5 =	sld [smem:$0x3FAA]  }
0x2b: {  	s6 =	sld [smem:$0x3FAB]  }
0x2c: {  	s7 =	sld [smem:$0x3FAC]  }
0x2d: {  	s3 =	simm.s32 $0x108;
	s8 =	sld [smem:$0x3FAD]  }
0x2e: {  	s3 =	simm.s32 @!p0 $0x1082;
	s9 =	sld [smem:$0x3FAE]  }
0x2f: {  	lr =	sadd.s32 s0, s3;
	s0 =	sld [smem:$0x3FA5]  }
0x30: {  	s3 =	sld [smem:$0x3FA8]  }
0x31: {  	[smem:$0x3FB1] =	sst s10  }
0x32: {  	s10 =	sld [smem:$0x3FAF];
	_ =	sdelay $0x3  }
0x33: {  	p0 =	seq.s32 s10, $0x1;
	s10 =	sld [smem:$0x3FB1];
	_ =	sdelay $0x3  }
0x34: {  	[smem:$0x3FB1] =	sst s10  }
0x35: {  	s10 =	sld [smem:$0x3FB0];
	_ =	sdelay $0x3  }
0x36: {  	p1 =	seq.s32 s10, $0x1;
	s10 =	sld [smem:$0x3FB1];
	_ =	sdelay $0x3  }
0x37: {  	[smem:$0x3FB1] =	sst s10  }
0x38: {  	s10 =	sld [smem:$0x3FB2]  }
0x39: {  	_ = 	snop;
	(pc) =	sbr.ind lr, $3  }
0x3a: {  	_ = 	snop  }
0x3b: {  	_ = 	snop  }
0x3c: {  	p2 =	seq.s32 s10, $0x1;
	s10 =	sld [smem:$0x3FB1]  }
0x3d: {  	_ =	shalt  }
0x3e: {  	_ =	shalt  }
0x3f: {  	_ =	shalt  }
0x40: {  	_ =	shalt  }
0x41: {  	_ =	shalt  }
0x42: {  	_ =	shalt  }
0x43: {  	_ =	shalt  }
0x44: {  	_ =	shalt  }
0x45: {  	_ =	shalt  }
0x46: {  	_ =	shalt  }
0x47: {  	_ =	shalt  }
0x48: {  	_ =	shalt  }
0x49: {  	_ =	shalt  }
0x4a: {  	_ =	shalt  }
0x4b: {  	_ =	shalt  }
0x4c: {  	_ =	shalt  }
0x4d: {  	_ =	shalt  }
0x4e: {  	_ =	shalt  }
0x4f: {  	_ =	shalt  }
0x50: {  	_ =	shalt  }
0x51: {  	_ =	shalt  }
0x52: {  	_ =	shalt  }
0x53: {  	_ =	shalt  }
0x54: {  	_ =	shalt  }
0x55: {  	_ =	shalt  }
0x56: {  	_ =	shalt  }
0x57: {  	_ =	shalt  }
0x58: {  	_ =	shalt  }
0x59: {  	_ =	shalt  }
0x5a: {  	_ =	shalt  }
0x5b: {  	_ =	shalt  }
0x5c: {  	_ =	shalt  }
0x5d: {  	_ =	shalt  }
0x5e: {  	_ =	shalt  }
0x5f: {  	_ =	shalt  }
0x60: {  	_ =	shalt  }
0x61: {  	_ =	shalt  }
0x62: {  	_ =	shalt  }
0x63: {  	_ =	shalt  }
0x64: {  	_ =	shalt  }
0x65: {  	_ =	shalt  }
0x66: {  	_ =	shalt  }
0x67: {  	_ =	shalt  }
0x68: {  	_ =	shalt  }
0x69: {  	_ =	shalt  }
0x6a: {  	_ =	shalt  }
0x6b: {  	_ =	shalt  }
0x6c: {  	_ =	shalt  }
0x6d: {  	_ =	shalt  }
0x6e: {  	_ =	shalt  }
0x6f: {  	_ =	shalt  }
0x70: {  	_ =	shalt  }
0x71: {  	_ =	shalt  }
0x72: {  	_ =	shalt  }
0x73: {  	_ =	shalt  }
0x74: {  	_ =	shalt  }
0x75: {  	_ =	shalt  }
0x76: {  	_ =	shalt  }
0x77: {  	_ =	shalt  }
0x78: {  	_ =	shalt  }
0x79: {  	_ =	shalt  }
0x7a: {  	_ =	shalt  }
0x7b: {  	_ =	shalt  }
0x7c: {  	_ =	shalt  }
0x7d: {  	_ =	shalt  }
0x7e: {  	_ =	shalt  }
0x7f: {  	_ =	shalt  }
0x80: {  	_ =	shalt  }
0x81: {  	_ =	shalt  }
0x82: {  	_ =	shalt  }
0x83: {  	_ =	shalt  }
0x84: {  	_ =	shalt  }
0x85: {  	_ =	shalt  }
0x86: {  	_ =	shalt  }
0x87: {  	_ =	shalt  }
.Lfunc_end0:
.L_simem_size_0:
called_computation_lowered:
.L_overlay_start_0:
0x88: {  	s2 =	sld [smem:$0x3FD9]  }
0x89: {  	s3 =	sld [smem:$0x3FFE];
	_ =	sdelay $0x1  }
0x8a: {  	s1 =	srdreg.scid  }
0x8b: {  	s0 =	sand.u32 $0x1, s1  }
0x8c: {  	s17 =	sshll.u32 s0, $0xA;
	s2 =	sadd.s32 s3, s2  }
0x8d: {  	s2 =	sadd.s32 s2, s17  }
0x8e: {  	[smem:$0x3FBD] =	sst s2  }
0x8f: {  	_ = 	snop  }
0x90: {  	s18 =	sld [smem:$0x3FD0];
	(tm) =	ssettm $0x1  }
0x91: {  	s19 =	sld [smem:$0x3FFB];
	_ =	sdelay $0x3  }
0x92: {  	_ =	strace s19  }
0x93: {  	s2 =	sld [smem:$0x3FFC];
	_ =	sdelay $0x3  }
0x94: {  	_ =	strace s2  }
0x95: {  	s2 =	sld [smem:$0x3FFD];
	_ =	sdelay $0x3  }
0x96: {  	_ =	strace s2  }
0x97: {  	_ =	strace $0x8FFFFFFF  }
0x98: {  	s20 =	sld [smem:$0x3FDB];
	_ =	sdelay $0x1  }
0x99: {  	s4 =	simm.s32 $_scs_section_size  }
0x9a: {  	s5 =	simm.s32 $_size__tile_overlayer_lowered;
	s6 =	simm.s32 $_tile_overlayer_lowered  }
0x9b: {  	s7 =	simm.s32 $0x1BFF;
	s21 =	sshll.u32 s6, $0x1;
	s4 =	sadd.s32 s4, s20  }
0x9c: {  	s22 =	simm.s32 $0x0;
	s5 =	sshll.u32 s5, $0x1;
	s6 =	sadd.s32 s21, s4  }
0x9d: {  	[timem:s22], [sflag:s7] =	dma.local [hbm:s6], s5  }
0x9e: {  	_ =	swait.ge [sflag:s7], s5  }
0x9f: {  	s5 =	ssub.s32 $0x0, s5;
	[sflag:s7] =	ssyncset.done $0x0  }
0xa0: {  	[sflag:s7] =	ssyncadd.s32 s5;
	_ =	sdelay $0x1  }
0xa1: {  	s23 =	simm.s32 $0x1B8B  }
0xa2: {  	_ =	swait.ge [sflag:s23], $0x1  }
0xa3: {  	[sflag:s23] =	ssyncset.done $0x0  }
0xa4: {  	[sflag:s23] =	ssyncadd.s32 $0xFFFFFFFF  }
0xa5: {  	s5 =	sld [smem:$0x0]  }
0xa6: {  	s6 =	sand.u32 $0xFFFFFFFE, s1  }
0xa7: {  	p0 =	sne.s32 s1, s6  }
0xa8: {  	s6 =	sshll.u32 @p0 s6, $0xE  }
0xa9: {  	s6 =	sadd.s32 @p0 $0x11B8D, s6;
	s7 =	sshll.u32 @p0 s5, $0x11  }
0xaa: {  	s6 =	sor.u32 @p0 s7, s6  }
0xab: {  	[sflag:s6] =	ssyncadd.remote.s32 @p0 $0x1;
	_ =	sdelay $0x1  }
0xac: {  	s6 =	simm.s32 @p0 $0x1B8D  }
0xad: {  	_ =	swait.eq @p0 [sflag:s6], $0x1  }
0xae: {  	[sflag:s6] =	ssyncadd.s32 @p0 $0xFFFFFFFF  }
0xaf: {  	s7 =	sshll.u32 @!p0 s1, $0xE  }
0xb0: {  	s7 =	sor.u32 @!p0 $0x4000, s7;
	s6 =	simm.s32 @!p0 $0x1B8D  }
0xb1: {  	s5 =	sshll.u32 @!p0 s5, $0x11;
	s7 =	sadd.s32 @!p0 $0x11B8D, s7;
	_ =	swait.eq @!p0 [sflag:s6], $0x1  }
0xb2: {  	s5 =	sor.u32 @!p0 s5, s7;
	[sflag:s6] =	ssyncadd.s32 @!p0 $0xFFFFFFFF  }
0xb3: {  	s25 =	simm.s32 $0x1B8E;
	s24 =	sld [smem:$0x3FFE];
	[sflag:s5] =	ssyncadd.remote.s32 @!p0 $0x1  }
0xb4: {  	s26 =	simm.s32 $execute0_lowered;
	[smem:$0x3FD2] =	sst s25  }
0xb5: {  	s6 =	sshll.u32 s26, $0x1;
	_ =	strace $0x80000049;
	[dreg:$0x1] =	wrdreg $0xFFFFFFFF  }
0xb6: {  	s28 =	simm.s32 $_size_execute0_lowered;
	s4 =	sadd.s32 s4, s6;
	[dreg:$0x0] =	wrdreg $0x0  }
0xb7: {  	s6 =	sshll.u32 s28, $0x1;
	[dreg:$0x2] =	wrdreg s4  }
0xb8: {  	[dreg:$0x3] =	wrdreg s6  }
0xb9: {  	[dreg:$0x4] =	wrdreg $0xC0  }
0xba: {  	_ =	task [dreg:s22], $0x5FFFF  }
0xbb: {  	[dreg:$0x1] =	wrdreg $0xFFFFFFFF  }
0xbc: {  	[dreg:$0x0] =	wrdreg $0x60  }
0xbd: {  	[dreg:$0x2] =	wrdreg s18  }
0xbe: {  	[dreg:$0x3] =	wrdreg s24  }
0xbf: {  	[dreg:$0x4] =	wrdreg $0x9  }
0xc0: {  	_ =	task.clear_ibuf [dreg:s22], $0x5FFFF;
	_ =	strace $0x90000049  }
0xc1: {  	s29 =	simm.s32 $0x9;
	_ =	strace $0x8000004B  }
0xc2: {  	_ =	swait.ge [sflag:s29], $0x1  }
0xc3: {  	[sflag:s29] =	ssyncadd.s32 $0xFFFFFFFF  }
0xc4: {  	_ =	strace $0x9000004B  }
0xc5: {  	_ =	sfence  }
0xc6: {  	s30 =	sld [smem:$0x0];
	_ =	sdelay $0x2  }
0xc7: {  	s31 =	sshll.u32 s1, $0xD;
	s1 =	sshrl.u32 s1, $0x2  }
0xc8: {  	s4 =	sand.u32 $0x4000, s31;
	s1 =	sadd.s32 s1, s30  }
0xc9: {  	s0 =	sor.u32 s4, s0;
	s1 =	sshll.u32 s1, $0x11  }
0xca: {  	s0 =	sor.u32 s1, s0  }
0xcb: {  	s0 =	sadd.s32 $0x8F2B, s0  }
0xcc: {  	[sflag:s0] =	ssyncadd.remote.s32 $0x1  }
0xcd: {  	_ =	sfence.sel $0xFFFF  }
0xce: {  	[dreg:$0x0] =	wrdreg $0xFFFFFFFF;
	(pc) =	sbr.abs _section_cstart, $3  }
0xcf: {  	[dreg:$0x1] =	wrdreg $0xFFFFFFFF  }
0xd0: {  	_ =	task.clear_ibuf [dreg:s22], $0x2FFFF;
	_ =	strace $0x9FFFFFFF  }
0xd1: {  	(tm) =	ssettm $0x7FFFFFFF  }
tec
execute0_lowered:
.L_overlay_start_1:
0x0: {  	(tag) =	ssettag $0x1  }
0x1: {  	s3 =	rddreg [dreg:$0x0]  }
0x2: {  	s4 =	rddreg [dreg:$0x1];
	s2 =	simm.s32 $0x0  }
0x3: {  	s0 =	srdreg.scid;
	s22 =	simm.s32 $0x100;
	[smem:$0x7FF] =	sst s2  }
0x4: {  	s23 =	simm.s32 $0x180;
	_ =	strace $0x8000004A;
	[dreg:$0xd] =	wrdreg s22  }
0x5: {  	s16 =	stileid.u32;
	s25 =	simm.s32 $0x200;
	[dreg:$0xe] =	wrdreg s23  }
0x6: {  	s26 =	simm.s32 $0x280;
	s7 =	simm.s32 $0x480;
	[dreg:$0xf] =	wrdreg s25  }
0x7: {  	s8 =	simm.s32 $0x500;
	s9 =	simm.s32 $0x580;
	[dreg:$0x10] =	wrdreg s26  }
0x8: {  	s10 =	simm.s32 $0x600;
	s12 =	simm.s32 $0x680;
	[dreg:$0x14] =	wrdreg s7  }
0x9: {  	s31 =	simm.s32 $0xD00;
	s28 =	simm.s32 $0xE80;
	[dreg:$0x15] =	wrdreg s8  }
0xa: {  	s29 =	simm.s32 $0xF00;
	s0 =	sand.u32 $0x1, s0;
	[dreg:$0x16] =	wrdreg s9  }
0xb: {  	s30 =	simm.s32 $0xF80;
	s1 =	sshll.u32 s0, $0x4;
	[dreg:$0x17] =	wrdreg s10  }
0xc: {  	[dreg:$0x18] =	wrdreg s12;
	s22 =	simm.s32 $0xB00;
	s1 =	sor.u32 s16, s1  }
0xd: {  	s23 =	simm.s32 $0xB80;
	[smem:$0x7FA] =	sst s22;
	s5 =	smul.u32 $0x280, s1  }
0xe: {  	s25 =	simm.s32 $0xC00;
	[smem:$0x7FB] =	sst s23;
	s6 =	smul.u32 $0x50000, s1  }
0xf: {  	s26 =	simm.s32 $0xC80;
	[smem:$0x7FC] =	sst s25;
	s1 =	smul.u32 $0xA000, s1  }
0x10: {  	[smem:$0x7FD] =	sst s26;
	s5 =	sadd.s32 s5, s4;
	s4 =	sadd.s32 $0x155A00, s4  }
0x11: {  	s6 =	sshrl.u32 s6, $0x3;
	s5 =	sadd.s32 $0x150A00, s5;
	s1 =	sadd.s32 s4, s1  }
0x12: {  	s24 =	sadd.s32 s4, s6;
	s4 =	simm.s32 $0x300;
	[dreg:$0x3] =	wrdreg s5  }
0x13: {  	p0 =	por $0x0, $0x0;
	s6 =	simm.s32 $0x400;
	[dreg:$0x11] =	wrdreg s4  }
0x14: {  	s0 =	ssub.s32 $0x2, s0;
	s13 =	sadd.s32 $0x1000, s1;
	[dreg:$0x13] =	wrdreg s6  }
0x15: {  	s9 =	simm.s32 $0x3400;
	s14 =	sadd.s32 $0x2000, s24;
	[dreg:$0x4] =	wrdreg s13  }
0x16: {  	s7 =	simm.s32 $0x9400;
	s15 =	sadd.s32 $0x3000, s1;
	[dreg:$0x5] =	wrdreg s14  }
0x17: {  	s10 =	simm.s32 $0xB400;
	s17 =	sadd.s32 $0x4000, s24;
	[dreg:$0x6] =	wrdreg s15  }
0x18: {  	s12 =	simm.s32 $0xD400;
	s18 =	sadd.s32 $0x5000, s1;
	[dreg:$0x7] =	wrdreg s17  }
0x19: {  	s8 =	simm.s32 $0x2;
	s19 =	sadd.s32 $0x6000, s24;
	[dreg:$0x8] =	wrdreg s18  }
0x1a: {  	s11 =	sshrl.u32 s0, $0x1;
	s20 =	sadd.s32 $0x7000, s1;
	[dreg:$0x9] =	wrdreg s19  }
0x1b: {  	s26 =	simm.s32 $0xE00;
	s21 =	sadd.s32 $0x8000, s24;
	[dreg:$0xa] =	wrdreg s20  }
0x1c: {  	s0 =	ssub.s32 s0, s11;
	s1 =	sadd.s32 $0x9000, s1;
	[dreg:$0xb] =	wrdreg s21  }
0x1d: {  	s0 =	smax.u32 s0, $0x1;
	s5 =	simm.s32 $0x380;
	[dreg:$0xc] =	wrdreg s1  }
0x1e: {  	s22 =	simm.s32 $0x1080;
	p1 =	sne.s32 s0, $0x1;
	[dreg:$0x12] =	wrdreg s5  }
0x1f: {  	s13 =	simm.s32 $0x700;
	s1 =	sadd.s32 $0xFFFFFFFF, s0;
	s0 =	rddreg [dreg:$0x3]  }
0x20: {  	s23 =	simm.s32 $0x1100;
	s14 =	simm.s32 $0x780;
	[dreg:$0x19] =	wrdreg s13  }
0x21: {  	s25 =	simm.s32 $0x1180;
	s15 =	simm.s32 $0x800;
	[dreg:$0x1a] =	wrdreg s14  }
0x22: {  	s11 =	simm.s32 $0x5400;
	s17 =	simm.s32 $0x880;
	[dreg:$0x1b] =	wrdreg s15  }
0x23: {  	s4 =	simm.s32 $0x3;
	s18 =	simm.s32 $0x900;
	[dreg:$0x1c] =	wrdreg s17  }
0x24: {  	s6 =	simm.s32 $0x80;
	s19 =	simm.s32 $0x980;
	[dreg:$0x1d] =	wrdreg s18  }
.Ltmp0:
0x25: {  	s20 =	simm.s32 $0xA00;
	[dreg:$0x1e] =	wrdreg s19;
	(pc) =	sbr.rel @!p1 .LBB2_1-.Ltmp0, $4  }
0x26: {  	s5 =	simm.s32 $0x1400;
	s21 =	simm.s32 $0xA80;
	[dreg:$0x1f] =	wrdreg s20  }
0x27: {  	s14 =	simm.s32 $0x7400;
	[smem:$0x7F9] =	sst s21;
	s15 =	simm.s32 $0xF400  }
0x28: {  	s13 =	simm.s32 $0x1;
	s21 =	simm.s32 $0xD80;
	s17 =	simm.s32 $0x1200  }
0x29: {  	s18 =	simm.s32 $0x1280;
	s19 =	simm.s32 $0x1300;
	s20 =	simm.s32 $0x1380  }
0x2a: {  	[tilespmem:s2], [sflag:$0x3] =	stream.linear.gather [hbm4b:s0+s2], $0x1400, $0x38;
	[tilespmem:$0x11400] =	vst v63  }
0x2b: {  	_ =	swait.ge [sflag:s4], $0x1400  }
0x2c: {  	[sflag:s4] =	ssyncset.done $0x0  }
0x2d: {  	[sflag:s4] =	ssyncadd.s32 $0xFFFFEC00  }
0x2e: {  	[tilespmem:s5], [sflag:$0x1] =	stream.indirect.gather [hbm4b:s3+s6], $0x40, s2, s6, $0xb8;
	[tilespmem:$0x11400] =	vst v63  }
0x2f: {  	_ = 	snop  }
0x30: {  	[tilespmem:s9], [sflag:$0x1] =	stream.indirect.gather [hbm4b:s3+s6], $0x40, s6, s6, $0xb8;
	[tilespmem:$0x11400] =	vst v63  }
0x31: {  	s0 =	rddreg [dreg:$0xd]  }
0x32: {  	[tilespmem:s11], [sflag:$0x1] =	stream.indirect.gather [hbm4b:s3+s6], $0x40, s0, s6, $0xb8;
	[tilespmem:$0x11400] =	vst v63  }
0x33: {  	s16 =	smov.u32 s1;
	s1 =	rddreg [dreg:$0xe]  }
0x34: {  	[tilespmem:s14], [sflag:$0x1] =	stream.indirect.gather [hbm4b:s3+s6], $0x40, s1, s6, $0xb8;
	[tilespmem:$0x11400] =	vst v63  }
0x35: {  	s0 =	rddreg [dreg:$0xf]  }
0x36: {  	[tilespmem:s7], [sflag:$0x2] =	stream.indirect.gather [hbm4b:s3+s6], $0x40, s0, s6, $0xb8;
	[tilespmem:$0x11400] =	vst v63  }
0x37: {  	s1 =	rddreg [dreg:$0x10]  }
0x38: {  	[tilespmem:s10], [sflag:$0x2] =	stream.indirect.gather [hbm4b:s3+s6], $0x40, s1, s6, $0xb8;
	[tilespmem:$0x11400] =	vst v63  }
0x39: {  	s0 =	rddreg [dreg:$0x11]  }
0x3a: {  	[tilespmem:s12], [sflag:$0x2] =	stream.indirect.gather [hbm4b:s3+s6], $0x40, s0, s6, $0xb8;
	[tilespmem:$0x11400] =	vst v63  }
0x3b: {  	s1 =	rddreg [dreg:$0x12]  }
0x3c: {  	[tilespmem:s15], [sflag:$0x2] =	stream.indirect.gather [hbm4b:s3+s6], $0x40, s1, s6, $0xb8;
	[tilespmem:$0x11400] =	vst v63  }
0x3d: {  	_ =	swait.ge [sflag:s13], $0x8000  }
0x3e: {  	[sflag:s13] =	ssyncset.done $0x0  }
0x3f: {  	[sflag:s13] =	ssyncadd.s32 $0xFFFF8000  }
0x40: {  	[hbm4b:s24+s2] =	stream.linear.scatter [tilespmem:s5], [sflag:$0x3], $0x8000, $0x38;
	[tilespmem:$0x11400] =	vst v63  }
0x41: {  	_ =	swait.ge [sflag:s4], $0x8000  }
0x42: {  	[sflag:s4] =	ssyncset.done $0x0  }
0x43: {  	s0 =	rddreg [dreg:$0x13];
	[sflag:s4] =	ssyncadd.s32 $0xFFFF8000  }
0x44: {  	[tilespmem:s5], [sflag:$0x1] =	stream.indirect.gather [hbm4b:s3+s6], $0x40, s0, s6, $0xb8;
	[tilespmem:$0x11400] =	vst v63  }
0x45: {  	s1 =	rddreg [dreg:$0x14]  }
0x46: {  	[tilespmem:s9], [sflag:$0x1] =	stream.indirect.gather [hbm4b:s3+s6], $0x40, s1, s6, $0xb8;
	[tilespmem:$0x11400] =	vst v63  }
0x47: {  	s0 =	rddreg [dreg:$0x15]  }
0x48: {  	[tilespmem:s11], [sflag:$0x1] =	stream.indirect.gather [hbm4b:s3+s6], $0x40, s0, s6, $0xb8;
	[tilespmem:$0x11400] =	vst v63  }
0x49: {  	s1 =	rddreg [dreg:$0x16]  }
0x4a: {  	[tilespmem:s14], [sflag:$0x1] =	stream.indirect.gather [hbm4b:s3+s6], $0x40, s1, s6, $0xb8;
	[tilespmem:$0x11400] =	vst v63  }
0x4b: {  	_ =	swait.ge [sflag:s8], $0x8000  }
0x4c: {  	[sflag:s8] =	ssyncset.done $0x0  }
0x4d: {  	s1 =	rddreg [dreg:$0x4];
	[sflag:s8] =	ssyncadd.s32 $0xFFFF8000  }
0x4e: {  	[hbm4b:s1+s2] =	stream.linear.scatter [tilespmem:s7], [sflag:$0x3], $0x8000, $0x38;
	[tilespmem:$0x11400] =	vst v63  }
0x4f: {  	_ =	swait.ge [sflag:s4], $0x8000  }
0x50: {  	[sflag:s4] =	ssyncset.done $0x0  }
0x51: {  	s0 =	rddreg [dreg:$0x17];
	[sflag:s4] =	ssyncadd.s32 $0xFFFF8000  }
0x52: {  	[tilespmem:s7], [sflag:$0x2] =	stream.indirect.gather [hbm4b:s3+s6], $0x40, s0, s6, $0xb8;
	[tilespmem:$0x11400] =	vst v63  }
0x53: {  	s1 =	rddreg [dreg:$0x18]  }
0x54: {  	[tilespmem:s10], [sflag:$0x2] =	stream.indirect.gather [hbm4b:s3+s6], $0x40, s1, s6, $0xb8;
	[tilespmem:$0x11400] =	vst v63  }
0x55: {  	s0 =	rddreg [dreg:$0x19]  }
0x56: {  	[tilespmem:s12], [sflag:$0x2] =	stream.indirect.gather [hbm4b:s3+s6], $0x40, s0, s6, $0xb8;
	[tilespmem:$0x11400] =	vst v63  }
0x57: {  	s1 =	rddreg [dreg:$0x1a]  }
0x58: {  	[tilespmem:s15], [sflag:$0x2] =	stream.indirect.gather [hbm4b:s3+s6], $0x40, s1, s6, $0xb8;
	[tilespmem:$0x11400] =	vst v63  }
0x59: {  	_ =	swait.ge [sflag:s13], $0x8000  }
0x5a: {  	[sflag:s13] =	ssyncset.done $0x0  }
0x5b: {  	s1 =	rddreg [dreg:$0x5];
	[sflag:s13] =	ssyncadd.s32 $0xFFFF8000  }
0x5c: {  	[hbm4b:s1+s2] =	stream.linear.scatter [tilespmem:s5], [sflag:$0x3], $0x8000, $0x38;
	[tilespmem:$0x11400] =	vst v63  }
0x5d: {  	_ =	swait.ge [sflag:s4], $0x8000  }
0x5e: {  	[sflag:s4] =	ssyncset.done $0x0  }
0x5f: {  	s0 =	rddreg [dreg:$0x1b];
	[sflag:s4] =	ssyncadd.s32 $0xFFFF8000  }
0x60: {  	[tilespmem:s5], [sflag:$0x1] =	stream.indirect.gather [hbm4b:s3+s6], $0x40, s0, s6, $0xb8;
	[tilespmem:$0x11400] =	vst v63  }
0x61: {  	s1 =	rddreg [dreg:$0x1c]  }
0x62: {  	[tilespmem:s9], [sflag:$0x1] =	stream.indirect.gather [hbm4b:s3+s6], $0x40, s1, s6, $0xb8;
	[tilespmem:$0x11400] =	vst v63  }
0x63: {  	s0 =	rddreg [dreg:$0x1d]  }
0x64: {  	[tilespmem:s11], [sflag:$0x1] =	stream.indirect.gather [hbm4b:s3+s6], $0x40, s0, s6, $0xb8;
	[tilespmem:$0x11400] =	vst v63  }
0x65: {  	s1 =	rddreg [dreg:$0x1e]  }
0x66: {  	[tilespmem:s14], [sflag:$0x1] =	stream.indirect.gather [hbm4b:s3+s6], $0x40, s1, s6, $0xb8;
	[tilespmem:$0x11400] =	vst v63  }
0x67: {  	_ =	swait.ge [sflag:s8], $0x8000  }
0x68: {  	[sflag:s8] =	ssyncset.done $0x0  }
0x69: {  	s1 =	rddreg [dreg:$0x6];
	[sflag:s8] =	ssyncadd.s32 $0xFFFF8000  }
0x6a: {  	[hbm4b:s1+s2] =	stream.linear.scatter [tilespmem:s7], [sflag:$0x3], $0x8000, $0x38;
	[tilespmem:$0x11400] =	vst v63  }
0x6b: {  	_ =	swait.ge [sflag:s4], $0x8000  }
0x6c: {  	s0 =	rddreg [dreg:$0x1f];
	[sflag:s4] =	ssyncset.done $0x0  }
0x6d: {  	s1 =	sld [smem:$0x7F9];
	[sflag:s4] =	ssyncadd.s32 $0xFFFF8000  }
0x6e: {  	[tilespmem:s7], [sflag:$0x2] =	stream.indirect.gather [hbm4b:s3+s6], $0x40, s0, s6, $0xb8;
	[tilespmem:$0x11400] =	vst v63  }
0x6f: {  	s0 =	sld [smem:$0x7FA]  }
0x70: {  	[tilespmem:s10], [sflag:$0x2] =	stream.indirect.gather [hbm4b:s3+s6], $0x40, s1, s6, $0xb8;
	[tilespmem:$0x11400] =	vst v63  }
0x71: {  	s1 =	sld [smem:$0x7FB]  }
0x72: {  	[tilespmem:s12], [sflag:$0x2] =	stream.indirect.gather [hbm4b:s3+s6], $0x40, s0, s6, $0xb8;
	[tilespmem:$0x11400] =	vst v63  }
0x73: {  	_ = 	snop  }
0x74: {  	[tilespmem:s15], [sflag:$0x2] =	stream.indirect.gather [hbm4b:s3+s6], $0x40, s1, s6, $0xb8;
	[tilespmem:$0x11400] =	vst v63  }
0x75: {  	_ =	swait.ge [sflag:s13], $0x8000  }
0x76: {  	[sflag:s13] =	ssyncset.done $0x0  }
0x77: {  	s1 =	rddreg [dreg:$0x7];
	[sflag:s13] =	ssyncadd.s32 $0xFFFF8000  }
0x78: {  	[hbm4b:s1+s2] =	stream.linear.scatter [tilespmem:s5], [sflag:$0x3], $0x8000, $0x38;
	[tilespmem:$0x11400] =	vst v63  }
0x79: {  	_ =	swait.ge [sflag:s4], $0x8000  }
0x7a: {  	s0 =	sld [smem:$0x7FC]  }
0x7b: {  	[sflag:s4] =	ssyncset.done $0x0  }
0x7c: {  	s1 =	sld [smem:$0x7FD];
	[sflag:s4] =	ssyncadd.s32 $0xFFFF8000  }
0x7d: {  	[tilespmem:s5], [sflag:$0x1] =	stream.indirect.gather [hbm4b:s3+s6], $0x40, s0, s6, $0xb8;
	[tilespmem:$0x11400] =	vst v63  }
0x7e: {  	_ = 	snop  }
0x7f: {  	[tilespmem:s9], [sflag:$0x1] =	stream.indirect.gather [hbm4b:s3+s6], $0x40, s1, s6, $0xb8;
	[tilespmem:$0x11400] =	vst v63  }
0x80: {  	_ = 	snop  }
0x81: {  	[tilespmem:s11], [sflag:$0x1] =	stream.indirect.gather [hbm4b:s3+s6], $0x40, s31, s6, $0xb8;
	[tilespmem:$0x11400] =	vst v63  }
0x82: {  	_ = 	snop  }
0x83: {  	[tilespmem:s14], [sflag:$0x1] =	stream.indirect.gather [hbm4b:s3+s6], $0x40, s21, s6, $0xb8;
	[tilespmem:$0x11400] =	vst v63  }
0x84: {  	_ =	swait.ge [sflag:s8], $0x8000  }
0x85: {  	[sflag:s8] =	ssyncset.done $0x0  }
0x86: {  	s1 =	rddreg [dreg:$0x8];
	[sflag:s8] =	ssyncadd.s32 $0xFFFF8000  }
0x87: {  	[hbm4b:s1+s2] =	stream.linear.scatter [tilespmem:s7], [sflag:$0x3], $0x8000, $0x38;
	[tilespmem:$0x11400] =	vst v63  }
0x88: {  	_ =	swait.ge [sflag:s4], $0x8000  }
0x89: {  	[sflag:s4] =	ssyncset.done $0x0  }
0x8a: {  	[sflag:s4] =	ssyncadd.s32 $0xFFFF8000  }
0x8b: {  	[tilespmem:s7], [sflag:$0x2] =	stream.indirect.gather [hbm4b:s3+s6], $0x40, s26, s6, $0xb8;
	[tilespmem:$0x11400] =	vst v63  }
0x8c: {  	_ = 	snop  }
0x8d: {  	[tilespmem:s10], [sflag:$0x2] =	stream.indirect.gather [hbm4b:s3+s6], $0x40, s28, s6, $0xb8;
	[tilespmem:$0x11400] =	vst v63  }
0x8e: {  	_ = 	snop  }
0x8f: {  	[tilespmem:s12], [sflag:$0x2] =	stream.indirect.gather [hbm4b:s3+s6], $0x40, s29, s6, $0xb8;
	[tilespmem:$0x11400] =	vst v63  }
0x90: {  	_ = 	snop  }
0x91: {  	[tilespmem:s15], [sflag:$0x2] =	stream.indirect.gather [hbm4b:s3+s6], $0x40, s30, s6, $0xb8;
	[tilespmem:$0x11400] =	vst v63  }
0x92: {  	_ =	swait.ge [sflag:s13], $0x8000  }
0x93: {  	[sflag:s13] =	ssyncset.done $0x0  }
0x94: {  	s1 =	rddreg [dreg:$0x9];
	[sflag:s13] =	ssyncadd.s32 $0xFFFF8000  }
0x95: {  	[hbm4b:s1+s2] =	stream.linear.scatter [tilespmem:s5], [sflag:$0x3], $0x8000, $0x38;
	[tilespmem:$0x11400] =	vst v63  }
0x96: {  	_ =	swait.ge [sflag:s4], $0x8000  }
0x97: {  	[sflag:s4] =	ssyncset.done $0x0  }
0x98: {  	s1 =	simm.s32 $0x1000;
	[sflag:s4] =	ssyncadd.s32 $0xFFFF8000  }
0x99: {  	[tilespmem:s5], [sflag:$0x1] =	stream.indirect.gather [hbm4b:s3+s6], $0x40, s1, s6, $0xb8;
	[tilespmem:$0x11400] =	vst v63  }
0x9a: {  	_ = 	snop  }
0x9b: {  	[tilespmem:s9], [sflag:$0x1] =	stream.indirect.gather [hbm4b:s3+s6], $0x40, s22, s6, $0xb8;
	[tilespmem:$0x11400] =	vst v63  }
0x9c: {  	_ = 	snop  }
0x9d: {  	[tilespmem:s11], [sflag:$0x1] =	stream.indirect.gather [hbm4b:s3+s6], $0x40, s23, s6, $0xb8;
	[tilespmem:$0x11400] =	vst v63  }
0x9e: {  	_ = 	snop  }
0x9f: {  	[tilespmem:s14], [sflag:$0x1] =	stream.indirect.gather [hbm4b:s3+s6], $0x40, s25, s6, $0xb8;
	[tilespmem:$0x11400] =	vst v63  }
0xa0: {  	_ =	swait.ge [sflag:s8], $0x8000  }
0xa1: {  	[sflag:s8] =	ssyncset.done $0x0  }
0xa2: {  	s1 =	rddreg [dreg:$0xa];
	[sflag:s8] =	ssyncadd.s32 $0xFFFF8000  }
0xa3: {  	[hbm4b:s1+s2] =	stream.linear.scatter [tilespmem:s7], [sflag:$0x3], $0x8000, $0x38;
	[tilespmem:$0x11400] =	vst v63  }
0xa4: {  	_ =	swait.ge [sflag:s4], $0x8000  }
0xa5: {  	[sflag:s4] =	ssyncset.done $0x0  }
0xa6: {  	[sflag:s4] =	ssyncadd.s32 $0xFFFF8000  }
0xa7: {  	[tilespmem:s7], [sflag:$0x2] =	stream.indirect.gather [hbm4b:s3+s6], $0x40, s17, s6, $0xb8;
	[tilespmem:$0x11400] =	vst v63  }
0xa8: {  	_ = 	snop  }
0xa9: {  	[tilespmem:s10], [sflag:$0x2] =	stream.indirect.gather [hbm4b:s3+s6], $0x40, s18, s6, $0xb8;
	[tilespmem:$0x11400] =	vst v63  }
0xaa: {  	_ = 	snop  }
0xab: {  	[tilespmem:s12], [sflag:$0x2] =	stream.indirect.gather [hbm4b:s3+s6], $0x40, s19, s6, $0xb8;
	[tilespmem:$0x11400] =	vst v63  }
0xac: {  	_ = 	snop  }
0xad: {  	[tilespmem:s15], [sflag:$0x2] =	stream.indirect.gather [hbm4b:s3+s6], $0x40, s20, s6, $0xb8;
	[tilespmem:$0x11400] =	vst v63  }
0xae: {  	_ =	swait.ge [sflag:s13], $0x8000  }
0xaf: {  	[sflag:s13] =	ssyncset.done $0x0  }
0xb0: {  	s1 =	rddreg [dreg:$0xb];
	[sflag:s13] =	ssyncadd.s32 $0xFFFF8000  }
0xb1: {  	[hbm4b:s1+s2] =	stream.linear.scatter [tilespmem:s5], [sflag:$0x3], $0x8000, $0x38;
	[tilespmem:$0x11400] =	vst v63  }
0xb2: {  	_ =	swait.ge [sflag:s4], $0x8000  }
0xb3: {  	[sflag:s4] =	ssyncset.done $0x0  }
0xb4: {  	[sflag:s4] =	ssyncadd.s32 $0xFFFF8000  }
0xb5: {  	p1 =	sne.s32 s16, $0x1;
	_ =	swait.ge [sflag:s8], $0x8000  }
.Ltmp1:
0xb6: {  	[sflag:s8] =	ssyncset.done $0x0;
	(pc) =	sbr.rel @!p1 .LBB2_3-.Ltmp1, $4  }
0xb7: {  	s1 =	rddreg [dreg:$0xc];
	[sflag:s8] =	ssyncadd.s32 $0xFFFF8000  }
0xb8: {  	[hbm4b:s1+s2] =	stream.linear.scatter [tilespmem:s7], [sflag:$0x3], $0x8000, $0x38;
	[tilespmem:$0x11400] =	vst v63  }
0xb9: {  	p0 =	por $0x1, $0x1;
	_ =	swait.ge [sflag:s4], $0x8000  }
0xba: {  	s1 =	sadd.s32 $0xFFFFFFFF, s16;
	s0 =	rddreg [dreg:$0x3];
	[sflag:s4] =	ssyncset.done $0x0  }
.LBB2_4:
0xbb: {  	[sflag:s4] =	ssyncadd.s32 $0xFFFF8000  }
0xbc: {  	[tilespmem:s2], [sflag:$0x3] =	stream.linear.gather [hbm4b:s0+s2], $0x1400, $0x38;
	[tilespmem:$0x11400] =	vst v63  }
0xbd: {  	_ =	swait.ge [sflag:s4], $0x1400  }
0xbe: {  	[sflag:s4] =	ssyncset.done $0x0  }
0xbf: {  	[sflag:s4] =	ssyncadd.s32 $0xFFFFEC00  }
0xc0: {  	[tilespmem:s5], [sflag:$0x1] =	stream.indirect.gather [hbm4b:s3+s6], $0x40, s2, s6, $0xb8;
	[tilespmem:$0x11400] =	vst v63  }
0xc1: {  	_ = 	snop  }
0xc2: {  	[tilespmem:s9], [sflag:$0x1] =	stream.indirect.gather [hbm4b:s3+s6], $0x40, s6, s6, $0xb8;
	[tilespmem:$0x11400] =	vst v63  }
0xc3: {  	s0 =	rddreg [dreg:$0xd]  }
0xc4: {  	[tilespmem:s11], [sflag:$0x1] =	stream.indirect.gather [hbm4b:s3+s6], $0x40, s0, s6, $0xb8;
	[tilespmem:$0x11400] =	vst v63  }
0xc5: {  	s16 =	rddreg [dreg:$0xe]  }
0xc6: {  	[tilespmem:s14], [sflag:$0x1] =	stream.indirect.gather [hbm4b:s3+s6], $0x40, s16, s6, $0xb8;
	[tilespmem:$0x11400] =	vst v63  }
0xc7: {  	s0 =	rddreg [dreg:$0xf]  }
0xc8: {  	[tilespmem:s7], [sflag:$0x2] =	stream.indirect.gather [hbm4b:s3+s6], $0x40, s0, s6, $0xb8;
	[tilespmem:$0x11400] =	vst v63  }
0xc9: {  	s16 =	rddreg [dreg:$0x10]  }
0xca: {  	[tilespmem:s10], [sflag:$0x2] =	stream.indirect.gather [hbm4b:s3+s6], $0x40, s16, s6, $0xb8;
	[tilespmem:$0x11400] =	vst v63  }
0xcb: {  	s0 =	rddreg [dreg:$0x11]  }
0xcc: {  	[tilespmem:s12], [sflag:$0x2] =	stream.indirect.gather [hbm4b:s3+s6], $0x40, s0, s6, $0xb8;
	[tilespmem:$0x11400] =	vst v63  }
0xcd: {  	s16 =	rddreg [dreg:$0x12]  }
0xce: {  	[tilespmem:s15], [sflag:$0x2] =	stream.indirect.gather [hbm4b:s3+s6], $0x40, s16, s6, $0xb8;
	[tilespmem:$0x11400] =	vst v63  }
0xcf: {  	_ =	swait.ge [sflag:s13], $0x8000  }
0xd0: {  	[sflag:s13] =	ssyncset.done $0x0  }
0xd1: {  	[sflag:s13] =	ssyncadd.s32 $0xFFFF8000  }
0xd2: {  	[hbm4b:s24+s2] =	stream.linear.scatter [tilespmem:s5], [sflag:$0x3], $0x8000, $0x38;
	[tilespmem:$0x11400] =	vst v63  }
0xd3: {  	_ =	swait.ge [sflag:s4], $0x8000  }
0xd4: {  	[sflag:s4] =	ssyncset.done $0x0  }
0xd5: {  	s0 =	rddreg [dreg:$0x13];
	[sflag:s4] =	ssyncadd.s32 $0xFFFF8000  }
0xd6: {  	[tilespmem:s5], [sflag:$0x1] =	stream.indirect.gather [hbm4b:s3+s6], $0x40, s0, s6, $0xb8;
	[tilespmem:$0x11400] =	vst v63  }
0xd7: {  	s16 =	rddreg [dreg:$0x14]  }
0xd8: {  	[tilespmem:s9], [sflag:$0x1] =	stream.indirect.gather [hbm4b:s3+s6], $0x40, s16, s6, $0xb8;
	[tilespmem:$0x11400] =	vst v63  }
0xd9: {  	s0 =	rddreg [dreg:$0x15]  }
0xda: {  	[tilespmem:s11], [sflag:$0x1] =	stream.indirect.gather [hbm4b:s3+s6], $0x40, s0, s6, $0xb8;
	[tilespmem:$0x11400] =	vst v63  }
0xdb: {  	s16 =	rddreg [dreg:$0x16]  }
0xdc: {  	[tilespmem:s14], [sflag:$0x1] =	stream.indirect.gather [hbm4b:s3+s6], $0x40, s16, s6, $0xb8;
	[tilespmem:$0x11400] =	vst v63  }
0xdd: {  	_ =	swait.ge [sflag:s8], $0x8000  }
0xde: {  	[sflag:s8] =	ssyncset.done $0x0  }
0xdf: {  	s16 =	rddreg [dreg:$0x4];
	[sflag:s8] =	ssyncadd.s32 $0xFFFF8000  }
0xe0: {  	[hbm4b:s16+s2] =	stream.linear.scatter [tilespmem:s7], [sflag:$0x3], $0x8000, $0x38;
	[tilespmem:$0x11400] =	vst v63  }
0xe1: {  	_ =	swait.ge [sflag:s4], $0x8000  }
0xe2: {  	[sflag:s4] =	ssyncset.done $0x0  }
0xe3: {  	s0 =	rddreg [dreg:$0x17];
	[sflag:s4] =	ssyncadd.s32 $0xFFFF8000  }
0xe4: {  	[tilespmem:s7], [sflag:$0x2] =	stream.indirect.gather [hbm4b:s3+s6], $0x40, s0, s6, $0xb8;
	[tilespmem:$0x11400] =	vst v63  }
0xe5: {  	s16 =	rddreg [dreg:$0x18]  }
0xe6: {  	[tilespmem:s10], [sflag:$0x2] =	stream.indirect.gather [hbm4b:s3+s6], $0x40, s16, s6, $0xb8;
	[tilespmem:$0x11400] =	vst v63  }
0xe7: {  	s0 =	rddreg [dreg:$0x19]  }
0xe8: {  	[tilespmem:s12], [sflag:$0x2] =	stream.indirect.gather [hbm4b:s3+s6], $0x40, s0, s6, $0xb8;
	[tilespmem:$0x11400] =	vst v63  }
0xe9: {  	s16 =	rddreg [dreg:$0x1a]  }
0xea: {  	[tilespmem:s15], [sflag:$0x2] =	stream.indirect.gather [hbm4b:s3+s6], $0x40, s16, s6, $0xb8;
	[tilespmem:$0x11400] =	vst v63  }
0xeb: {  	_ =	swait.ge [sflag:s13], $0x8000  }
0xec: {  	[sflag:s13] =	ssyncset.done $0x0  }
0xed: {  	s16 =	rddreg [dreg:$0x5];
	[sflag:s13] =	ssyncadd.s32 $0xFFFF8000  }
0xee: {  	[hbm4b:s16+s2] =	stream.linear.scatter [tilespmem:s5], [sflag:$0x3], $0x8000, $0x38;
	[tilespmem:$0x11400] =	vst v63  }
0xef: {  	_ =	swait.ge [sflag:s4], $0x8000  }
0xf0: {  	[sflag:s4] =	ssyncset.done $0x0  }
0xf1: {  	s0 =	rddreg [dreg:$0x1b];
	[sflag:s4] =	ssyncadd.s32 $0xFFFF8000  }
0xf2: {  	[tilespmem:s5], [sflag:$0x1] =	stream.indirect.gather [hbm4b:s3+s6], $0x40, s0, s6, $0xb8;
	[tilespmem:$0x11400] =	vst v63  }
0xf3: {  	s16 =	rddreg [dreg:$0x1c]  }
0xf4: {  	[tilespmem:s9], [sflag:$0x1] =	stream.indirect.gather [hbm4b:s3+s6], $0x40, s16, s6, $0xb8;
	[tilespmem:$0x11400] =	vst v63  }
0xf5: {  	s0 =	rddreg [dreg:$0x1d]  }
0xf6: {  	[tilespmem:s11], [sflag:$0x1] =	stream.indirect.gather [hbm4b:s3+s6], $0x40, s0, s6, $0xb8;
	[tilespmem:$0x11400] =	vst v63  }
0xf7: {  	s16 =	rddreg [dreg:$0x1e]  }
0xf8: {  	[tilespmem:s14], [sflag:$0x1] =	stream.indirect.gather [hbm4b:s3+s6], $0x40, s16, s6, $0xb8;
	[tilespmem:$0x11400] =	vst v63  }
0xf9: {  	_ =	swait.ge [sflag:s8], $0x8000  }
0xfa: {  	[sflag:s8] =	ssyncset.done $0x0  }
0xfb: {  	s16 =	rddreg [dreg:$0x6];
	[sflag:s8] =	ssyncadd.s32 $0xFFFF8000  }
0xfc: {  	[hbm4b:s16+s2] =	stream.linear.scatter [tilespmem:s7], [sflag:$0x3], $0x8000, $0x38;
	[tilespmem:$0x11400] =	vst v63  }
0xfd: {  	_ =	swait.ge [sflag:s4], $0x8000  }
0xfe: {  	s0 =	rddreg [dreg:$0x1f];
	[sflag:s4] =	ssyncset.done $0x0  }
0xff: {  	s16 =	sld [smem:$0x7F9];
	[sflag:s4] =	ssyncadd.s32 $0xFFFF8000  }
0x100: {  	[tilespmem:s7], [sflag:$0x2] =	stream.indirect.gather [hbm4b:s3+s6], $0x40, s0, s6, $0xb8;
	[tilespmem:$0x11400] =	vst v63  }
0x101: {  	s0 =	sld [smem:$0x7FA]  }
0x102: {  	[tilespmem:s10], [sflag:$0x2] =	stream.indirect.gather [hbm4b:s3+s6], $0x40, s16, s6, $0xb8;
	[tilespmem:$0x11400] =	vst v63  }
0x103: {  	s16 =	sld [smem:$0x7FB]  }
0x104: {  	[tilespmem:s12], [sflag:$0x2] =	stream.indirect.gather [hbm4b:s3+s6], $0x40, s0, s6, $0xb8;
	[tilespmem:$0x11400] =	vst v63  }
0x105: {  	_ = 	snop  }
0x106: {  	[tilespmem:s15], [sflag:$0x2] =	stream.indirect.gather [hbm4b:s3+s6], $0x40, s16, s6, $0xb8;
	[tilespmem:$0x11400] =	vst v63  }
0x107: {  	_ =	swait.ge [sflag:s13], $0x8000  }
0x108: {  	[sflag:s13] =	ssyncset.done $0x0  }
0x109: {  	s16 =	rddreg [dreg:$0x7];
	[sflag:s13] =	ssyncadd.s32 $0xFFFF8000  }
0x10a: {  	[hbm4b:s16+s2] =	stream.linear.scatter [tilespmem:s5], [sflag:$0x3], $0x8000, $0x38;
	[tilespmem:$0x11400] =	vst v63  }
0x10b: {  	_ =	swait.ge [sflag:s4], $0x8000  }
0x10c: {  	s0 =	sld [smem:$0x7FC]  }
0x10d: {  	[sflag:s4] =	ssyncset.done $0x0  }
0x10e: {  	s16 =	sld [smem:$0x7FD];
	[sflag:s4] =	ssyncadd.s32 $0xFFFF8000  }
0x10f: {  	[tilespmem:s5], [sflag:$0x1] =	stream.indirect.gather [hbm4b:s3+s6], $0x40, s0, s6, $0xb8;
	[tilespmem:$0x11400] =	vst v63  }
0x110: {  	_ = 	snop  }
0x111: {  	[tilespmem:s9], [sflag:$0x1] =	stream.indirect.gather [hbm4b:s3+s6], $0x40, s16, s6, $0xb8;
	[tilespmem:$0x11400] =	vst v63  }
0x112: {  	_ = 	snop  }
0x113: {  	[tilespmem:s11], [sflag:$0x1] =	stream.indirect.gather [hbm4b:s3+s6], $0x40, s31, s6, $0xb8;
	[tilespmem:$0x11400] =	vst v63  }
0x114: {  	_ = 	snop  }
0x115: {  	[tilespmem:s14], [sflag:$0x1] =	stream.indirect.gather [hbm4b:s3+s6], $0x40, s21, s6, $0xb8;
	[tilespmem:$0x11400] =	vst v63  }
0x116: {  	_ =	swait.ge [sflag:s8], $0x8000  }
0x117: {  	[sflag:s8] =	ssyncset.done $0x0  }
0x118: {  	s16 =	rddreg [dreg:$0x8];
	[sflag:s8] =	ssyncadd.s32 $0xFFFF8000  }
0x119: {  	[hbm4b:s16+s2] =	stream.linear.scatter [tilespmem:s7], [sflag:$0x3], $0x8000, $0x38;
	[tilespmem:$0x11400] =	vst v63  }
0x11a: {  	_ =	swait.ge [sflag:s4], $0x8000  }
0x11b: {  	[sflag:s4] =	ssyncset.done $0x0  }
0x11c: {  	[sflag:s4] =	ssyncadd.s32 $0xFFFF8000  }
0x11d: {  	[tilespmem:s7], [sflag:$0x2] =	stream.indirect.gather [hbm4b:s3+s6], $0x40, s26, s6, $0xb8;
	[tilespmem:$0x11400] =	vst v63  }
0x11e: {  	_ = 	snop  }
0x11f: {  	[tilespmem:s10], [sflag:$0x2] =	stream.indirect.gather [hbm4b:s3+s6], $0x40, s28, s6, $0xb8;
	[tilespmem:$0x11400] =	vst v63  }
0x120: {  	_ = 	snop  }
0x121: {  	[tilespmem:s12], [sflag:$0x2] =	stream.indirect.gather [hbm4b:s3+s6], $0x40, s29, s6, $0xb8;
	[tilespmem:$0x11400] =	vst v63  }
0x122: {  	_ = 	snop  }
0x123: {  	[tilespmem:s15], [sflag:$0x2] =	stream.indirect.gather [hbm4b:s3+s6], $0x40, s30, s6, $0xb8;
	[tilespmem:$0x11400] =	vst v63  }
0x124: {  	_ =	swait.ge [sflag:s13], $0x8000  }
0x125: {  	[sflag:s13] =	ssyncset.done $0x0  }
0x126: {  	s16 =	rddreg [dreg:$0x9];
	[sflag:s13] =	ssyncadd.s32 $0xFFFF8000  }
0x127: {  	[hbm4b:s16+s2] =	stream.linear.scatter [tilespmem:s5], [sflag:$0x3], $0x8000, $0x38;
	[tilespmem:$0x11400] =	vst v63  }
0x128: {  	_ =	swait.ge [sflag:s4], $0x8000  }
0x129: {  	[sflag:s4] =	ssyncset.done $0x0  }
0x12a: {  	s16 =	simm.s32 $0x1000;
	[sflag:s4] =	ssyncadd.s32 $0xFFFF8000  }
0x12b: {  	[tilespmem:s5], [sflag:$0x1] =	stream.indirect.gather [hbm4b:s3+s6], $0x40, s16, s6, $0xb8;
	[tilespmem:$0x11400] =	vst v63  }
0x12c: {  	_ = 	snop  }
0x12d: {  	[tilespmem:s9], [sflag:$0x1] =	stream.indirect.gather [hbm4b:s3+s6], $0x40, s22, s6, $0xb8;
	[tilespmem:$0x11400] =	vst v63  }
0x12e: {  	_ = 	snop  }
0x12f: {  	[tilespmem:s11], [sflag:$0x1] =	stream.indirect.gather [hbm4b:s3+s6], $0x40, s23, s6, $0xb8;
	[tilespmem:$0x11400] =	vst v63  }
0x130: {  	_ = 	snop  }
0x131: {  	[tilespmem:s14], [sflag:$0x1] =	stream.indirect.gather [hbm4b:s3+s6], $0x40, s25, s6, $0xb8;
	[tilespmem:$0x11400] =	vst v63  }
0x132: {  	_ =	swait.ge [sflag:s8], $0x8000  }
0x133: {  	[sflag:s8] =	ssyncset.done $0x0  }
0x134: {  	s16 =	rddreg [dreg:$0xa];
	[sflag:s8] =	ssyncadd.s32 $0xFFFF8000  }
0x135: {  	[hbm4b:s16+s2] =	stream.linear.scatter [tilespmem:s7], [sflag:$0x3], $0x8000, $0x38;
	[tilespmem:$0x11400] =	vst v63  }
0x136: {  	_ =	swait.ge [sflag:s4], $0x8000  }
0x137: {  	[sflag:s4] =	ssyncset.done $0x0  }
0x138: {  	[sflag:s4] =	ssyncadd.s32 $0xFFFF8000  }
0x139: {  	[tilespmem:s7], [sflag:$0x2] =	stream.indirect.gather [hbm4b:s3+s6], $0x40, s17, s6, $0xb8;
	[tilespmem:$0x11400] =	vst v63  }
0x13a: {  	_ = 	snop  }
0x13b: {  	[tilespmem:s10], [sflag:$0x2] =	stream.indirect.gather [hbm4b:s3+s6], $0x40, s18, s6, $0xb8;
	[tilespmem:$0x11400] =	vst v63  }
0x13c: {  	_ = 	snop  }
0x13d: {  	[tilespmem:s12], [sflag:$0x2] =	stream.indirect.gather [hbm4b:s3+s6], $0x40, s19, s6, $0xb8;
	[tilespmem:$0x11400] =	vst v63  }
0x13e: {  	_ = 	snop  }
0x13f: {  	[tilespmem:s15], [sflag:$0x2] =	stream.indirect.gather [hbm4b:s3+s6], $0x40, s20, s6, $0xb8;
	[tilespmem:$0x11400] =	vst v63  }
0x140: {  	_ =	swait.ge [sflag:s13], $0x8000  }
0x141: {  	[sflag:s13] =	ssyncset.done $0x0  }
0x142: {  	s16 =	rddreg [dreg:$0xb];
	[sflag:s13] =	ssyncadd.s32 $0xFFFF8000  }
0x143: {  	[hbm4b:s16+s2] =	stream.linear.scatter [tilespmem:s5], [sflag:$0x3], $0x8000, $0x38;
	[tilespmem:$0x11400] =	vst v63  }
0x144: {  	_ =	swait.ge [sflag:s4], $0x8000  }
0x145: {  	[sflag:s4] =	ssyncset.done $0x0  }
0x146: {  	[sflag:s4] =	ssyncadd.s32 $0xFFFF8000  }
0x147: {  	p1 =	sne.s32 s1, $0x1;
	_ =	swait.ge [sflag:s8], $0x8000  }
.Ltmp2:
0x148: {  	[sflag:s8] =	ssyncset.done $0x0;
	(pc) =	sbr.rel @p1 .LBB2_4-.Ltmp2, $4  }
0x149: {  	s16 =	rddreg [dreg:$0xc];
	[sflag:s8] =	ssyncadd.s32 $0xFFFF8000  }
0x14a: {  	[hbm4b:s16+s2] =	stream.linear.scatter [tilespmem:s7], [sflag:$0x3], $0x8000, $0x38;
	[tilespmem:$0x11400] =	vst v63  }
0x14b: {  	_ =	swait.ge [sflag:s4], $0x8000  }
0x14c: {  	s1 =	sadd.s32 $0xFFFFFFFF, s1;
	s0 =	rddreg [dreg:$0x3];
	[sflag:s4] =	ssyncset.done $0x0  }
0x14d: {  	s20 =	simm.s32 $0xD80;
	s31 =	simm.s32 $0xD00  }
0x14e: {  	s30 =	simm.s32 $0xF80;
	s29 =	simm.s32 $0xF00;
	s28 =	simm.s32 $0xE80  }
0x14f: {  	s26 =	simm.s32 $0xE00;
	s25 =	simm.s32 $0x1180;
	s23 =	simm.s32 $0x1100  }
0x150: {  	s22 =	simm.s32 $0x1080;
	s21 =	simm.s32 $0x1000;
	s19 =	simm.s32 $0x1300  }
0x151: {  	s18 =	simm.s32 $0x1280;
	s17 =	simm.s32 $0x1200;
	s16 =	stileid.u32  }
.LBB2_6:
0x152: {  	[sflag:s4] =	ssyncadd.s32 @p0 $0xFFFF8000  }
0x153: {  	[tilespmem:s2], [sflag:$0x3] =	stream.linear.gather [hbm4b:s0+s2], $0x1400, $0x38;
	[tilespmem:$0x11400] =	vst v63  }
0x154: {  	_ =	swait.ge [sflag:s4], $0x1400  }
0x155: {  	[sflag:s4] =	ssyncset.done $0x0  }
0x156: {  	[sflag:s4] =	ssyncadd.s32 $0xFFFFEC00  }
0x157: {  	[tilespmem:s5], [sflag:$0x1] =	stream.indirect.gather [hbm4b:s3+s6], $0x40, s2, s6, $0xb8;
	[tilespmem:$0x11400] =	vst v63  }
0x158: {  	_ = 	snop  }
0x159: {  	[tilespmem:s9], [sflag:$0x1] =	stream.indirect.gather [hbm4b:s3+s6], $0x40, s6, s6, $0xb8;
	[tilespmem:$0x11400] =	vst v63  }
0x15a: {  	s0 =	rddreg [dreg:$0xd]  }
0x15b: {  	[tilespmem:s11], [sflag:$0x1] =	stream.indirect.gather [hbm4b:s3+s6], $0x40, s0, s6, $0xb8;
	[tilespmem:$0x11400] =	vst v63  }
0x15c: {  	s1 =	rddreg [dreg:$0xe]  }
0x15d: {  	[tilespmem:s14], [sflag:$0x1] =	stream.indirect.gather [hbm4b:s3+s6], $0x40, s1, s6, $0xb8;
	[tilespmem:$0x11400] =	vst v63  }
0x15e: {  	s0 =	rddreg [dreg:$0xf]  }
0x15f: {  	[tilespmem:s7], [sflag:$0x2] =	stream.indirect.gather [hbm4b:s3+s6], $0x40, s0, s6, $0xb8;
	[tilespmem:$0x11400] =	vst v63  }
0x160: {  	s1 =	rddreg [dreg:$0x10]  }
0x161: {  	[tilespmem:s10], [sflag:$0x2] =	stream.indirect.gather [hbm4b:s3+s6], $0x40, s1, s6, $0xb8;
	[tilespmem:$0x11400] =	vst v63  }
0x162: {  	s0 =	rddreg [dreg:$0x11]  }
0x163: {  	[tilespmem:s12], [sflag:$0x2] =	stream.indirect.gather [hbm4b:s3+s6], $0x40, s0, s6, $0xb8;
	[tilespmem:$0x11400] =	vst v63  }
0x164: {  	s1 =	rddreg [dreg:$0x12]  }
0x165: {  	[tilespmem:s15], [sflag:$0x2] =	stream.indirect.gather [hbm4b:s3+s6], $0x40, s1, s6, $0xb8;
	[tilespmem:$0x11400] =	vst v63  }
0x166: {  	_ =	swait.ge [sflag:s13], $0x8000  }
0x167: {  	[sflag:s13] =	ssyncset.done $0x0  }
0x168: {  	[sflag:s13] =	ssyncadd.s32 $0xFFFF8000  }
0x169: {  	[hbm4b:s24+s2] =	stream.linear.scatter [tilespmem:s5], [sflag:$0x3], $0x8000, $0x38;
	[tilespmem:$0x11400] =	vst v63  }
0x16a: {  	_ =	swait.ge [sflag:s4], $0x8000  }
0x16b: {  	[sflag:s4] =	ssyncset.done $0x0  }
0x16c: {  	s1 =	rddreg [dreg:$0x13];
	[sflag:s4] =	ssyncadd.s32 $0xFFFF8000  }
0x16d: {  	[tilespmem:s5], [sflag:$0x1] =	stream.indirect.gather [hbm4b:s3+s6], $0x40, s1, s6, $0xb8;
	[tilespmem:$0x11400] =	vst v63  }
0x16e: {  	s24 =	rddreg [dreg:$0x14]  }
0x16f: {  	[tilespmem:s9], [sflag:$0x1] =	stream.indirect.gather [hbm4b:s3+s6], $0x40, s24, s6, $0xb8;
	[tilespmem:$0x11400] =	vst v63  }
0x170: {  	s0 =	rddreg [dreg:$0x15]  }
0x171: {  	[tilespmem:s11], [sflag:$0x1] =	stream.indirect.gather [hbm4b:s3+s6], $0x40, s0, s6, $0xb8;
	[tilespmem:$0x11400] =	vst v63  }
0x172: {  	s24 =	rddreg [dreg:$0x16]  }
0x173: {  	[tilespmem:s14], [sflag:$0x1] =	stream.indirect.gather [hbm4b:s3+s6], $0x40, s24, s6, $0xb8;
	[tilespmem:$0x11400] =	vst v63  }
0x174: {  	_ =	swait.ge [sflag:s8], $0x8000  }
0x175: {  	[sflag:s8] =	ssyncset.done $0x0  }
0x176: {  	s24 =	rddreg [dreg:$0x4];
	[sflag:s8] =	ssyncadd.s32 $0xFFFF8000  }
0x177: {  	[hbm4b:s24+s2] =	stream.linear.scatter [tilespmem:s7], [sflag:$0x3], $0x8000, $0x38;
	[tilespmem:$0x11400] =	vst v63  }
0x178: {  	_ =	swait.ge [sflag:s4], $0x8000  }
0x179: {  	[sflag:s4] =	ssyncset.done $0x0  }
0x17a: {  	s1 =	rddreg [dreg:$0x17];
	[sflag:s4] =	ssyncadd.s32 $0xFFFF8000  }
0x17b: {  	[tilespmem:s7], [sflag:$0x2] =	stream.indirect.gather [hbm4b:s3+s6], $0x40, s1, s6, $0xb8;
	[tilespmem:$0x11400] =	vst v63  }
0x17c: {  	s24 =	rddreg [dreg:$0x18]  }
0x17d: {  	[tilespmem:s10], [sflag:$0x2] =	stream.indirect.gather [hbm4b:s3+s6], $0x40, s24, s6, $0xb8;
	[tilespmem:$0x11400] =	vst v63  }
0x17e: {  	s0 =	rddreg [dreg:$0x19]  }
0x17f: {  	[tilespmem:s12], [sflag:$0x2] =	stream.indirect.gather [hbm4b:s3+s6], $0x40, s0, s6, $0xb8;
	[tilespmem:$0x11400] =	vst v63  }
0x180: {  	s24 =	rddreg [dreg:$0x1a]  }
0x181: {  	[tilespmem:s15], [sflag:$0x2] =	stream.indirect.gather [hbm4b:s3+s6], $0x40, s24, s6, $0xb8;
	[tilespmem:$0x11400] =	vst v63  }
0x182: {  	_ =	swait.ge [sflag:s13], $0x8000  }
0x183: {  	[sflag:s13] =	ssyncset.done $0x0  }
0x184: {  	s24 =	rddreg [dreg:$0x5];
	[sflag:s13] =	ssyncadd.s32 $0xFFFF8000  }
0x185: {  	[hbm4b:s24+s2] =	stream.linear.scatter [tilespmem:s5], [sflag:$0x3], $0x8000, $0x38;
	[tilespmem:$0x11400] =	vst v63  }
0x186: {  	_ =	swait.ge [sflag:s4], $0x8000  }
0x187: {  	[sflag:s4] =	ssyncset.done $0x0  }
0x188: {  	s1 =	rddreg [dreg:$0x1b];
	[sflag:s4] =	ssyncadd.s32 $0xFFFF8000  }
0x189: {  	[tilespmem:s5], [sflag:$0x1] =	stream.indirect.gather [hbm4b:s3+s6], $0x40, s1, s6, $0xb8;
	[tilespmem:$0x11400] =	vst v63  }
0x18a: {  	s24 =	rddreg [dreg:$0x1c]  }
0x18b: {  	[tilespmem:s9], [sflag:$0x1] =	stream.indirect.gather [hbm4b:s3+s6], $0x40, s24, s6, $0xb8;
	[tilespmem:$0x11400] =	vst v63  }
0x18c: {  	s0 =	rddreg [dreg:$0x1d]  }
0x18d: {  	[tilespmem:s11], [sflag:$0x1] =	stream.indirect.gather [hbm4b:s3+s6], $0x40, s0, s6, $0xb8;
	[tilespmem:$0x11400] =	vst v63  }
0x18e: {  	s24 =	rddreg [dreg:$0x1e]  }
0x18f: {  	[tilespmem:s14], [sflag:$0x1] =	stream.indirect.gather [hbm4b:s3+s6], $0x40, s24, s6, $0xb8;
	[tilespmem:$0x11400] =	vst v63  }
0x190: {  	_ =	swait.ge [sflag:s8], $0x8000  }
0x191: {  	[sflag:s8] =	ssyncset.done $0x0  }
0x192: {  	s24 =	rddreg [dreg:$0x6];
	[sflag:s8] =	ssyncadd.s32 $0xFFFF8000  }
0x193: {  	[hbm4b:s24+s2] =	stream.linear.scatter [tilespmem:s7], [sflag:$0x3], $0x8000, $0x38;
	[tilespmem:$0x11400] =	vst v63  }
0x194: {  	_ =	swait.ge [sflag:s4], $0x8000  }
0x195: {  	s1 =	rddreg [dreg:$0x1f];
	[sflag:s4] =	ssyncset.done $0x0  }
0x196: {  	s24 =	sld [smem:$0x7F9];
	[sflag:s4] =	ssyncadd.s32 $0xFFFF8000  }
0x197: {  	[tilespmem:s7], [sflag:$0x2] =	stream.indirect.gather [hbm4b:s3+s6], $0x40, s1, s6, $0xb8;
	[tilespmem:$0x11400] =	vst v63  }
0x198: {  	s0 =	sld [smem:$0x7FA]  }
0x199: {  	[tilespmem:s10], [sflag:$0x2] =	stream.indirect.gather [hbm4b:s3+s6], $0x40, s24, s6, $0xb8;
	[tilespmem:$0x11400] =	vst v63  }
0x19a: {  	s24 =	sld [smem:$0x7FB]  }
0x19b: {  	[tilespmem:s12], [sflag:$0x2] =	stream.indirect.gather [hbm4b:s3+s6], $0x40, s0, s6, $0xb8;
	[tilespmem:$0x11400] =	vst v63  }
0x19c: {  	_ = 	snop  }
0x19d: {  	[tilespmem:s15], [sflag:$0x2] =	stream.indirect.gather [hbm4b:s3+s6], $0x40, s24, s6, $0xb8;
	[tilespmem:$0x11400] =	vst v63  }
0x19e: {  	_ =	swait.ge [sflag:s13], $0x8000  }
0x19f: {  	[sflag:s13] =	ssyncset.done $0x0  }
0x1a0: {  	s24 =	rddreg [dreg:$0x7];
	[sflag:s13] =	ssyncadd.s32 $0xFFFF8000  }
0x1a1: {  	[hbm4b:s24+s2] =	stream.linear.scatter [tilespmem:s5], [sflag:$0x3], $0x8000, $0x38;
	[tilespmem:$0x11400] =	vst v63  }
0x1a2: {  	_ =	swait.ge [sflag:s4], $0x8000  }
0x1a3: {  	s1 =	sld [smem:$0x7FC]  }
0x1a4: {  	[sflag:s4] =	ssyncset.done $0x0  }
0x1a5: {  	s24 =	sld [smem:$0x7FD];
	[sflag:s4] =	ssyncadd.s32 $0xFFFF8000  }
0x1a6: {  	[tilespmem:s5], [sflag:$0x1] =	stream.indirect.gather [hbm4b:s3+s6], $0x40, s1, s6, $0xb8;
	[tilespmem:$0x11400] =	vst v63  }
0x1a7: {  	_ = 	snop  }
0x1a8: {  	[tilespmem:s9], [sflag:$0x1] =	stream.indirect.gather [hbm4b:s3+s6], $0x40, s24, s6, $0xb8;
	[tilespmem:$0x11400] =	vst v63  }
0x1a9: {  	_ = 	snop  }
0x1aa: {  	[tilespmem:s11], [sflag:$0x1] =	stream.indirect.gather [hbm4b:s3+s6], $0x40, s31, s6, $0xb8;
	[tilespmem:$0x11400] =	vst v63  }
0x1ab: {  	_ = 	snop  }
0x1ac: {  	[tilespmem:s14], [sflag:$0x1] =	stream.indirect.gather [hbm4b:s3+s6], $0x40, s20, s6, $0xb8;
	[tilespmem:$0x11400] =	vst v63  }
0x1ad: {  	_ =	swait.ge [sflag:s8], $0x8000  }
0x1ae: {  	[sflag:s8] =	ssyncset.done $0x0  }
0x1af: {  	s24 =	rddreg [dreg:$0x8];
	[sflag:s8] =	ssyncadd.s32 $0xFFFF8000  }
0x1b0: {  	[hbm4b:s24+s2] =	stream.linear.scatter [tilespmem:s7], [sflag:$0x3], $0x8000, $0x38;
	[tilespmem:$0x11400] =	vst v63  }
0x1b1: {  	_ =	swait.ge [sflag:s4], $0x8000  }
0x1b2: {  	[sflag:s4] =	ssyncset.done $0x0  }
0x1b3: {  	[sflag:s4] =	ssyncadd.s32 $0xFFFF8000  }
0x1b4: {  	[tilespmem:s7], [sflag:$0x2] =	stream.indirect.gather [hbm4b:s3+s6], $0x40, s26, s6, $0xb8;
	[tilespmem:$0x11400] =	vst v63  }
0x1b5: {  	_ = 	snop  }
0x1b6: {  	[tilespmem:s10], [sflag:$0x2] =	stream.indirect.gather [hbm4b:s3+s6], $0x40, s28, s6, $0xb8;
	[tilespmem:$0x11400] =	vst v63  }
0x1b7: {  	_ = 	snop  }
0x1b8: {  	[tilespmem:s12], [sflag:$0x2] =	stream.indirect.gather [hbm4b:s3+s6], $0x40, s29, s6, $0xb8;
	[tilespmem:$0x11400] =	vst v63  }
0x1b9: {  	_ = 	snop  }
0x1ba: {  	[tilespmem:s15], [sflag:$0x2] =	stream.indirect.gather [hbm4b:s3+s6], $0x40, s30, s6, $0xb8;
	[tilespmem:$0x11400] =	vst v63  }
0x1bb: {  	_ =	swait.ge [sflag:s13], $0x8000  }
0x1bc: {  	[sflag:s13] =	ssyncset.done $0x0  }
0x1bd: {  	s26 =	rddreg [dreg:$0x9];
	[sflag:s13] =	ssyncadd.s32 $0xFFFF8000  }
0x1be: {  	[hbm4b:s26+s2] =	stream.linear.scatter [tilespmem:s5], [sflag:$0x3], $0x8000, $0x38;
	[tilespmem:$0x11400] =	vst v63  }
0x1bf: {  	_ =	swait.ge [sflag:s4], $0x8000  }
0x1c0: {  	[sflag:s4] =	ssyncset.done $0x0  }
0x1c1: {  	[sflag:s4] =	ssyncadd.s32 $0xFFFF8000  }
0x1c2: {  	[tilespmem:s5], [sflag:$0x1] =	stream.indirect.gather [hbm4b:s3+s6], $0x40, s21, s6, $0xb8;
	[tilespmem:$0x11400] =	vst v63  }
0x1c3: {  	_ = 	snop  }
0x1c4: {  	[tilespmem:s9], [sflag:$0x1] =	stream.indirect.gather [hbm4b:s3+s6], $0x40, s22, s6, $0xb8;
	[tilespmem:$0x11400] =	vst v63  }
0x1c5: {  	_ = 	snop  }
0x1c6: {  	[tilespmem:s11], [sflag:$0x1] =	stream.indirect.gather [hbm4b:s3+s6], $0x40, s23, s6, $0xb8;
	[tilespmem:$0x11400] =	vst v63  }
0x1c7: {  	_ = 	snop  }
0x1c8: {  	[tilespmem:s14], [sflag:$0x1] =	stream.indirect.gather [hbm4b:s3+s6], $0x40, s25, s6, $0xb8;
	[tilespmem:$0x11400] =	vst v63  }
0x1c9: {  	_ =	swait.ge [sflag:s8], $0x8000  }
0x1ca: {  	[sflag:s8] =	ssyncset.done $0x0  }
0x1cb: {  	s28 =	rddreg [dreg:$0xa];
	[sflag:s8] =	ssyncadd.s32 $0xFFFF8000  }
0x1cc: {  	[hbm4b:s28+s2] =	stream.linear.scatter [tilespmem:s7], [sflag:$0x3], $0x8000, $0x38;
	[tilespmem:$0x11400] =	vst v63  }
0x1cd: {  	_ =	swait.ge [sflag:s4], $0x8000  }
0x1ce: {  	[sflag:s4] =	ssyncset.done $0x0  }
0x1cf: {  	[sflag:s4] =	ssyncadd.s32 $0xFFFF8000  }
0x1d0: {  	[tilespmem:s7], [sflag:$0x2] =	stream.indirect.gather [hbm4b:s3+s6], $0x40, s17, s6, $0xb8;
	[tilespmem:$0x11400] =	vst v63  }
0x1d1: {  	_ = 	snop  }
0x1d2: {  	[tilespmem:s10], [sflag:$0x2] =	stream.indirect.gather [hbm4b:s3+s6], $0x40, s18, s6, $0xb8;
	[tilespmem:$0x11400] =	vst v63  }
0x1d3: {  	_ = 	snop  }
0x1d4: {  	[tilespmem:s12], [sflag:$0x2] =	stream.indirect.gather [hbm4b:s3+s6], $0x40, s19, s6, $0xb8;
	[tilespmem:$0x11400] =	vst v63  }
0x1d5: {  	s29 =	simm.s32 $0x1380  }
0x1d6: {  	[tilespmem:s15], [sflag:$0x2] =	stream.indirect.gather [hbm4b:s3+s6], $0x40, s29, s6, $0xb8;
	[tilespmem:$0x11400] =	vst v63  }
0x1d7: {  	_ =	swait.ge [sflag:s13], $0x8000  }
0x1d8: {  	[sflag:s13] =	ssyncset.done $0x0  }
0x1d9: {  	s30 =	rddreg [dreg:$0xb];
	[sflag:s13] =	ssyncadd.s32 $0xFFFF8000  }
0x1da: {  	[hbm4b:s30+s2] =	stream.linear.scatter [tilespmem:s5], [sflag:$0x3], $0x8000, $0x38;
	[tilespmem:$0x11400] =	vst v63  }
0x1db: {  	_ =	swait.ge [sflag:s4], $0x8000  }
0x1dc: {  	[sflag:s4] =	ssyncset.done $0x0  }
0x1dd: {  	[sflag:s4] =	ssyncadd.s32 $0xFFFF8000  }
0x1de: {  	_ =	swait.ge [sflag:s8], $0x8000  }
0x1df: {  	[sflag:s8] =	ssyncset.done $0x0  }
0x1e0: {  	s31 =	rddreg [dreg:$0xc];
	[sflag:s8] =	ssyncadd.s32 $0xFFFF8000  }
0x1e1: {  	[hbm4b:s31+s2] =	stream.linear.scatter [tilespmem:s7], [sflag:$0x3], $0x8000, $0x38;
	[tilespmem:$0x11400] =	vst v63  }
0x1e2: {  	_ =	swait.ge [sflag:s4], $0x8000  }
0x1e3: {  	[sflag:s4] =	ssyncset.done $0x0  }
0x1e4: {  	[sflag:s4] =	ssyncadd.s32 $0xFFFF8000  }
0x1e5: {  	_ =	sfence.sel $0x180000  }
0x1e6: {  	[bflag:$0x0] =	sbarrier.arrive $0xFFFF  }
0x1e7: {  	_ =	strace $0x9000004A  }
0x1e8: {  	[bflag:$0x2] =	sbarrier.arrive $0xFFFF  }
0x1e9: {  	p0 =	sne.s32 s16, $0x0;
	s0 =	rddreg [dreg:$0x2]  }
0x1ea: {  	s0 =	sadd.s32 @!p0 $0x100000, s0  }
0x1eb: {  	[sflag:s0] =	ssyncadd.tile.s32 @!p0 $0x1;
	_ =	shalt  }
.LBB2_1:
.Ltmp3:
0x1ec: {  	s20 =	simm.s32 $0xD80;
	(pc) =	sbr.rel .LBB2_6-.Ltmp3, $4  }
0x1ed: {  	s31 =	simm.s32 $0xD00;
	s30 =	simm.s32 $0xF80;
	s29 =	simm.s32 $0xF00  }
0x1ee: {  	s28 =	simm.s32 $0xE80;
	s26 =	simm.s32 $0xE00;
	s25 =	simm.s32 $0x1180  }
0x1ef: {  	s23 =	simm.s32 $0x1100;
	s22 =	simm.s32 $0x1080;
	s21 =	simm.s32 $0x1000  }
0x1f0: {  	s19 =	simm.s32 $0x1300;
	s18 =	simm.s32 $0x1280;
	s17 =	simm.s32 $0x1200  }
.LBB2_3:
.Ltmp4:
0x1f1: {  	s20 =	simm.s32 $0xD80;
	s31 =	simm.s32 $0xD00;
	(pc) =	sbr.rel .LBB2_6-.Ltmp4, $4  }
0x1f2: {  	s30 =	simm.s32 $0xF80;
	s29 =	simm.s32 $0xF00;
	s28 =	simm.s32 $0xE80  }
0x1f3: {  	s26 =	simm.s32 $0xE00;
	s25 =	simm.s32 $0x1180;
	s23 =	simm.s32 $0x1100  }
0x1f4: {  	s22 =	simm.s32 $0x1080;
	s21 =	simm.s32 $0x1000;
	s19 =	simm.s32 $0x1300  }
0x1f5: {  	s18 =	simm.s32 $0x1280;
	s17 =	simm.s32 $0x1200;
	s16 =	stileid.u32  }
.Lfunc_end2:
_tile_overlayer_lowered:
.L_overlay_start_2:
0x1f6: {  	(tag) =	ssettag $0x2  }
0x1f7: {  	s0 =	rddreg [dreg:$0x0];
	s2 =	stileid.u32  }
0x1f8: {  	s1 =	rddreg [dreg:$0x1];
	p0 =	sne.s32 s2, $0x0  }
0x1f9: {  	s3 =	rddreg [dreg:$0x2];
	[bflag:$0x3] =	sbarrier.arrive $0xFFFF;
	s2 =	simm.s32 @!p0 $0x1C03  }
0x1fa: {  	[timem:s3], [sflag:s2] =	dma.local @!p0 [hbm:s0], s1  }
0x1fb: {  	s0 =	simm.s32 @!p0 $0x3  }
0x1fc: {  	_ =	swait.ge @!p0 [sflag:s0], s1  }
0x1fd: {  	s1 =	ssub.s32 @!p0 $0x0, s1;
	[sflag:s0] =	ssyncset.done @!p0 $0x0  }
0x1fe: {  	[sflag:s0] =	ssyncadd.s32 @!p0 s1  }
0x1ff: {  	[bflag:$0x3] =	sbarrier.arrive $0xFFFF  }
0x200: {  	_ =	shalt  }

// kernel: kernel.13.cloned.1.call-start
scs
__scs_entry_jumppad:
0x0: {  	(pc) =	sbr.rel $0x88, $3  }
0x1: {  	(tag) =	ssettag $0x0;
	lr =	simm.s32 $0x1  }
0x2: {  	[smem:$0x3F96] =	sst lr;
	_ =	strace $0xD0000000  }
0x3: {  	_ = 	snop  }
0x4: {  	_ = 	snop  }
0x5: {  	_ = 	snop  }
0x6: {  	_ = 	snop  }
0x7: {  	_ = 	snop  }
__scs_overlays_trampoline_lowered:
0x8: {  	[smem:$0x3FA5] =	sst s0  }
0x9: {  	[smem:$0x3FA6] =	sst s1  }
0xa: {  	[smem:$0x3FA7] =	sst s2  }
0xb: {  	[smem:$0x3FA8] =	sst s3  }
0xc: {  	[smem:$0x3FA9] =	sst s4  }
0xd: {  	[smem:$0x3FAA] =	sst s5  }
0xe: {  	[smem:$0x3FAB] =	sst s6  }
0xf: {  	[smem:$0x3FAC] =	sst s7  }
0x10: {  	[smem:$0x3FAD] =	sst s8  }
0x11: {  	[smem:$0x3FAE] =	sst s9;
	s0 =	simm.s32 @!p0 $0x0  }
0x12: {  	s1 =	sld [smem:$0x3F94];
	s0 =	simm.s32 @p0 $0x1  }
0x13: {  	[smem:$0x3FAF] =	sst s0;
	s0 =	simm.s32 @!p1 $0x0  }
0x14: {  	s2 =	sld [smem:$0x3F93];
	s0 =	simm.s32 @p1 $0x1  }
0x15: {  	[smem:$0x3FB0] =	sst s0;
	s0 =	simm.s32 @!p2 $0x0  }
0x16: {  	s3 =	sld [smem:$0x3FDB];
	s0 =	simm.s32 @p2 $0x1  }
0x17: {  	s4 =	simm.s32 $0x1BF5;
	[smem:$0x3FB2] =	sst s0  }
0x18: {  	s0 =	sld [smem:$0x3F95];
	_ =	swait.ge [sflag:s4], $0x0  }
0x19: {  	s7 =	sld [smem:$0x3F96]  }
0x1a: {  	s8 =	sadd.s32 $0xFFFFE003, lr  }
0x1b: {  	s9 =	sadd.s32 $0xFFFFFEF7, lr;
	s5 =	simm.s32 $0xFFFFFFFF;
	p2 =	slt.u32 s8, $0xFFFFF086  }
0x1c: {  	p1 =	slt.u32 s9, $0xF7A;
	s5 =	simm.s32 @!p2 $0x0  }
0x1d: {  	s5 =	simm.s32 @p1 $0x1;
	p0 =	seq.s32 s7, s2  }
0x1e: {  	s7 =	smul.u32 @!p0 $0xF7A, s2;
	p2 =	seq.s32 @!p0 s5, $0x0  }
0x1f: {  	s9 =	smul.u32 $0xF7A, s1;
	s8 =	simm.s32 @!p0 $0x1BF5;
	p2 =	por !p2, p0  }
0x20: {  	[sflag:s8] =	ssyncset.s32 @!p0 $0xFFFFF086;
	s6 =	sadd.s32 @!p0 s3, s7;
	s7 =	simm.s32 @!p0 $0x108  }
0x21: {  	s3 =	sadd.s32 s3, s9;
	s6 =	sadd.s32 @!p0 $0x88, s6;
	s7 =	simm.s32 @p2 $0x1082  }
0x22: {  	[simem:s7], [sflag:s8] =	dma.local @!p0 [hbm:s6], $0xF7A  }
0x23: {  	s9 =	sor.u32 $0xD0000000, s2;
	s6 =	simm.s32 $0x108;
	_ =	swait.ge @!p0 [sflag:s8], $0x0  }
0x24: {  	s3 =	sadd.s32 $0x88, s3;
	s6 =	simm.s32 @!p1 $0x1082;
	[sflag:s4] =	ssyncset.s32 $0xFFFFF086  }
0x25: {  	[simem:s6], [sflag:s4] =	dma.local [hbm:s3], $0xF7A  }
0x26: {  	[smem:$0x3F96] =	sst s1;
	(tag) =	ssettag s2;
	_ =	strace s9  }
0x27: {  	s1 =	sld [smem:$0x3FA6]  }
0x28: {  	s2 =	sld [smem:$0x3FA7]  }
0x29: {  	s4 =	sld [smem:$0x3FA9]  }
0x2a: {  	p0 =	seq.s32 s5, $0x0;
	s5 =	sld [smem:$0x3FAA]  }
0x2b: {  	s6 =	sld [smem:$0x3FAB]  }
0x2c: {  	s7 =	sld [smem:$0x3FAC]  }
0x2d: {  	s3 =	simm.s32 $0x108;
	s8 =	sld [smem:$0x3FAD]  }
0x2e: {  	s3 =	simm.s32 @!p0 $0x1082;
	s9 =	sld [smem:$0x3FAE]  }
0x2f: {  	lr =	sadd.s32 s0, s3;
	s0 =	sld [smem:$0x3FA5]  }
0x30: {  	s3 =	sld [smem:$0x3FA8]  }
0x31: {  	[smem:$0x3FB1] =	sst s10  }
0x32: {  	s10 =	sld [smem:$0x3FAF];
	_ =	sdelay $0x3  }
0x33: {  	p0 =	seq.s32 s10, $0x1;
	s10 =	sld [smem:$0x3FB1];
	_ =	sdelay $0x3  }
0x34: {  	[smem:$0x3FB1] =	sst s10  }
0x35: {  	s10 =	sld [smem:$0x3FB0];
	_ =	sdelay $0x3  }
0x36: {  	p1 =	seq.s32 s10, $0x1;
	s10 =	sld [smem:$0x3FB1];
	_ =	sdelay $0x3  }
0x37: {  	[smem:$0x3FB1] =	sst s10  }
0x38: {  	s10 =	sld [smem:$0x3FB2]  }
0x39: {  	_ = 	snop;
	(pc) =	sbr.ind lr, $3  }
0x3a: {  	_ = 	snop  }
0x3b: {  	_ = 	snop  }
0x3c: {  	p2 =	seq.s32 s10, $0x1;
	s10 =	sld [smem:$0x3FB1]  }
0x3d: {  	_ =	shalt  }
0x3e: {  	_ =	shalt  }
0x3f: {  	_ =	shalt  }
0x40: {  	_ =	shalt  }
0x41: {  	_ =	shalt  }
0x42: {  	_ =	shalt  }
0x43: {  	_ =	shalt  }
0x44: {  	_ =	shalt  }
0x45: {  	_ =	shalt  }
0x46: {  	_ =	shalt  }
0x47: {  	_ =	shalt  }
0x48: {  	_ =	shalt  }
0x49: {  	_ =	shalt  }
0x4a: {  	_ =	shalt  }
0x4b: {  	_ =	shalt  }
0x4c: {  	_ =	shalt  }
0x4d: {  	_ =	shalt  }
0x4e: {  	_ =	shalt  }
0x4f: {  	_ =	shalt  }
0x50: {  	_ =	shalt  }
0x51: {  	_ =	shalt  }
0x52: {  	_ =	shalt  }
0x53: {  	_ =	shalt  }
0x54: {  	_ =	shalt  }
0x55: {  	_ =	shalt  }
0x56: {  	_ =	shalt  }
0x57: {  	_ =	shalt  }
0x58: {  	_ =	shalt  }
0x59: {  	_ =	shalt  }
0x5a: {  	_ =	shalt  }
0x5b: {  	_ =	shalt  }
0x5c: {  	_ =	shalt  }
0x5d: {  	_ =	shalt  }
0x5e: {  	_ =	shalt  }
0x5f: {  	_ =	shalt  }
0x60: {  	_ =	shalt  }
0x61: {  	_ =	shalt  }
0x62: {  	_ =	shalt  }
0x63: {  	_ =	shalt  }
0x64: {  	_ =	shalt  }
0x65: {  	_ =	shalt  }
0x66: {  	_ =	shalt  }
0x67: {  	_ =	shalt  }
0x68: {  	_ =	shalt  }
0x69: {  	_ =	shalt  }
0x6a: {  	_ =	shalt  }
0x6b: {  	_ =	shalt  }
0x6c: {  	_ =	shalt  }
0x6d: {  	_ =	shalt  }
0x6e: {  	_ =	shalt  }
0x6f: {  	_ =	shalt  }
0x70: {  	_ =	shalt  }
0x71: {  	_ =	shalt  }
0x72: {  	_ =	shalt  }
0x73: {  	_ =	shalt  }
0x74: {  	_ =	shalt  }
0x75: {  	_ =	shalt  }
0x76: {  	_ =	shalt  }
0x77: {  	_ =	shalt  }
0x78: {  	_ =	shalt  }
0x79: {  	_ =	shalt  }
0x7a: {  	_ =	shalt  }
0x7b: {  	_ =	shalt  }
0x7c: {  	_ =	shalt  }
0x7d: {  	_ =	shalt  }
0x7e: {  	_ =	shalt  }
0x7f: {  	_ =	shalt  }
0x80: {  	_ =	shalt  }
0x81: {  	_ =	shalt  }
0x82: {  	_ =	shalt  }
0x83: {  	_ =	shalt  }
0x84: {  	_ =	shalt  }
0x85: {  	_ =	shalt  }
0x86: {  	_ =	shalt  }
0x87: {  	_ =	shalt  }
.Lfunc_end0:
.L_simem_size_0:
called_computation.1_lowered:
.L_overlay_start_0:
0x88: {  	s2 =	sld [smem:$0x3FD9]  }
0x89: {  	s3 =	sld [smem:$0x3FFE];
	_ =	sdelay $0x1  }
0x8a: {  	s1 =	srdreg.scid  }
0x8b: {  	s0 =	sand.u32 $0x1, s1  }
0x8c: {  	s17 =	sshll.u32 s0, $0xA;
	s2 =	sadd.s32 s3, s2  }
0x8d: {  	s2 =	sadd.s32 s2, s17  }
0x8e: {  	[smem:$0x3FBD] =	sst s2  }
0x8f: {  	_ = 	snop  }
0x90: {  	s2 =	sld [smem:$0x3FD0];
	(tm) =	ssettm $0x1  }
0x91: {  	s18 =	sld [smem:$0x3FFB];
	_ =	sdelay $0x3  }
0x92: {  	_ =	strace s18  }
0x93: {  	s3 =	sld [smem:$0x3FFC];
	_ =	sdelay $0x3  }
0x94: {  	_ =	strace s3  }
0x95: {  	s3 =	sld [smem:$0x3FFD];
	_ =	sdelay $0x3  }
0x96: {  	_ =	strace s3  }
0x97: {  	_ =	strace $0x8FFFFFFF  }
0x98: {  	s19 =	sld [smem:$0x3FDB];
	_ =	sdelay $0x1  }
0x99: {  	s4 =	simm.s32 $_scs_section_size  }
0x9a: {  	s5 =	simm.s32 $_size__tile_overlayer_lowered;
	s6 =	simm.s32 $_tile_overlayer_lowered  }
0x9b: {  	s22 =	simm.s32 $0x1BFF;
	s21 =	sshll.u32 s6, $0x1;
	s3 =	sadd.s32 s4, s19  }
0x9c: {  	s7 =	simm.s32 $0x0;
	s20 =	sshll.u32 s5, $0x1;
	s5 =	sadd.s32 s21, s3  }
0x9d: {  	[timem:s7], [sflag:s22] =	dma.local [hbm:s5], s20  }
0x9e: {  	_ =	swait.ge [sflag:s22], s20  }
0x9f: {  	s4 =	ssub.s32 $0x0, s20;
	[sflag:s22] =	ssyncset.done $0x0  }
0xa0: {  	[sflag:s22] =	ssyncadd.s32 s4;
	_ =	sdelay $0x1  }
0xa1: {  	s23 =	simm.s32 $0x1B8B  }
0xa2: {  	_ =	swait.ge [sflag:s23], $0x1  }
0xa3: {  	[sflag:s23] =	ssyncset.done $0x0  }
0xa4: {  	s25 =	simm.s32 $0x1B8E;
	s24 =	sld [smem:$0x3FFE];
	[sflag:s23] =	ssyncadd.s32 $0xFFFFFFFF  }
0xa5: {  	s26 =	simm.s32 $execute0_lowered;
	[smem:$0x3FD2] =	sst s25  }
0xa6: {  	s5 =	sshll.u32 s26, $0x1;
	_ =	strace $0x80000046;
	[dreg:$0x1] =	wrdreg $0xFFFFFFFF  }
0xa7: {  	s28 =	simm.s32 $_size_execute0_lowered;
	s3 =	sadd.s32 s3, s5;
	[dreg:$0x0] =	wrdreg $0x0  }
0xa8: {  	s5 =	sshll.u32 s28, $0x1;
	[dreg:$0x2] =	wrdreg s3  }
0xa9: {  	[dreg:$0x3] =	wrdreg s5  }
0xaa: {  	[dreg:$0x4] =	wrdreg $0xC0  }
0xab: {  	_ =	task [dreg:s7], $0x5FFFF  }
0xac: {  	[dreg:$0x1] =	wrdreg $0xFFFFFFFF  }
0xad: {  	[dreg:$0x0] =	wrdreg $0x60  }
0xae: {  	[dreg:$0x2] =	wrdreg s2  }
0xaf: {  	[dreg:$0x3] =	wrdreg s24  }
0xb0: {  	[dreg:$0x4] =	wrdreg $0xA  }
0xb1: {  	_ =	task.clear_ibuf [dreg:s7], $0x5FFFF;
	_ =	strace $0x90000046  }
0xb2: {  	s29 =	simm.s32 $0xA;
	_ =	strace $0x80000048  }
0xb3: {  	_ =	swait.ge [sflag:s29], $0x1  }
0xb4: {  	[sflag:s29] =	ssyncadd.s32 $0xFFFFFFFF  }
0xb5: {  	_ =	strace $0x90000048  }
0xb6: {  	_ =	sfence  }
0xb7: {  	s30 =	sld [smem:$0x0];
	_ =	sdelay $0x2  }
0xb8: {  	s31 =	sshll.u32 s1, $0xD;
	s1 =	sshrl.u32 s1, $0x2  }
0xb9: {  	s3 =	sand.u32 $0x4000, s31;
	s1 =	sadd.s32 s1, s30  }
0xba: {  	s0 =	sor.u32 s3, s0;
	s1 =	sshll.u32 s1, $0x11  }
0xbb: {  	s0 =	sor.u32 s1, s0  }
0xbc: {  	s0 =	sadd.s32 $0x8F2B, s0  }
0xbd: {  	[sflag:s0] =	ssyncadd.remote.s32 $0x1  }
0xbe: {  	_ =	sfence.sel $0xFFFF  }
0xbf: {  	[dreg:$0x0] =	wrdreg $0xFFFFFFFF;
	(pc) =	sbr.abs _section_cstart, $3  }
0xc0: {  	[dreg:$0x1] =	wrdreg $0xFFFFFFFF  }
0xc1: {  	_ =	task.clear_ibuf [dreg:s7], $0x2FFFF;
	_ =	strace $0x9FFFFFFF  }
0xc2: {  	(tm) =	ssettm $0x7FFFFFFF  }
0xc3: {  	_ =	shalt  }
tec
execute0_lowered:
.L_overlay_start_1:
0x0: {  	(tag) =	ssettag $0x1  }
0x1: {  	s3 =	rddreg [dreg:$0x0]  }
0x2: {  	s4 =	rddreg [dreg:$0x1];
	s2 =	simm.s32 $0x0  }
0x3: {  	s0 =	srdreg.scid;
	s22 =	simm.s32 $0x100;
	[smem:$0x7FF] =	sst s2  }
0x4: {  	s23 =	simm.s32 $0x180;
	_ =	strace $0x80000047;
	[dreg:$0xd] =	wrdreg s22  }
0x5: {  	s16 =	stileid.u32;
	s25 =	simm.s32 $0x200;
	[dreg:$0xe] =	wrdreg s23  }
0x6: {  	s26 =	simm.s32 $0x280;
	s7 =	simm.s32 $0x480;
	[dreg:$0xf] =	wrdreg s25  }
0x7: {  	s8 =	simm.s32 $0x500;
	s9 =	simm.s32 $0x580;
	[dreg:$0x10] =	wrdreg s26  }
0x8: {  	s10 =	simm.s32 $0x600;
	s12 =	simm.s32 $0x680;
	[dreg:$0x14] =	wrdreg s7  }
0x9: {  	s31 =	simm.s32 $0xD00;
	s28 =	simm.s32 $0xE80;
	[dreg:$0x15] =	wrdreg s8  }
0xa: {  	s29 =	simm.s32 $0xF00;
	s0 =	sand.u32 $0x1, s0;
	[dreg:$0x16] =	wrdreg s9  }
0xb: {  	s30 =	simm.s32 $0xF80;
	s1 =	sshll.u32 s0, $0x4;
	[dreg:$0x17] =	wrdreg s10  }
0xc: {  	[dreg:$0x18] =	wrdreg s12;
	s22 =	simm.s32 $0xB00;
	s1 =	sor.u32 s16, s1  }
0xd: {  	s23 =	simm.s32 $0xB80;
	[smem:$0x7FA] =	sst s22;
	s5 =	smul.u32 $0x280, s1  }
0xe: {  	s25 =	simm.s32 $0xC00;
	[smem:$0x7FB] =	sst s23;
	s6 =	smul.u32 $0x50000, s1  }
0xf: {  	s26 =	simm.s32 $0xC80;
	[smem:$0x7FC] =	sst s25;
	s1 =	smul.u32 $0xA000, s1  }
0x10: {  	[smem:$0x7FD] =	sst s26;
	s5 =	sadd.s32 s5, s4;
	s4 =	sadd.s32 $0xBA00, s4  }
0x11: {  	s6 =	sshrl.u32 s6, $0x3;
	s5 =	sadd.s32 $0x6A00, s5;
	s1 =	sadd.s32 s4, s1  }
0x12: {  	s24 =	sadd.s32 s4, s6;
	s4 =	simm.s32 $0x300;
	[dreg:$0x3] =	wrdreg s5  }
0x13: {  	p0 =	por $0x0, $0x0;
	s6 =	simm.s32 $0x400;
	[dreg:$0x11] =	wrdreg s4  }
0x14: {  	s0 =	ssub.s32 $0x2, s0;
	s13 =	sadd.s32 $0x1000, s1;
	[dreg:$0x13] =	wrdreg s6  }
0x15: {  	s9 =	simm.s32 $0x3400;
	s14 =	sadd.s32 $0x2000, s24;
	[dreg:$0x4] =	wrdreg s13  }
0x16: {  	s7 =	simm.s32 $0x9400;
	s15 =	sadd.s32 $0x3000, s1;
	[dreg:$0x5] =	wrdreg s14  }
0x17: {  	s10 =	simm.s32 $0xB400;
	s17 =	sadd.s32 $0x4000, s24;
	[dreg:$0x6] =	wrdreg s15  }
0x18: {  	s12 =	simm.s32 $0xD400;
	s18 =	sadd.s32 $0x5000, s1;
	[dreg:$0x7] =	wrdreg s17  }
0x19: {  	s8 =	simm.s32 $0x2;
	s19 =	sadd.s32 $0x6000, s24;
	[dreg:$0x8] =	wrdreg s18  }
0x1a: {  	s11 =	sshrl.u32 s0, $0x1;
	s20 =	sadd.s32 $0x7000, s1;
	[dreg:$0x9] =	wrdreg s19  }
0x1b: {  	s26 =	simm.s32 $0xE00;
	s21 =	sadd.s32 $0x8000, s24;
	[dreg:$0xa] =	wrdreg s20  }
0x1c: {  	s0 =	ssub.s32 s0, s11;
	s1 =	sadd.s32 $0x9000, s1;
	[dreg:$0xb] =	wrdreg s21  }
0x1d: {  	s0 =	smax.u32 s0, $0x1;
	s5 =	simm.s32 $0x380;
	[dreg:$0xc] =	wrdreg s1  }
0x1e: {  	s22 =	simm.s32 $0x1080;
	p1 =	sne.s32 s0, $0x1;
	[dreg:$0x12] =	wrdreg s5  }
0x1f: {  	s13 =	simm.s32 $0x700;
	s1 =	sadd.s32 $0xFFFFFFFF, s0;
	s0 =	rddreg [dreg:$0x3]  }
0x20: {  	s23 =	simm.s32 $0x1100;
	s14 =	simm.s32 $0x780;
	[dreg:$0x19] =	wrdreg s13  }
0x21: {  	s25 =	simm.s32 $0x1180;
	s15 =	simm.s32 $0x800;
	[dreg:$0x1a] =	wrdreg s14  }
0x22: {  	s11 =	simm.s32 $0x5400;
	s17 =	simm.s32 $0x880;
	[dreg:$0x1b] =	wrdreg s15  }
0x23: {  	s4 =	simm.s32 $0x3;
	s18 =	simm.s32 $0x900;
	[dreg:$0x1c] =	wrdreg s17  }
0x24: {  	s6 =	simm.s32 $0x80;
	s19 =	simm.s32 $0x980;
	[dreg:$0x1d] =	wrdreg s18  }
.Ltmp0:
0x25: {  	s20 =	simm.s32 $0xA00;
	[dreg:$0x1e] =	wrdreg s19;
	(pc) =	sbr.rel @!p1 .LBB2_1-.Ltmp0, $4  }
0x26: {  	s5 =	simm.s32 $0x1400;
	s21 =	simm.s32 $0xA80;
	[dreg:$0x1f] =	wrdreg s20  }
0x27: {  	s14 =	simm.s32 $0x7400;
	[smem:$0x7F9] =	sst s21;
	s15 =	simm.s32 $0xF400  }
0x28: {  	s13 =	simm.s32 $0x1;
	s21 =	simm.s32 $0xD80;
	s17 =	simm.s32 $0x1200  }
0x29: {  	s18 =	simm.s32 $0x1280;
	s19 =	simm.s32 $0x1300;
	s20 =	simm.s32 $0x1380  }
0x2a: {  	[tilespmem:s2], [sflag:$0x3] =	stream.linear.gather [hbm4b:s0+s2], $0x1400, $0x38;
	[tilespmem:$0x11400] =	vst v63  }
0x2b: {  	_ =	swait.ge [sflag:s4], $0x1400  }
0x2c: {  	[sflag:s4] =	ssyncset.done $0x0  }
0x2d: {  	[sflag:s4] =	ssyncadd.s32 $0xFFFFEC00  }
0x2e: {  	[tilespmem:s5], [sflag:$0x1] =	stream.indirect.gather [hbm4b:s3+s6], $0x40, s2, s6, $0xb8;
	[tilespmem:$0x11400] =	vst v63  }
0x2f: {  	_ = 	snop  }
0x30: {  	[tilespmem:s9], [sflag:$0x1] =	stream.indirect.gather [hbm4b:s3+s6], $0x40, s6, s6, $0xb8;
	[tilespmem:$0x11400] =	vst v63  }
0x31: {  	s0 =	rddreg [dreg:$0xd]  }
0x32: {  	[tilespmem:s11], [sflag:$0x1] =	stream.indirect.gather [hbm4b:s3+s6], $0x40, s0, s6, $0xb8;
	[tilespmem:$0x11400] =	vst v63  }
0x33: {  	s16 =	smov.u32 s1;
	s1 =	rddreg [dreg:$0xe]  }
0x34: {  	[tilespmem:s14], [sflag:$0x1] =	stream.indirect.gather [hbm4b:s3+s6], $0x40, s1, s6, $0xb8;
	[tilespmem:$0x11400] =	vst v63  }
0x35: {  	s0 =	rddreg [dreg:$0xf]  }
0x36: {  	[tilespmem:s7], [sflag:$0x2] =	stream.indirect.gather [hbm4b:s3+s6], $0x40, s0, s6, $0xb8;
	[tilespmem:$0x11400] =	vst v63  }
0x37: {  	s1 =	rddreg [dreg:$0x10]  }
0x38: {  	[tilespmem:s10], [sflag:$0x2] =	stream.indirect.gather [hbm4b:s3+s6], $0x40, s1, s6, $0xb8;
	[tilespmem:$0x11400] =	vst v63  }
0x39: {  	s0 =	rddreg [dreg:$0x11]  }
0x3a: {  	[tilespmem:s12], [sflag:$0x2] =	stream.indirect.gather [hbm4b:s3+s6], $0x40, s0, s6, $0xb8;
	[tilespmem:$0x11400] =	vst v63  }
0x3b: {  	s1 =	rddreg [dreg:$0x12]  }
0x3c: {  	[tilespmem:s15], [sflag:$0x2] =	stream.indirect.gather [hbm4b:s3+s6], $0x40, s1, s6, $0xb8;
	[tilespmem:$0x11400] =	vst v63  }
0x3d: {  	_ =	swait.ge [sflag:s13], $0x8000  }
0x3e: {  	[sflag:s13] =	ssyncset.done $0x0  }
0x3f: {  	[sflag:s13] =	ssyncadd.s32 $0xFFFF8000  }
0x40: {  	[hbm4b:s24+s2] =	stream.linear.scatter [tilespmem:s5], [sflag:$0x3], $0x8000, $0x38;
	[tilespmem:$0x11400] =	vst v63  }
0x41: {  	_ =	swait.ge [sflag:s4], $0x8000  }
0x42: {  	[sflag:s4] =	ssyncset.done $0x0  }
0x43: {  	s0 =	rddreg [dreg:$0x13];
	[sflag:s4] =	ssyncadd.s32 $0xFFFF8000  }
0x44: {  	[tilespmem:s5], [sflag:$0x1] =	stream.indirect.gather [hbm4b:s3+s6], $0x40, s0, s6, $0xb8;
	[tilespmem:$0x11400] =	vst v63  }
0x45: {  	s1 =	rddreg [dreg:$0x14]  }
0x46: {  	[tilespmem:s9], [sflag:$0x1] =	stream.indirect.gather [hbm4b:s3+s6], $0x40, s1, s6, $0xb8;
	[tilespmem:$0x11400] =	vst v63  }
0x47: {  	s0 =	rddreg [dreg:$0x15]  }
0x48: {  	[tilespmem:s11], [sflag:$0x1] =	stream.indirect.gather [hbm4b:s3+s6], $0x40, s0, s6, $0xb8;
	[tilespmem:$0x11400] =	vst v63  }
0x49: {  	s1 =	rddreg [dreg:$0x16]  }
0x4a: {  	[tilespmem:s14], [sflag:$0x1] =	stream.indirect.gather [hbm4b:s3+s6], $0x40, s1, s6, $0xb8;
	[tilespmem:$0x11400] =	vst v63  }
0x4b: {  	_ =	swait.ge [sflag:s8], $0x8000  }
0x4c: {  	[sflag:s8] =	ssyncset.done $0x0  }
0x4d: {  	s1 =	rddreg [dreg:$0x4];
	[sflag:s8] =	ssyncadd.s32 $0xFFFF8000  }
0x4e: {  	[hbm4b:s1+s2] =	stream.linear.scatter [tilespmem:s7], [sflag:$0x3], $0x8000, $0x38;
	[tilespmem:$0x11400] =	vst v63  }
0x4f: {  	_ =	swait.ge [sflag:s4], $0x8000  }
0x50: {  	[sflag:s4] =	ssyncset.done $0x0  }
0x51: {  	s0 =	rddreg [dreg:$0x17];
	[sflag:s4] =	ssyncadd.s32 $0xFFFF8000  }
0x52: {  	[tilespmem:s7], [sflag:$0x2] =	stream.indirect.gather [hbm4b:s3+s6], $0x40, s0, s6, $0xb8;
	[tilespmem:$0x11400] =	vst v63  }
0x53: {  	s1 =	rddreg [dreg:$0x18]  }
0x54: {  	[tilespmem:s10], [sflag:$0x2] =	stream.indirect.gather [hbm4b:s3+s6], $0x40, s1, s6, $0xb8;
	[tilespmem:$0x11400] =	vst v63  }
0x55: {  	s0 =	rddreg [dreg:$0x19]  }
0x56: {  	[tilespmem:s12], [sflag:$0x2] =	stream.indirect.gather [hbm4b:s3+s6], $0x40, s0, s6, $0xb8;
	[tilespmem:$0x11400] =	vst v63  }
0x57: {  	s1 =	rddreg [dreg:$0x1a]  }
0x58: {  	[tilespmem:s15], [sflag:$0x2] =	stream.indirect.gather [hbm4b:s3+s6], $0x40, s1, s6, $0xb8;
	[tilespmem:$0x11400] =	vst v63  }
0x59: {  	_ =	swait.ge [sflag:s13], $0x8000  }
0x5a: {  	[sflag:s13] =	ssyncset.done $0x0  }
0x5b: {  	s1 =	rddreg [dreg:$0x5];
	[sflag:s13] =	ssyncadd.s32 $0xFFFF8000  }
0x5c: {  	[hbm4b:s1+s2] =	stream.linear.scatter [tilespmem:s5], [sflag:$0x3], $0x8000, $0x38;
	[tilespmem:$0x11400] =	vst v63  }
0x5d: {  	_ =	swait.ge [sflag:s4], $0x8000  }
0x5e: {  	[sflag:s4] =	ssyncset.done $0x0  }
0x5f: {  	s0 =	rddreg [dreg:$0x1b];
	[sflag:s4] =	ssyncadd.s32 $0xFFFF8000  }
0x60: {  	[tilespmem:s5], [sflag:$0x1] =	stream.indirect.gather [hbm4b:s3+s6], $0x40, s0, s6, $0xb8;
	[tilespmem:$0x11400] =	vst v63  }
0x61: {  	s1 =	rddreg [dreg:$0x1c]  }
0x62: {  	[tilespmem:s9], [sflag:$0x1] =	stream.indirect.gather [hbm4b:s3+s6], $0x40, s1, s6, $0xb8;
	[tilespmem:$0x11400] =	vst v63  }
0x63: {  	s0 =	rddreg [dreg:$0x1d]  }
0x64: {  	[tilespmem:s11], [sflag:$0x1] =	stream.indirect.gather [hbm4b:s3+s6], $0x40, s0, s6, $0xb8;
	[tilespmem:$0x11400] =	vst v63  }
0x65: {  	s1 =	rddreg [dreg:$0x1e]  }
0x66: {  	[tilespmem:s14], [sflag:$0x1] =	stream.indirect.gather [hbm4b:s3+s6], $0x40, s1, s6, $0xb8;
	[tilespmem:$0x11400] =	vst v63  }
0x67: {  	_ =	swait.ge [sflag:s8], $0x8000  }
0x68: {  	[sflag:s8] =	ssyncset.done $0x0  }
0x69: {  	s1 =	rddreg [dreg:$0x6];
	[sflag:s8] =	ssyncadd.s32 $0xFFFF8000  }
0x6a: {  	[hbm4b:s1+s2] =	stream.linear.scatter [tilespmem:s7], [sflag:$0x3], $0x8000, $0x38;
	[tilespmem:$0x11400] =	vst v63  }
0x6b: {  	_ =	swait.ge [sflag:s4], $0x8000  }
0x6c: {  	s0 =	rddreg [dreg:$0x1f];
	[sflag:s4] =	ssyncset.done $0x0  }
0x6d: {  	s1 =	sld [smem:$0x7F9];
	[sflag:s4] =	ssyncadd.s32 $0xFFFF8000  }
0x6e: {  	[tilespmem:s7], [sflag:$0x2] =	stream.indirect.gather [hbm4b:s3+s6], $0x40, s0, s6, $0xb8;
	[tilespmem:$0x11400] =	vst v63  }
0x6f: {  	s0 =	sld [smem:$0x7FA]  }
0x70: {  	[tilespmem:s10], [sflag:$0x2] =	stream.indirect.gather [hbm4b:s3+s6], $0x40, s1, s6, $0xb8;
	[tilespmem:$0x11400] =	vst v63  }
0x71: {  	s1 =	sld [smem:$0x7FB]  }
0x72: {  	[tilespmem:s12], [sflag:$0x2] =	stream.indirect.gather [hbm4b:s3+s6], $0x40, s0, s6, $0xb8;
	[tilespmem:$0x11400] =	vst v63  }
0x73: {  	_ = 	snop  }
0x74: {  	[tilespmem:s15], [sflag:$0x2] =	stream.indirect.gather [hbm4b:s3+s6], $0x40, s1, s6, $0xb8;
	[tilespmem:$0x11400] =	vst v63  }
0x75: {  	_ =	swait.ge [sflag:s13], $0x8000  }
0x76: {  	[sflag:s13] =	ssyncset.done $0x0  }
0x77: {  	s1 =	rddreg [dreg:$0x7];
	[sflag:s13] =	ssyncadd.s32 $0xFFFF8000  }
0x78: {  	[hbm4b:s1+s2] =	stream.linear.scatter [tilespmem:s5], [sflag:$0x3], $0x8000, $0x38;
	[tilespmem:$0x11400] =	vst v63  }
0x79: {  	_ =	swait.ge [sflag:s4], $0x8000  }
0x7a: {  	s0 =	sld [smem:$0x7FC]  }
0x7b: {  	[sflag:s4] =	ssyncset.done $0x0  }
0x7c: {  	s1 =	sld [smem:$0x7FD];
	[sflag:s4] =	ssyncadd.s32 $0xFFFF8000  }
0x7d: {  	[tilespmem:s5], [sflag:$0x1] =	stream.indirect.gather [hbm4b:s3+s6], $0x40, s0, s6, $0xb8;
	[tilespmem:$0x11400] =	vst v63  }
0x7e: {  	_ = 	snop  }
0x7f: {  	[tilespmem:s9], [sflag:$0x1] =	stream.indirect.gather [hbm4b:s3+s6], $0x40, s1, s6, $0xb8;
	[tilespmem:$0x11400] =	vst v63  }
0x80: {  	_ = 	snop  }
0x81: {  	[tilespmem:s11], [sflag:$0x1] =	stream.indirect.gather [hbm4b:s3+s6], $0x40, s31, s6, $0xb8;
	[tilespmem:$0x11400] =	vst v63  }
0x82: {  	_ = 	snop  }
0x83: {  	[tilespmem:s14], [sflag:$0x1] =	stream.indirect.gather [hbm4b:s3+s6], $0x40, s21, s6, $0xb8;
	[tilespmem:$0x11400] =	vst v63  }
0x84: {  	_ =	swait.ge [sflag:s8], $0x8000  }
0x85: {  	[sflag:s8] =	ssyncset.done $0x0  }
0x86: {  	s1 =	rddreg [dreg:$0x8];
	[sflag:s8] =	ssyncadd.s32 $0xFFFF8000  }
0x87: {  	[hbm4b:s1+s2] =	stream.linear.scatter [tilespmem:s7], [sflag:$0x3], $0x8000, $0x38;
	[tilespmem:$0x11400] =	vst v63  }
0x88: {  	_ =	swait.ge [sflag:s4], $0x8000  }
0x89: {  	[sflag:s4] =	ssyncset.done $0x0  }
0x8a: {  	[sflag:s4] =	ssyncadd.s32 $0xFFFF8000  }
0x8b: {  	[tilespmem:s7], [sflag:$0x2] =	stream.indirect.gather [hbm4b:s3+s6], $0x40, s26, s6, $0xb8;
	[tilespmem:$0x11400] =	vst v63  }
0x8c: {  	_ = 	snop  }
0x8d: {  	[tilespmem:s10], [sflag:$0x2] =	stream.indirect.gather [hbm4b:s3+s6], $0x40, s28, s6, $0xb8;
	[tilespmem:$0x11400] =	vst v63  }
0x8e: {  	_ = 	snop  }
0x8f: {  	[tilespmem:s12], [sflag:$0x2] =	stream.indirect.gather [hbm4b:s3+s6], $0x40, s29, s6, $0xb8;
	[tilespmem:$0x11400] =	vst v63  }
0x90: {  	_ = 	snop  }
0x91: {  	[tilespmem:s15], [sflag:$0x2] =	stream.indirect.gather [hbm4b:s3+s6], $0x40, s30, s6, $0xb8;
	[tilespmem:$0x11400] =	vst v63  }
0x92: {  	_ =	swait.ge [sflag:s13], $0x8000  }
0x93: {  	[sflag:s13] =	ssyncset.done $0x0  }
0x94: {  	s1 =	rddreg [dreg:$0x9];
	[sflag:s13] =	ssyncadd.s32 $0xFFFF8000  }
0x95: {  	[hbm4b:s1+s2] =	stream.linear.scatter [tilespmem:s5], [sflag:$0x3], $0x8000, $0x38;
	[tilespmem:$0x11400] =	vst v63  }
0x96: {  	_ =	swait.ge [sflag:s4], $0x8000  }
0x97: {  	[sflag:s4] =	ssyncset.done $0x0  }
0x98: {  	s1 =	simm.s32 $0x1000;
	[sflag:s4] =	ssyncadd.s32 $0xFFFF8000  }
0x99: {  	[tilespmem:s5], [sflag:$0x1] =	stream.indirect.gather [hbm4b:s3+s6], $0x40, s1, s6, $0xb8;
	[tilespmem:$0x11400] =	vst v63  }
0x9a: {  	_ = 	snop  }
0x9b: {  	[tilespmem:s9], [sflag:$0x1] =	stream.indirect.gather [hbm4b:s3+s6], $0x40, s22, s6, $0xb8;
	[tilespmem:$0x11400] =	vst v63  }
0x9c: {  	_ = 	snop  }
0x9d: {  	[tilespmem:s11], [sflag:$0x1] =	stream.indirect.gather [hbm4b:s3+s6], $0x40, s23, s6, $0xb8;
	[tilespmem:$0x11400] =	vst v63  }
0x9e: {  	_ = 	snop  }
0x9f: {  	[tilespmem:s14], [sflag:$0x1] =	stream.indirect.gather [hbm4b:s3+s6], $0x40, s25, s6, $0xb8;
	[tilespmem:$0x11400] =	vst v63  }
0xa0: {  	_ =	swait.ge [sflag:s8], $0x8000  }
0xa1: {  	[sflag:s8] =	ssyncset.done $0x0  }
0xa2: {  	s1 =	rddreg [dreg:$0xa];
	[sflag:s8] =	ssyncadd.s32 $0xFFFF8000  }
0xa3: {  	[hbm4b:s1+s2] =	stream.linear.scatter [tilespmem:s7], [sflag:$0x3], $0x8000, $0x38;
	[tilespmem:$0x11400] =	vst v63  }
0xa4: {  	_ =	swait.ge [sflag:s4], $0x8000  }
0xa5: {  	[sflag:s4] =	ssyncset.done $0x0  }
0xa6: {  	[sflag:s4] =	ssyncadd.s32 $0xFFFF8000  }
0xa7: {  	[tilespmem:s7], [sflag:$0x2] =	stream.indirect.gather [hbm4b:s3+s6], $0x40, s17, s6, $0xb8;
	[tilespmem:$0x11400] =	vst v63  }
0xa8: {  	_ = 	snop  }
0xa9: {  	[tilespmem:s10], [sflag:$0x2] =	stream.indirect.gather [hbm4b:s3+s6], $0x40, s18, s6, $0xb8;
	[tilespmem:$0x11400] =	vst v63  }
0xaa: {  	_ = 	snop  }
0xab: {  	[tilespmem:s12], [sflag:$0x2] =	stream.indirect.gather [hbm4b:s3+s6], $0x40, s19, s6, $0xb8;
	[tilespmem:$0x11400] =	vst v63  }
0xac: {  	_ = 	snop  }
0xad: {  	[tilespmem:s15], [sflag:$0x2] =	stream.indirect.gather [hbm4b:s3+s6], $0x40, s20, s6, $0xb8;
	[tilespmem:$0x11400] =	vst v63  }
0xae: {  	_ =	swait.ge [sflag:s13], $0x8000  }
0xaf: {  	[sflag:s13] =	ssyncset.done $0x0  }
0xb0: {  	s1 =	rddreg [dreg:$0xb];
	[sflag:s13] =	ssyncadd.s32 $0xFFFF8000  }
0xb1: {  	[hbm4b:s1+s2] =	stream.linear.scatter [tilespmem:s5], [sflag:$0x3], $0x8000, $0x38;
	[tilespmem:$0x11400] =	vst v63  }
0xb2: {  	_ =	swait.ge [sflag:s4], $0x8000  }
0xb3: {  	[sflag:s4] =	ssyncset.done $0x0  }
0xb4: {  	[sflag:s4] =	ssyncadd.s32 $0xFFFF8000  }
0xb5: {  	p1 =	sne.s32 s16, $0x1;
	_ =	swait.ge [sflag:s8], $0x8000  }
.Ltmp1:
0xb6: {  	[sflag:s8] =	ssyncset.done $0x0;
	(pc) =	sbr.rel @!p1 .LBB2_3-.Ltmp1, $4  }
0xb7: {  	s1 =	rddreg [dreg:$0xc];
	[sflag:s8] =	ssyncadd.s32 $0xFFFF8000  }
0xb8: {  	[hbm4b:s1+s2] =	stream.linear.scatter [tilespmem:s7], [sflag:$0x3], $0x8000, $0x38;
	[tilespmem:$0x11400] =	vst v63  }
0xb9: {  	p0 =	por $0x1, $0x1;
	_ =	swait.ge [sflag:s4], $0x8000  }
0xba: {  	s1 =	sadd.s32 $0xFFFFFFFF, s16;
	s0 =	rddreg [dreg:$0x3];
	[sflag:s4] =	ssyncset.done $0x0  }
.LBB2_4:
0xbb: {  	[sflag:s4] =	ssyncadd.s32 $0xFFFF8000  }
0xbc: {  	[tilespmem:s2], [sflag:$0x3] =	stream.linear.gather [hbm4b:s0+s2], $0x1400, $0x38;
	[tilespmem:$0x11400] =	vst v63  }
0xbd: {  	_ =	swait.ge [sflag:s4], $0x1400  }
0xbe: {  	[sflag:s4] =	ssyncset.done $0x0  }
0xbf: {  	[sflag:s4] =	ssyncadd.s32 $0xFFFFEC00  }
0xc0: {  	[tilespmem:s5], [sflag:$0x1] =	stream.indirect.gather [hbm4b:s3+s6], $0x40, s2, s6, $0xb8;
	[tilespmem:$0x11400] =	vst v63  }
0xc1: {  	_ = 	snop  }
0xc2: {  	[tilespmem:s9], [sflag:$0x1] =	stream.indirect.gather [hbm4b:s3+s6], $0x40, s6, s6, $0xb8;
	[tilespmem:$0x11400] =	vst v63  }
0xc3: {  	s0 =	rddreg [dreg:$0xd]  }
0xc4: {  	[tilespmem:s11], [sflag:$0x1] =	stream.indirect.gather [hbm4b:s3+s6], $0x40, s0, s6, $0xb8;
	[tilespmem:$0x11400] =	vst v63  }
0xc5: {  	s16 =	rddreg [dreg:$0xe]  }
0xc6: {  	[tilespmem:s14], [sflag:$0x1] =	stream.indirect.gather [hbm4b:s3+s6], $0x40, s16, s6, $0xb8;
	[tilespmem:$0x11400] =	vst v63  }
0xc7: {  	s0 =	rddreg [dreg:$0xf]  }
0xc8: {  	[tilespmem:s7], [sflag:$0x2] =	stream.indirect.gather [hbm4b:s3+s6], $0x40, s0, s6, $0xb8;
	[tilespmem:$0x11400] =	vst v63  }
0xc9: {  	s16 =	rddreg [dreg:$0x10]  }
0xca: {  	[tilespmem:s10], [sflag:$0x2] =	stream.indirect.gather [hbm4b:s3+s6], $0x40, s16, s6, $0xb8;
	[tilespmem:$0x11400] =	vst v63  }
0xcb: {  	s0 =	rddreg [dreg:$0x11]  }
0xcc: {  	[tilespmem:s12], [sflag:$0x2] =	stream.indirect.gather [hbm4b:s3+s6], $0x40, s0, s6, $0xb8;
	[tilespmem:$0x11400] =	vst v63  }
0xcd: {  	s16 =	rddreg [dreg:$0x12]  }
0xce: {  	[tilespmem:s15], [sflag:$0x2] =	stream.indirect.gather [hbm4b:s3+s6], $0x40, s16, s6, $0xb8;
	[tilespmem:$0x11400] =	vst v63  }
0xcf: {  	_ =	swait.ge [sflag:s13], $0x8000  }
0xd0: {  	[sflag:s13] =	ssyncset.done $0x0  }
0xd1: {  	[sflag:s13] =	ssyncadd.s32 $0xFFFF8000  }
0xd2: {  	[hbm4b:s24+s2] =	stream.linear.scatter [tilespmem:s5], [sflag:$0x3], $0x8000, $0x38;
	[tilespmem:$0x11400] =	vst v63  }
0xd3: {  	_ =	swait.ge [sflag:s4], $0x8000  }
0xd4: {  	[sflag:s4] =	ssyncset.done $0x0  }
0xd5: {  	s0 =	rddreg [dreg:$0x13];
	[sflag:s4] =	ssyncadd.s32 $0xFFFF8000  }
0xd6: {  	[tilespmem:s5], [sflag:$0x1] =	stream.indirect.gather [hbm4b:s3+s6], $0x40, s0, s6, $0xb8;
	[tilespmem:$0x11400] =	vst v63  }
0xd7: {  	s16 =	rddreg [dreg:$0x14]  }
0xd8: {  	[tilespmem:s9], [sflag:$0x1] =	stream.indirect.gather [hbm4b:s3+s6], $0x40, s16, s6, $0xb8;
	[tilespmem:$0x11400] =	vst v63  }
0xd9: {  	s0 =	rddreg [dreg:$0x15]  }
0xda: {  	[tilespmem:s11], [sflag:$0x1] =	stream.indirect.gather [hbm4b:s3+s6], $0x40, s0, s6, $0xb8;
	[tilespmem:$0x11400] =	vst v63  }
0xdb: {  	s16 =	rddreg [dreg:$0x16]  }
0xdc: {  	[tilespmem:s14], [sflag:$0x1] =	stream.indirect.gather [hbm4b:s3+s6], $0x40, s16, s6, $0xb8;
	[tilespmem:$0x11400] =	vst v63  }
0xdd: {  	_ =	swait.ge [sflag:s8], $0x8000  }
0xde: {  	[sflag:s8] =	ssyncset.done $0x0  }
0xdf: {  	s16 =	rddreg [dreg:$0x4];
	[sflag:s8] =	ssyncadd.s32 $0xFFFF8000  }
0xe0: {  	[hbm4b:s16+s2] =	stream.linear.scatter [tilespmem:s7], [sflag:$0x3], $0x8000, $0x38;
	[tilespmem:$0x11400] =	vst v63  }
0xe1: {  	_ =	swait.ge [sflag:s4], $0x8000  }
0xe2: {  	[sflag:s4] =	ssyncset.done $0x0  }
0xe3: {  	s0 =	rddreg [dreg:$0x17];
	[sflag:s4] =	ssyncadd.s32 $0xFFFF8000  }
0xe4: {  	[tilespmem:s7], [sflag:$0x2] =	stream.indirect.gather [hbm4b:s3+s6], $0x40, s0, s6, $0xb8;
	[tilespmem:$0x11400] =	vst v63  }
0xe5: {  	s16 =	rddreg [dreg:$0x18]  }
0xe6: {  	[tilespmem:s10], [sflag:$0x2] =	stream.indirect.gather [hbm4b:s3+s6], $0x40, s16, s6, $0xb8;
	[tilespmem:$0x11400] =	vst v63  }
0xe7: {  	s0 =	rddreg [dreg:$0x19]  }
0xe8: {  	[tilespmem:s12], [sflag:$0x2] =	stream.indirect.gather [hbm4b:s3+s6], $0x40, s0, s6, $0xb8;
	[tilespmem:$0x11400] =	vst v63  }
0xe9: {  	s16 =	rddreg [dreg:$0x1a]  }
0xea: {  	[tilespmem:s15], [sflag:$0x2] =	stream.indirect.gather [hbm4b:s3+s6], $0x40, s16, s6, $0xb8;
	[tilespmem:$0x11400] =	vst v63  }
0xeb: {  	_ =	swait.ge [sflag:s13], $0x8000  }
0xec: {  	[sflag:s13] =	ssyncset.done $0x0  }
0xed: {  	s16 =	rddreg [dreg:$0x5];
	[sflag:s13] =	ssyncadd.s32 $0xFFFF8000  }
0xee: {  	[hbm4b:s16+s2] =	stream.linear.scatter [tilespmem:s5], [sflag:$0x3], $0x8000, $0x38;
	[tilespmem:$0x11400] =	vst v63  }
0xef: {  	_ =	swait.ge [sflag:s4], $0x8000  }
0xf0: {  	[sflag:s4] =	ssyncset.done $0x0  }
0xf1: {  	s0 =	rddreg [dreg:$0x1b];
	[sflag:s4] =	ssyncadd.s32 $0xFFFF8000  }
0xf2: {  	[tilespmem:s5], [sflag:$0x1] =	stream.indirect.gather [hbm4b:s3+s6], $0x40, s0, s6, $0xb8;
	[tilespmem:$0x11400] =	vst v63  }
0xf3: {  	s16 =	rddreg [dreg:$0x1c]  }
0xf4: {  	[tilespmem:s9], [sflag:$0x1] =	stream.indirect.gather [hbm4b:s3+s6], $0x40, s16, s6, $0xb8;
	[tilespmem:$0x11400] =	vst v63  }
0xf5: {  	s0 =	rddreg [dreg:$0x1d]  }
0xf6: {  	[tilespmem:s11], [sflag:$0x1] =	stream.indirect.gather [hbm4b:s3+s6], $0x40, s0, s6, $0xb8;
	[tilespmem:$0x11400] =	vst v63  }
0xf7: {  	s16 =	rddreg [dreg:$0x1e]  }
0xf8: {  	[tilespmem:s14], [sflag:$0x1] =	stream.indirect.gather [hbm4b:s3+s6], $0x40, s16, s6, $0xb8;
	[tilespmem:$0x11400] =	vst v63  }
0xf9: {  	_ =	swait.ge [sflag:s8], $0x8000  }
0xfa: {  	[sflag:s8] =	ssyncset.done $0x0  }
0xfb: {  	s16 =	rddreg [dreg:$0x6];
	[sflag:s8] =	ssyncadd.s32 $0xFFFF8000  }
0xfc: {  	[hbm4b:s16+s2] =	stream.linear.scatter [tilespmem:s7], [sflag:$0x3], $0x8000, $0x38;
	[tilespmem:$0x11400] =	vst v63  }
0xfd: {  	_ =	swait.ge [sflag:s4], $0x8000  }
0xfe: {  	s0 =	rddreg [dreg:$0x1f];
	[sflag:s4] =	ssyncset.done $0x0  }
0xff: {  	s16 =	sld [smem:$0x7F9];
	[sflag:s4] =	ssyncadd.s32 $0xFFFF8000  }
0x100: {  	[tilespmem:s7], [sflag:$0x2] =	stream.indirect.gather [hbm4b:s3+s6], $0x40, s0, s6, $0xb8;
	[tilespmem:$0x11400] =	vst v63  }
0x101: {  	s0 =	sld [smem:$0x7FA]  }
0x102: {  	[tilespmem:s10], [sflag:$0x2] =	stream.indirect.gather [hbm4b:s3+s6], $0x40, s16, s6, $0xb8;
	[tilespmem:$0x11400] =	vst v63  }
0x103: {  	s16 =	sld [smem:$0x7FB]  }
0x104: {  	[tilespmem:s12], [sflag:$0x2] =	stream.indirect.gather [hbm4b:s3+s6], $0x40, s0, s6, $0xb8;
	[tilespmem:$0x11400] =	vst v63  }
0x105: {  	_ = 	snop  }
0x106: {  	[tilespmem:s15], [sflag:$0x2] =	stream.indirect.gather [hbm4b:s3+s6], $0x40, s16, s6, $0xb8;
	[tilespmem:$0x11400] =	vst v63  }
0x107: {  	_ =	swait.ge [sflag:s13], $0x8000  }
0x108: {  	[sflag:s13] =	ssyncset.done $0x0  }
0x109: {  	s16 =	rddreg [dreg:$0x7];
	[sflag:s13] =	ssyncadd.s32 $0xFFFF8000  }
0x10a: {  	[hbm4b:s16+s2] =	stream.linear.scatter [tilespmem:s5], [sflag:$0x3], $0x8000, $0x38;
	[tilespmem:$0x11400] =	vst v63  }
0x10b: {  	_ =	swait.ge [sflag:s4], $0x8000  }
0x10c: {  	s0 =	sld [smem:$0x7FC]  }
0x10d: {  	[sflag:s4] =	ssyncset.done $0x0  }
0x10e: {  	s16 =	sld [smem:$0x7FD];
	[sflag:s4] =	ssyncadd.s32 $0xFFFF8000  }
0x10f: {  	[tilespmem:s5], [sflag:$0x1] =	stream.indirect.gather [hbm4b:s3+s6], $0x40, s0, s6, $0xb8;
	[tilespmem:$0x11400] =	vst v63  }
0x110: {  	_ = 	snop  }
0x111: {  	[tilespmem:s9], [sflag:$0x1] =	stream.indirect.gather [hbm4b:s3+s6], $0x40, s16, s6, $0xb8;
	[tilespmem:$0x11400] =	vst v63  }
0x112: {  	_ = 	snop  }
0x113: {  	[tilespmem:s11], [sflag:$0x1] =	stream.indirect.gather [hbm4b:s3+s6], $0x40, s31, s6, $0xb8;
	[tilespmem:$0x11400] =	vst v63  }
0x114: {  	_ = 	snop  }
0x115: {  	[tilespmem:s14], [sflag:$0x1] =	stream.indirect.gather [hbm4b:s3+s6], $0x40, s21, s6, $0xb8;
	[tilespmem:$0x11400] =	vst v63  }
0x116: {  	_ =	swait.ge [sflag:s8], $0x8000  }
0x117: {  	[sflag:s8] =	ssyncset.done $0x0  }
0x118: {  	s16 =	rddreg [dreg:$0x8];
	[sflag:s8] =	ssyncadd.s32 $0xFFFF8000  }
0x119: {  	[hbm4b:s16+s2] =	stream.linear.scatter [tilespmem:s7], [sflag:$0x3], $0x8000, $0x38;
	[tilespmem:$0x11400] =	vst v63  }
0x11a: {  	_ =	swait.ge [sflag:s4], $0x8000  }
0x11b: {  	[sflag:s4] =	ssyncset.done $0x0  }
0x11c: {  	[sflag:s4] =	ssyncadd.s32 $0xFFFF8000  }
0x11d: {  	[tilespmem:s7], [sflag:$0x2] =	stream.indirect.gather [hbm4b:s3+s6], $0x40, s26, s6, $0xb8;
	[tilespmem:$0x11400] =	vst v63  }
0x11e: {  	_ = 	snop  }
0x11f: {  	[tilespmem:s10], [sflag:$0x2] =	stream.indirect.gather [hbm4b:s3+s6], $0x40, s28, s6, $0xb8;
	[tilespmem:$0x11400] =	vst v63  }
0x120: {  	_ = 	snop  }
0x121: {  	[tilespmem:s12], [sflag:$0x2] =	stream.indirect.gather [hbm4b:s3+s6], $0x40, s29, s6, $0xb8;
	[tilespmem:$0x11400] =	vst v63  }
0x122: {  	_ = 	snop  }
0x123: {  	[tilespmem:s15], [sflag:$0x2] =	stream.indirect.gather [hbm4b:s3+s6], $0x40, s30, s6, $0xb8;
	[tilespmem:$0x11400] =	vst v63  }
0x124: {  	_ =	swait.ge [sflag:s13], $0x8000  }
0x125: {  	[sflag:s13] =	ssyncset.done $0x0  }
0x126: {  	s16 =	rddreg [dreg:$0x9];
	[sflag:s13] =	ssyncadd.s32 $0xFFFF8000  }
0x127: {  	[hbm4b:s16+s2] =	stream.linear.scatter [tilespmem:s5], [sflag:$0x3], $0x8000, $0x38;
	[tilespmem:$0x11400] =	vst v63  }
0x128: {  	_ =	swait.ge [sflag:s4], $0x8000  }
0x129: {  	[sflag:s4] =	ssyncset.done $0x0  }
0x12a: {  	s16 =	simm.s32 $0x1000;
	[sflag:s4] =	ssyncadd.s32 $0xFFFF8000  }
0x12b: {  	[tilespmem:s5], [sflag:$0x1] =	stream.indirect.gather [hbm4b:s3+s6], $0x40, s16, s6, $0xb8;
	[tilespmem:$0x11400] =	vst v63  }
0x12c: {  	_ = 	snop  }
0x12d: {  	[tilespmem:s9], [sflag:$0x1] =	stream.indirect.gather [hbm4b:s3+s6], $0x40, s22, s6, $0xb8;
	[tilespmem:$0x11400] =	vst v63  }
0x12e: {  	_ = 	snop  }
0x12f: {  	[tilespmem:s11], [sflag:$0x1] =	stream.indirect.gather [hbm4b:s3+s6], $0x40, s23, s6, $0xb8;
	[tilespmem:$0x11400] =	vst v63  }
0x130: {  	_ = 	snop  }
0x131: {  	[tilespmem:s14], [sflag:$0x1] =	stream.indirect.gather [hbm4b:s3+s6], $0x40, s25, s6, $0xb8;
	[tilespmem:$0x11400] =	vst v63  }
0x132: {  	_ =	swait.ge [sflag:s8], $0x8000  }
0x133: {  	[sflag:s8] =	ssyncset.done $0x0  }
0x134: {  	s16 =	rddreg [dreg:$0xa];
	[sflag:s8] =	ssyncadd.s32 $0xFFFF8000  }
0x135: {  	[hbm4b:s16+s2] =	stream.linear.scatter [tilespmem:s7], [sflag:$0x3], $0x8000, $0x38;
	[tilespmem:$0x11400] =	vst v63  }
0x136: {  	_ =	swait.ge [sflag:s4], $0x8000  }
0x137: {  	[sflag:s4] =	ssyncset.done $0x0  }
0x138: {  	[sflag:s4] =	ssyncadd.s32 $0xFFFF8000  }
0x139: {  	[tilespmem:s7], [sflag:$0x2] =	stream.indirect.gather [hbm4b:s3+s6], $0x40, s17, s6, $0xb8;
	[tilespmem:$0x11400] =	vst v63  }
0x13a: {  	_ = 	snop  }
0x13b: {  	[tilespmem:s10], [sflag:$0x2] =	stream.indirect.gather [hbm4b:s3+s6], $0x40, s18, s6, $0xb8;
	[tilespmem:$0x11400] =	vst v63  }
0x13c: {  	_ = 	snop  }
0x13d: {  	[tilespmem:s12], [sflag:$0x2] =	stream.indirect.gather [hbm4b:s3+s6], $0x40, s19, s6, $0xb8;
	[tilespmem:$0x11400] =	vst v63  }
0x13e: {  	_ = 	snop  }
0x13f: {  	[tilespmem:s15], [sflag:$0x2] =	stream.indirect.gather [hbm4b:s3+s6], $0x40, s20, s6, $0xb8;
	[tilespmem:$0x11400] =	vst v63  }
0x140: {  	_ =	swait.ge [sflag:s13], $0x8000  }
0x141: {  	[sflag:s13] =	ssyncset.done $0x0  }
0x142: {  	s16 =	rddreg [dreg:$0xb];
	[sflag:s13] =	ssyncadd.s32 $0xFFFF8000  }
0x143: {  	[hbm4b:s16+s2] =	stream.linear.scatter [tilespmem:s5], [sflag:$0x3], $0x8000, $0x38;
	[tilespmem:$0x11400] =	vst v63  }
0x144: {  	_ =	swait.ge [sflag:s4], $0x8000  }
0x145: {  	[sflag:s4] =	ssyncset.done $0x0  }
0x146: {  	[sflag:s4] =	ssyncadd.s32 $0xFFFF8000  }
0x147: {  	p1 =	sne.s32 s1, $0x1;
	_ =	swait.ge [sflag:s8], $0x8000  }
.Ltmp2:
0x148: {  	[sflag:s8] =	ssyncset.done $0x0;
	(pc) =	sbr.rel @p1 .LBB2_4-.Ltmp2, $4  }
0x149: {  	s16 =	rddreg [dreg:$0xc];
	[sflag:s8] =	ssyncadd.s32 $0xFFFF8000  }
0x14a: {  	[hbm4b:s16+s2] =	stream.linear.scatter [tilespmem:s7], [sflag:$0x3], $0x8000, $0x38;
	[tilespmem:$0x11400] =	vst v63  }
0x14b: {  	_ =	swait.ge [sflag:s4], $0x8000  }
0x14c: {  	s1 =	sadd.s32 $0xFFFFFFFF, s1;
	s0 =	rddreg [dreg:$0x3];
	[sflag:s4] =	ssyncset.done $0x0  }
0x14d: {  	s20 =	simm.s32 $0xD80;
	s31 =	simm.s32 $0xD00  }
0x14e: {  	s30 =	simm.s32 $0xF80;
	s29 =	simm.s32 $0xF00;
	s28 =	simm.s32 $0xE80  }
0x14f: {  	s26 =	simm.s32 $0xE00;
	s25 =	simm.s32 $0x1180;
	s23 =	simm.s32 $0x1100  }
0x150: {  	s22 =	simm.s32 $0x1080;
	s21 =	simm.s32 $0x1000;
	s19 =	simm.s32 $0x1300  }
0x151: {  	s18 =	simm.s32 $0x1280;
	s17 =	simm.s32 $0x1200;
	s16 =	stileid.u32  }
.LBB2_6:
0x152: {  	[sflag:s4] =	ssyncadd.s32 @p0 $0xFFFF8000  }
0x153: {  	[tilespmem:s2], [sflag:$0x3] =	stream.linear.gather [hbm4b:s0+s2], $0x1400, $0x38;
	[tilespmem:$0x11400] =	vst v63  }
0x154: {  	_ =	swait.ge [sflag:s4], $0x1400  }
0x155: {  	[sflag:s4] =	ssyncset.done $0x0  }
0x156: {  	[sflag:s4] =	ssyncadd.s32 $0xFFFFEC00  }
0x157: {  	[tilespmem:s5], [sflag:$0x1] =	stream.indirect.gather [hbm4b:s3+s6], $0x40, s2, s6, $0xb8;
	[tilespmem:$0x11400] =	vst v63  }
0x158: {  	_ = 	snop  }
0x159: {  	[tilespmem:s9], [sflag:$0x1] =	stream.indirect.gather [hbm4b:s3+s6], $0x40, s6, s6, $0xb8;
	[tilespmem:$0x11400] =	vst v63  }
0x15a: {  	s0 =	rddreg [dreg:$0xd]  }
0x15b: {  	[tilespmem:s11], [sflag:$0x1] =	stream.indirect.gather [hbm4b:s3+s6], $0x40, s0, s6, $0xb8;
	[tilespmem:$0x11400] =	vst v63  }
0x15c: {  	s1 =	rddreg [dreg:$0xe]  }
0x15d: {  	[tilespmem:s14], [sflag:$0x1] =	stream.indirect.gather [hbm4b:s3+s6], $0x40, s1, s6, $0xb8;
	[tilespmem:$0x11400] =	vst v63  }
0x15e: {  	s0 =	rddreg [dreg:$0xf]  }
0x15f: {  	[tilespmem:s7], [sflag:$0x2] =	stream.indirect.gather [hbm4b:s3+s6], $0x40, s0, s6, $0xb8;
	[tilespmem:$0x11400] =	vst v63  }
0x160: {  	s1 =	rddreg [dreg:$0x10]  }
0x161: {  	[tilespmem:s10], [sflag:$0x2] =	stream.indirect.gather [hbm4b:s3+s6], $0x40, s1, s6, $0xb8;
	[tilespmem:$0x11400] =	vst v63  }
0x162: {  	s0 =	rddreg [dreg:$0x11]  }
0x163: {  	[tilespmem:s12], [sflag:$0x2] =	stream.indirect.gather [hbm4b:s3+s6], $0x40, s0, s6, $0xb8;
	[tilespmem:$0x11400] =	vst v63  }
0x164: {  	s1 =	rddreg [dreg:$0x12]  }
0x165: {  	[tilespmem:s15], [sflag:$0x2] =	stream.indirect.gather [hbm4b:s3+s6], $0x40, s1, s6, $0xb8;
	[tilespmem:$0x11400] =	vst v63  }
0x166: {  	_ =	swait.ge [sflag:s13], $0x8000  }
0x167: {  	[sflag:s13] =	ssyncset.done $0x0  }
0x168: {  	[sflag:s13] =	ssyncadd.s32 $0xFFFF8000  }
0x169: {  	[hbm4b:s24+s2] =	stream.linear.scatter [tilespmem:s5], [sflag:$0x3], $0x8000, $0x38;
	[tilespmem:$0x11400] =	vst v63  }
0x16a: {  	_ =	swait.ge [sflag:s4], $0x8000  }
0x16b: {  	[sflag:s4] =	ssyncset.done $0x0  }
0x16c: {  	s1 =	rddreg [dreg:$0x13];
	[sflag:s4] =	ssyncadd.s32 $0xFFFF8000  }
0x16d: {  	[tilespmem:s5], [sflag:$0x1] =	stream.indirect.gather [hbm4b:s3+s6], $0x40, s1, s6, $0xb8;
	[tilespmem:$0x11400] =	vst v63  }
0x16e: {  	s24 =	rddreg [dreg:$0x14]  }
0x16f: {  	[tilespmem:s9], [sflag:$0x1] =	stream.indirect.gather [hbm4b:s3+s6], $0x40, s24, s6, $0xb8;
	[tilespmem:$0x11400] =	vst v63  }
0x170: {  	s0 =	rddreg [dreg:$0x15]  }
0x171: {  	[tilespmem:s11], [sflag:$0x1] =	stream.indirect.gather [hbm4b:s3+s6], $0x40, s0, s6, $0xb8;
	[tilespmem:$0x11400] =	vst v63  }
0x172: {  	s24 =	rddreg [dreg:$0x16]  }
0x173: {  	[tilespmem:s14], [sflag:$0x1] =	stream.indirect.gather [hbm4b:s3+s6], $0x40, s24, s6, $0xb8;
	[tilespmem:$0x11400] =	vst v63  }
0x174: {  	_ =	swait.ge [sflag:s8], $0x8000  }
0x175: {  	[sflag:s8] =	ssyncset.done $0x0  }
0x176: {  	s24 =	rddreg [dreg:$0x4];
	[sflag:s8] =	ssyncadd.s32 $0xFFFF8000  }
0x177: {  	[hbm4b:s24+s2] =	stream.linear.scatter [tilespmem:s7], [sflag:$0x3], $0x8000, $0x38;
	[tilespmem:$0x11400] =	vst v63  }
0x178: {  	_ =	swait.ge [sflag:s4], $0x8000  }
0x179: {  	[sflag:s4] =	ssyncset.done $0x0  }
0x17a: {  	s1 =	rddreg [dreg:$0x17];
	[sflag:s4] =	ssyncadd.s32 $0xFFFF8000  }
0x17b: {  	[tilespmem:s7], [sflag:$0x2] =	stream.indirect.gather [hbm4b:s3+s6], $0x40, s1, s6, $0xb8;
	[tilespmem:$0x11400] =	vst v63  }
0x17c: {  	s24 =	rddreg [dreg:$0x18]  }
0x17d: {  	[tilespmem:s10], [sflag:$0x2] =	stream.indirect.gather [hbm4b:s3+s6], $0x40, s24, s6, $0xb8;
	[tilespmem:$0x11400] =	vst v63  }
0x17e: {  	s0 =	rddreg [dreg:$0x19]  }
0x17f: {  	[tilespmem:s12], [sflag:$0x2] =	stream.indirect.gather [hbm4b:s3+s6], $0x40, s0, s6, $0xb8;
	[tilespmem:$0x11400] =	vst v63  }
0x180: {  	s24 =	rddreg [dreg:$0x1a]  }
0x181: {  	[tilespmem:s15], [sflag:$0x2] =	stream.indirect.gather [hbm4b:s3+s6], $0x40, s24, s6, $0xb8;
	[tilespmem:$0x11400] =	vst v63  }
0x182: {  	_ =	swait.ge [sflag:s13], $0x8000  }
0x183: {  	[sflag:s13] =	ssyncset.done $0x0  }
0x184: {  	s24 =	rddreg [dreg:$0x5];
	[sflag:s13] =	ssyncadd.s32 $0xFFFF8000  }
0x185: {  	[hbm4b:s24+s2] =	stream.linear.scatter [tilespmem:s5], [sflag:$0x3], $0x8000, $0x38;
	[tilespmem:$0x11400] =	vst v63  }
0x186: {  	_ =	swait.ge [sflag:s4], $0x8000  }
0x187: {  	[sflag:s4] =	ssyncset.done $0x0  }
0x188: {  	s1 =	rddreg [dreg:$0x1b];
	[sflag:s4] =	ssyncadd.s32 $0xFFFF8000  }
0x189: {  	[tilespmem:s5], [sflag:$0x1] =	stream.indirect.gather [hbm4b:s3+s6], $0x40, s1, s6, $0xb8;
	[tilespmem:$0x11400] =	vst v63  }
0x18a: {  	s24 =	rddreg [dreg:$0x1c]  }
0x18b: {  	[tilespmem:s9], [sflag:$0x1] =	stream.indirect.gather [hbm4b:s3+s6], $0x40, s24, s6, $0xb8;
	[tilespmem:$0x11400] =	vst v63  }
0x18c: {  	s0 =	rddreg [dreg:$0x1d]  }
0x18d: {  	[tilespmem:s11], [sflag:$0x1] =	stream.indirect.gather [hbm4b:s3+s6], $0x40, s0, s6, $0xb8;
	[tilespmem:$0x11400] =	vst v63  }
0x18e: {  	s24 =	rddreg [dreg:$0x1e]  }
0x18f: {  	[tilespmem:s14], [sflag:$0x1] =	stream.indirect.gather [hbm4b:s3+s6], $0x40, s24, s6, $0xb8;
	[tilespmem:$0x11400] =	vst v63  }
0x190: {  	_ =	swait.ge [sflag:s8], $0x8000  }
0x191: {  	[sflag:s8] =	ssyncset.done $0x0  }
0x192: {  	s24 =	rddreg [dreg:$0x6];
	[sflag:s8] =	ssyncadd.s32 $0xFFFF8000  }
0x193: {  	[hbm4b:s24+s2] =	stream.linear.scatter [tilespmem:s7], [sflag:$0x3], $0x8000, $0x38;
	[tilespmem:$0x11400] =	vst v63  }
0x194: {  	_ =	swait.ge [sflag:s4], $0x8000  }
0x195: {  	s1 =	rddreg [dreg:$0x1f];
	[sflag:s4] =	ssyncset.done $0x0  }
0x196: {  	s24 =	sld [smem:$0x7F9];
	[sflag:s4] =	ssyncadd.s32 $0xFFFF8000  }
0x197: {  	[tilespmem:s7], [sflag:$0x2] =	stream.indirect.gather [hbm4b:s3+s6], $0x40, s1, s6, $0xb8;
	[tilespmem:$0x11400] =	vst v63  }
0x198: {  	s0 =	sld [smem:$0x7FA]  }
0x199: {  	[tilespmem:s10], [sflag:$0x2] =	stream.indirect.gather [hbm4b:s3+s6], $0x40, s24, s6, $0xb8;
	[tilespmem:$0x11400] =	vst v63  }
0x19a: {  	s24 =	sld [smem:$0x7FB]  }
0x19b: {  	[tilespmem:s12], [sflag:$0x2] =	stream.indirect.gather [hbm4b:s3+s6], $0x40, s0, s6, $0xb8;
	[tilespmem:$0x11400] =	vst v63  }
0x19c: {  	_ = 	snop  }
0x19d: {  	[tilespmem:s15], [sflag:$0x2] =	stream.indirect.gather [hbm4b:s3+s6], $0x40, s24, s6, $0xb8;
	[tilespmem:$0x11400] =	vst v63  }
0x19e: {  	_ =	swait.ge [sflag:s13], $0x8000  }
0x19f: {  	[sflag:s13] =	ssyncset.done $0x0  }
0x1a0: {  	s24 =	rddreg [dreg:$0x7];
	[sflag:s13] =	ssyncadd.s32 $0xFFFF8000  }
0x1a1: {  	[hbm4b:s24+s2] =	stream.linear.scatter [tilespmem:s5], [sflag:$0x3], $0x8000, $0x38;
	[tilespmem:$0x11400] =	vst v63  }
0x1a2: {  	_ =	swait.ge [sflag:s4], $0x8000  }
0x1a3: {  	s1 =	sld [smem:$0x7FC]  }
0x1a4: {  	[sflag:s4] =	ssyncset.done $0x0  }
0x1a5: {  	s24 =	sld [smem:$0x7FD];
	[sflag:s4] =	ssyncadd.s32 $0xFFFF8000  }
0x1a6: {  	[tilespmem:s5], [sflag:$0x1] =	stream.indirect.gather [hbm4b:s3+s6], $0x40, s1, s6, $0xb8;
	[tilespmem:$0x11400] =	vst v63  }
0x1a7: {  	_ = 	snop  }
0x1a8: {  	[tilespmem:s9], [sflag:$0x1] =	stream.indirect.gather [hbm4b:s3+s6], $0x40, s24, s6, $0xb8;
	[tilespmem:$0x11400] =	vst v63  }
0x1a9: {  	_ = 	snop  }
0x1aa: {  	[tilespmem:s11], [sflag:$0x1] =	stream.indirect.gather [hbm4b:s3+s6], $0x40, s31, s6, $0xb8;
	[tilespmem:$0x11400] =	vst v63  }
0x1ab: {  	_ = 	snop  }
0x1ac: {  	[tilespmem:s14], [sflag:$0x1] =	stream.indirect.gather [hbm4b:s3+s6], $0x40, s20, s6, $0xb8;
	[tilespmem:$0x11400] =	vst v63  }
0x1ad: {  	_ =	swait.ge [sflag:s8], $0x8000  }
0x1ae: {  	[sflag:s8] =	ssyncset.done $0x0  }
0x1af: {  	s24 =	rddreg [dreg:$0x8];
	[sflag:s8] =	ssyncadd.s32 $0xFFFF8000  }
0x1b0: {  	[hbm4b:s24+s2] =	stream.linear.scatter [tilespmem:s7], [sflag:$0x3], $0x8000, $0x38;
	[tilespmem:$0x11400] =	vst v63  }
0x1b1: {  	_ =	swait.ge [sflag:s4], $0x8000  }
0x1b2: {  	[sflag:s4] =	ssyncset.done $0x0  }
0x1b3: {  	[sflag:s4] =	ssyncadd.s32 $0xFFFF8000  }
0x1b4: {  	[tilespmem:s7], [sflag:$0x2] =	stream.indirect.gather [hbm4b:s3+s6], $0x40, s26, s6, $0xb8;
	[tilespmem:$0x11400] =	vst v63  }
0x1b5: {  	_ = 	snop  }
0x1b6: {  	[tilespmem:s10], [sflag:$0x2] =	stream.indirect.gather [hbm4b:s3+s6], $0x40, s28, s6, $0xb8;
	[tilespmem:$0x11400] =	vst v63  }
0x1b7: {  	_ = 	snop  }
0x1b8: {  	[tilespmem:s12], [sflag:$0x2] =	stream.indirect.gather [hbm4b:s3+s6], $0x40, s29, s6, $0xb8;
	[tilespmem:$0x11400] =	vst v63  }
0x1b9: {  	_ = 	snop  }
0x1ba: {  	[tilespmem:s15], [sflag:$0x2] =	stream.indirect.gather [hbm4b:s3+s6], $0x40, s30, s6, $0xb8;
	[tilespmem:$0x11400] =	vst v63  }
0x1bb: {  	_ =	swait.ge [sflag:s13], $0x8000  }
0x1bc: {  	[sflag:s13] =	ssyncset.done $0x0  }
0x1bd: {  	s26 =	rddreg [dreg:$0x9];
	[sflag:s13] =	ssyncadd.s32 $0xFFFF8000  }
0x1be: {  	[hbm4b:s26+s2] =	stream.linear.scatter [tilespmem:s5], [sflag:$0x3], $0x8000, $0x38;
	[tilespmem:$0x11400] =	vst v63  }
0x1bf: {  	_ =	swait.ge [sflag:s4], $0x8000  }
0x1c0: {  	[sflag:s4] =	ssyncset.done $0x0  }
0x1c1: {  	[sflag:s4] =	ssyncadd.s32 $0xFFFF8000  }
0x1c2: {  	[tilespmem:s5], [sflag:$0x1] =	stream.indirect.gather [hbm4b:s3+s6], $0x40, s21, s6, $0xb8;
	[tilespmem:$0x11400] =	vst v63  }
0x1c3: {  	_ = 	snop  }
0x1c4: {  	[tilespmem:s9], [sflag:$0x1] =	stream.indirect.gather [hbm4b:s3+s6], $0x40, s22, s6, $0xb8;
	[tilespmem:$0x11400] =	vst v63  }
0x1c5: {  	_ = 	snop  }
0x1c6: {  	[tilespmem:s11], [sflag:$0x1] =	stream.indirect.gather [hbm4b:s3+s6], $0x40, s23, s6, $0xb8;
	[tilespmem:$0x11400] =	vst v63  }
0x1c7: {  	_ = 	snop  }
0x1c8: {  	[tilespmem:s14], [sflag:$0x1] =	stream.indirect.gather [hbm4b:s3+s6], $0x40, s25, s6, $0xb8;
	[tilespmem:$0x11400] =	vst v63  }
0x1c9: {  	_ =	swait.ge [sflag:s8], $0x8000  }
0x1ca: {  	[sflag:s8] =	ssyncset.done $0x0  }
0x1cb: {  	s28 =	rddreg [dreg:$0xa];
	[sflag:s8] =	ssyncadd.s32 $0xFFFF8000  }
0x1cc: {  	[hbm4b:s28+s2] =	stream.linear.scatter [tilespmem:s7], [sflag:$0x3], $0x8000, $0x38;
	[tilespmem:$0x11400] =	vst v63  }
0x1cd: {  	_ =	swait.ge [sflag:s4], $0x8000  }
0x1ce: {  	[sflag:s4] =	ssyncset.done $0x0  }
0x1cf: {  	[sflag:s4] =	ssyncadd.s32 $0xFFFF8000  }
0x1d0: {  	[tilespmem:s7], [sflag:$0x2] =	stream.indirect.gather [hbm4b:s3+s6], $0x40, s17, s6, $0xb8;
	[tilespmem:$0x11400] =	vst v63  }
0x1d1: {  	_ = 	snop  }
0x1d2: {  	[tilespmem:s10], [sflag:$0x2] =	stream.indirect.gather [hbm4b:s3+s6], $0x40, s18, s6, $0xb8;
	[tilespmem:$0x11400] =	vst v63  }
0x1d3: {  	_ = 	snop  }
0x1d4: {  	[tilespmem:s12], [sflag:$0x2] =	stream.indirect.gather [hbm4b:s3+s6], $0x40, s19, s6, $0xb8;
	[tilespmem:$0x11400] =	vst v63  }
0x1d5: {  	s29 =	simm.s32 $0x1380  }
0x1d6: {  	[tilespmem:s15], [sflag:$0x2] =	stream.indirect.gather [hbm4b:s3+s6], $0x40, s29, s6, $0xb8;
	[tilespmem:$0x11400] =	vst v63  }
0x1d7: {  	_ =	swait.ge [sflag:s13], $0x8000  }
0x1d8: {  	[sflag:s13] =	ssyncset.done $0x0  }
0x1d9: {  	s30 =	rddreg [dreg:$0xb];
	[sflag:s13] =	ssyncadd.s32 $0xFFFF8000  }
0x1da: {  	[hbm4b:s30+s2] =	stream.linear.scatter [tilespmem:s5], [sflag:$0x3], $0x8000, $0x38;
	[tilespmem:$0x11400] =	vst v63  }
0x1db: {  	_ =	swait.ge [sflag:s4], $0x8000  }
0x1dc: {  	[sflag:s4] =	ssyncset.done $0x0  }
0x1dd: {  	[sflag:s4] =	ssyncadd.s32 $0xFFFF8000  }
0x1de: {  	_ =	swait.ge [sflag:s8], $0x8000  }
0x1df: {  	[sflag:s8] =	ssyncset.done $0x0  }
0x1e0: {  	s31 =	rddreg [dreg:$0xc];
	[sflag:s8] =	ssyncadd.s32 $0xFFFF8000  }
0x1e1: {  	[hbm4b:s31+s2] =	stream.linear.scatter [tilespmem:s7], [sflag:$0x3], $0x8000, $0x38;
	[tilespmem:$0x11400] =	vst v63  }
0x1e2: {  	_ =	swait.ge [sflag:s4], $0x8000  }
0x1e3: {  	[sflag:s4] =	ssyncset.done $0x0  }
0x1e4: {  	[sflag:s4] =	ssyncadd.s32 $0xFFFF8000  }
0x1e5: {  	_ =	sfence.sel $0x180000  }
0x1e6: {  	[bflag:$0x0] =	sbarrier.arrive $0xFFFF  }
0x1e7: {  	_ =	strace $0x90000047  }
0x1e8: {  	[bflag:$0x2] =	sbarrier.arrive $0xFFFF  }
0x1e9: {  	p0 =	sne.s32 s16, $0x0;
	s0 =	rddreg [dreg:$0x2]  }
0x1ea: {  	s0 =	sadd.s32 @!p0 $0x100000, s0  }
0x1eb: {  	[sflag:s0] =	ssyncadd.tile.s32 @!p0 $0x1;
	_ =	shalt  }
.LBB2_1:
.Ltmp3:
0x1ec: {  	s20 =	simm.s32 $0xD80;
	(pc) =	sbr.rel .LBB2_6-.Ltmp3, $4  }
0x1ed: {  	s31 =	simm.s32 $0xD00;
	s30 =	simm.s32 $0xF80;
	s29 =	simm.s32 $0xF00  }
0x1ee: {  	s28 =	simm.s32 $0xE80;
	s26 =	simm.s32 $0xE00;
	s25 =	simm.s32 $0x1180  }
0x1ef: {  	s23 =	simm.s32 $0x1100;
	s22 =	simm.s32 $0x1080;
	s21 =	simm.s32 $0x1000  }
0x1f0: {  	s19 =	simm.s32 $0x1300;
	s18 =	simm.s32 $0x1280;
	s17 =	simm.s32 $0x1200  }
.LBB2_3:
.Ltmp4:
0x1f1: {  	s20 =	simm.s32 $0xD80;
	s31 =	simm.s32 $0xD00;
	(pc) =	sbr.rel .LBB2_6-.Ltmp4, $4  }
0x1f2: {  	s30 =	simm.s32 $0xF80;
	s29 =	simm.s32 $0xF00;
	s28 =	simm.s32 $0xE80  }
0x1f3: {  	s26 =	simm.s32 $0xE00;
	s25 =	simm.s32 $0x1180;
	s23 =	simm.s32 $0x1100  }
0x1f4: {  	s22 =	simm.s32 $0x1080;
	s21 =	simm.s32 $0x1000;
	s19 =	simm.s32 $0x1300  }
0x1f5: {  	s18 =	simm.s32 $0x1280;
	s17 =	simm.s32 $0x1200;
	s16 =	stileid.u32  }
.Lfunc_end2:
_tile_overlayer_lowered:
.L_overlay_start_2:
0x1f6: {  	(tag) =	ssettag $0x2  }
0x1f7: {  	s0 =	rddreg [dreg:$0x0];
	s2 =	stileid.u32  }
0x1f8: {  	s1 =	rddreg [dreg:$0x1];
	p0 =	sne.s32 s2, $0x0  }
0x1f9: {  	s3 =	rddreg [dreg:$0x2];
	[bflag:$0x3] =	sbarrier.arrive $0xFFFF;
	s2 =	simm.s32 @!p0 $0x1C03  }
0x1fa: {  	[timem:s3], [sflag:s2] =	dma.local @!p0 [hbm:s0], s1  }
0x1fb: {  	s0 =	simm.s32 @!p0 $0x3  }
0x1fc: {  	_ =	swait.ge @!p0 [sflag:s0], s1  }
0x1fd: {  	s1 =	ssub.s32 @!p0 $0x0, s1;
	[sflag:s0] =	ssyncset.done @!p0 $0x0  }
0x1fe: {  	[sflag:s0] =	ssyncadd.s32 @!p0 s1  }
0x1ff: {  	[bflag:$0x3] =	sbarrier.arrive $0xFFFF  }
0x200: {  	_ =	shalt  }

// kernel: kernel.16.cloned.1.call-start
scs
__scs_entry_jumppad:
0x0: {  	(pc) =	sbr.rel $0x88, $3  }
0x1: {  	(tag) =	ssettag $0x0;
	lr =	simm.s32 $0x1  }
0x2: {  	[smem:$0x3F96] =	sst lr;
	_ =	strace $0xD0000000  }
0x3: {  	_ = 	snop  }
0x4: {  	_ = 	snop  }
0x5: {  	_ = 	snop  }
0x6: {  	_ = 	snop  }
0x7: {  	_ = 	snop  }
__scs_overlays_trampoline_lowered:
0x8: {  	[smem:$0x3FA5] =	sst s0  }
0x9: {  	[smem:$0x3FA6] =	sst s1  }
0xa: {  	[smem:$0x3FA7] =	sst s2  }
0xb: {  	[smem:$0x3FA8] =	sst s3  }
0xc: {  	[smem:$0x3FA9] =	sst s4  }
0xd: {  	[smem:$0x3FAA] =	sst s5  }
0xe: {  	[smem:$0x3FAB] =	sst s6  }
0xf: {  	[smem:$0x3FAC] =	sst s7  }
0x10: {  	[smem:$0x3FAD] =	sst s8  }
0x11: {  	[smem:$0x3FAE] =	sst s9;
	s0 =	simm.s32 @!p0 $0x0  }
0x12: {  	s1 =	sld [smem:$0x3F94];
	s0 =	simm.s32 @p0 $0x1  }
0x13: {  	[smem:$0x3FAF] =	sst s0;
	s0 =	simm.s32 @!p1 $0x0  }
0x14: {  	s2 =	sld [smem:$0x3F93];
	s0 =	simm.s32 @p1 $0x1  }
0x15: {  	[smem:$0x3FB0] =	sst s0;
	s0 =	simm.s32 @!p2 $0x0  }
0x16: {  	s3 =	sld [smem:$0x3FDB];
	s0 =	simm.s32 @p2 $0x1  }
0x17: {  	s4 =	simm.s32 $0x1BF5;
	[smem:$0x3FB2] =	sst s0  }
0x18: {  	s0 =	sld [smem:$0x3F95];
	_ =	swait.ge [sflag:s4], $0x0  }
0x19: {  	s7 =	sld [smem:$0x3F96]  }
0x1a: {  	s8 =	sadd.s32 $0xFFFFE003, lr  }
0x1b: {  	s9 =	sadd.s32 $0xFFFFFEF7, lr;
	s5 =	simm.s32 $0xFFFFFFFF;
	p2 =	slt.u32 s8, $0xFFFFF086  }
0x1c: {  	p1 =	slt.u32 s9, $0xF7A;
	s5 =	simm.s32 @!p2 $0x0  }
0x1d: {  	s5 =	simm.s32 @p1 $0x1;
	p0 =	seq.s32 s7, s2  }
0x1e: {  	s7 =	smul.u32 @!p0 $0xF7A, s2;
	p2 =	seq.s32 @!p0 s5, $0x0  }
0x1f: {  	s9 =	smul.u32 $0xF7A, s1;
	s8 =	simm.s32 @!p0 $0x1BF5;
	p2 =	por !p2, p0  }
0x20: {  	[sflag:s8] =	ssyncset.s32 @!p0 $0xFFFFF086;
	s6 =	sadd.s32 @!p0 s3, s7;
	s7 =	simm.s32 @!p0 $0x108  }
0x21: {  	s3 =	sadd.s32 s3, s9;
	s6 =	sadd.s32 @!p0 $0x88, s6;
	s7 =	simm.s32 @p2 $0x1082  }
0x22: {  	[simem:s7], [sflag:s8] =	dma.local @!p0 [hbm:s6], $0xF7A  }
0x23: {  	s9 =	sor.u32 $0xD0000000, s2;
	s6 =	simm.s32 $0x108;
	_ =	swait.ge @!p0 [sflag:s8], $0x0  }
0x24: {  	s3 =	sadd.s32 $0x88, s3;
	s6 =	simm.s32 @!p1 $0x1082;
	[sflag:s4] =	ssyncset.s32 $0xFFFFF086  }
0x25: {  	[simem:s6], [sflag:s4] =	dma.local [hbm:s3], $0xF7A  }
0x26: {  	[smem:$0x3F96] =	sst s1;
	(tag) =	ssettag s2;
	_ =	strace s9  }
0x27: {  	s1 =	sld [smem:$0x3FA6]  }
0x28: {  	s2 =	sld [smem:$0x3FA7]  }
0x29: {  	s4 =	sld [smem:$0x3FA9]  }
0x2a: {  	p0 =	seq.s32 s5, $0x0;
	s5 =	sld [smem:$0x3FAA]  }
0x2b: {  	s6 =	sld [smem:$0x3FAB]  }
0x2c: {  	s7 =	sld [smem:$0x3FAC]  }
0x2d: {  	s3 =	simm.s32 $0x108;
	s8 =	sld [smem:$0x3FAD]  }
0x2e: {  	s3 =	simm.s32 @!p0 $0x1082;
	s9 =	sld [smem:$0x3FAE]  }
0x2f: {  	lr =	sadd.s32 s0, s3;
	s0 =	sld [smem:$0x3FA5]  }
0x30: {  	s3 =	sld [smem:$0x3FA8]  }
0x31: {  	[smem:$0x3FB1] =	sst s10  }
0x32: {  	s10 =	sld [smem:$0x3FAF];
	_ =	sdelay $0x3  }
0x33: {  	p0 =	seq.s32 s10, $0x1;
	s10 =	sld [smem:$0x3FB1];
	_ =	sdelay $0x3  }
0x34: {  	[smem:$0x3FB1] =	sst s10  }
0x35: {  	s10 =	sld [smem:$0x3FB0];
	_ =	sdelay $0x3  }
0x36: {  	p1 =	seq.s32 s10, $0x1;
	s10 =	sld [smem:$0x3FB1];
	_ =	sdelay $0x3  }
0x37: {  	[smem:$0x3FB1] =	sst s10  }
0x38: {  	s10 =	sld [smem:$0x3FB2]  }
0x39: {  	_ = 	snop;
	(pc) =	sbr.ind lr, $3  }
0x3a: {  	_ = 	snop  }
0x3b: {  	_ = 	snop  }
0x3c: {  	p2 =	seq.s32 s10, $0x1;
	s10 =	sld [smem:$0x3FB1]  }
0x3d: {  	_ =	shalt  }
0x3e: {  	_ =	shalt  }
0x3f: {  	_ =	shalt  }
0x40: {  	_ =	shalt  }
0x41: {  	_ =	shalt  }
0x42: {  	_ =	shalt  }
0x43: {  	_ =	shalt  }
0x44: {  	_ =	shalt  }
0x45: {  	_ =	shalt  }
0x46: {  	_ =	shalt  }
0x47: {  	_ =	shalt  }
0x48: {  	_ =	shalt  }
0x49: {  	_ =	shalt  }
0x4a: {  	_ =	shalt  }
0x4b: {  	_ =	shalt  }
0x4c: {  	_ =	shalt  }
0x4d: {  	_ =	shalt  }
0x4e: {  	_ =	shalt  }
0x4f: {  	_ =	shalt  }
0x50: {  	_ =	shalt  }
0x51: {  	_ =	shalt  }
0x52: {  	_ =	shalt  }
0x53: {  	_ =	shalt  }
0x54: {  	_ =	shalt  }
0x55: {  	_ =	shalt  }
0x56: {  	_ =	shalt  }
0x57: {  	_ =	shalt  }
0x58: {  	_ =	shalt  }
0x59: {  	_ =	shalt  }
0x5a: {  	_ =	shalt  }
0x5b: {  	_ =	shalt  }
0x5c: {  	_ =	shalt  }
0x5d: {  	_ =	shalt  }
0x5e: {  	_ =	shalt  }
0x5f: {  	_ =	shalt  }
0x60: {  	_ =	shalt  }
0x61: {  	_ =	shalt  }
0x62: {  	_ =	shalt  }
0x63: {  	_ =	shalt  }
0x64: {  	_ =	shalt  }
0x65: {  	_ =	shalt  }
0x66: {  	_ =	shalt  }
0x67: {  	_ =	shalt  }
0x68: {  	_ =	shalt  }
0x69: {  	_ =	shalt  }
0x6a: {  	_ =	shalt  }
0x6b: {  	_ =	shalt  }
0x6c: {  	_ =	shalt  }
0x6d: {  	_ =	shalt  }
0x6e: {  	_ =	shalt  }
0x6f: {  	_ =	shalt  }
0x70: {  	_ =	shalt  }
0x71: {  	_ =	shalt  }
0x72: {  	_ =	shalt  }
0x73: {  	_ =	shalt  }
0x74: {  	_ =	shalt  }
0x75: {  	_ =	shalt  }
0x76: {  	_ =	shalt  }
0x77: {  	_ =	shalt  }
0x78: {  	_ =	shalt  }
0x79: {  	_ =	shalt  }
0x7a: {  	_ =	shalt  }
0x7b: {  	_ =	shalt  }
0x7c: {  	_ =	shalt  }
0x7d: {  	_ =	shalt  }
0x7e: {  	_ =	shalt  }
0x7f: {  	_ =	shalt  }
0x80: {  	_ =	shalt  }
0x81: {  	_ =	shalt  }
0x82: {  	_ =	shalt  }
0x83: {  	_ =	shalt  }
0x84: {  	_ =	shalt  }
0x85: {  	_ =	shalt  }
0x86: {  	_ =	shalt  }
0x87: {  	_ =	shalt  }
.Lfunc_end0:
.L_simem_size_0:
called_computation.2_lowered:
.L_overlay_start_0:
0x88: {  	s2 =	sld [smem:$0x3FD9]  }
0x89: {  	s3 =	sld [smem:$0x3FFE];
	_ =	sdelay $0x1  }
0x8a: {  	s1 =	srdreg.scid  }
0x8b: {  	s0 =	sand.u32 $0x1, s1  }
0x8c: {  	s17 =	sshll.u32 s0, $0xA;
	s2 =	sadd.s32 s3, s2  }
0x8d: {  	s2 =	sadd.s32 s2, s17  }
0x8e: {  	[smem:$0x3FBD] =	sst s2  }
0x8f: {  	_ = 	snop  }
0x90: {  	(tm) =	ssettm $0x1  }
0x91: {  	s18 =	sld [smem:$0x3FFB];
	_ =	sdelay $0x3  }
0x92: {  	_ =	strace s18  }
0x93: {  	s2 =	sld [smem:$0x3FFC];
	_ =	sdelay $0x3  }
0x94: {  	_ =	strace s2  }
0x95: {  	s2 =	sld [smem:$0x3FFD];
	_ =	sdelay $0x3  }
0x96: {  	_ =	strace s2  }
0x97: {  	_ =	strace $0x8FFFFFFF  }
0x98: {  	s19 =	sld [smem:$0x3FDB];
	_ =	sdelay $0x1  }
0x99: {  	s20 =	simm.s32 $_scs_section_size  }
0x9a: {  	s4 =	simm.s32 $_size__tile_overlayer_lowered;
	s5 =	simm.s32 $_tile_overlayer_lowered  }
0x9b: {  	s6 =	simm.s32 $0x1BFF;
	s21 =	sshll.u32 s5, $0x1;
	s3 =	sadd.s32 s20, s19  }
0x9c: {  	s22 =	simm.s32 $0x0;
	s4 =	sshll.u32 s4, $0x1;
	s5 =	sadd.s32 s21, s3  }
0x9d: {  	[timem:s22], [sflag:s6] =	dma.local [hbm:s5], s4  }
0x9e: {  	_ =	swait.ge [sflag:s6], s4  }
0x9f: {  	s4 =	ssub.s32 $0x0, s4;
	[sflag:s6] =	ssyncset.done $0x0  }
0xa0: {  	[sflag:s6] =	ssyncadd.s32 s4;
	_ =	sdelay $0x1  }
0xa1: {  	s23 =	simm.s32 $0x1B8B  }
0xa2: {  	_ =	swait.ge [sflag:s23], $0x1  }
0xa3: {  	[sflag:s23] =	ssyncset.done $0x0  }
0xa4: {  	[sflag:s23] =	ssyncadd.s32 $0xFFFFFFFF  }
0xa5: {  	s4 =	sld [smem:$0x0]  }
0xa6: {  	s5 =	sand.u32 $0xFFFFFFFE, s1  }
0xa7: {  	p0 =	sne.s32 s1, s5  }
0xa8: {  	s5 =	sshll.u32 @p0 s5, $0xE  }
0xa9: {  	s5 =	sadd.s32 @p0 $0x11B8D, s5;
	s6 =	sshll.u32 @p0 s4, $0x11  }
0xaa: {  	s5 =	sor.u32 @p0 s6, s5  }
0xab: {  	[sflag:s5] =	ssyncadd.remote.s32 @p0 $0x1;
	_ =	sdelay $0x1  }
0xac: {  	s5 =	simm.s32 @p0 $0x1B8D  }
0xad: {  	_ =	swait.eq @p0 [sflag:s5], $0x1  }
0xae: {  	[sflag:s5] =	ssyncadd.s32 @p0 $0xFFFFFFFF  }
0xaf: {  	s6 =	sshll.u32 @!p0 s1, $0xE  }
0xb0: {  	s6 =	sor.u32 @!p0 $0x4000, s6;
	s5 =	simm.s32 @!p0 $0x1B8D  }
0xb1: {  	s4 =	sshll.u32 @!p0 s4, $0x11;
	s6 =	sadd.s32 @!p0 $0x11B8D, s6;
	_ =	swait.eq @!p0 [sflag:s5], $0x1  }
0xb2: {  	s4 =	sor.u32 @!p0 s4, s6;
	[sflag:s5] =	ssyncadd.s32 @!p0 $0xFFFFFFFF  }
0xb3: {  	s25 =	simm.s32 $0x1B8E;
	s24 =	sld [smem:$0x3FFE];
	[sflag:s4] =	ssyncadd.remote.s32 @!p0 $0x1  }
0xb4: {  	s26 =	simm.s32 $execute0_lowered;
	[smem:$0x3FD2] =	sst s25  }
0xb5: {  	s5 =	sshll.u32 s26, $0x1;
	_ =	strace $0x8000004F;
	[dreg:$0x1] =	wrdreg $0xFFFFFFFF  }
0xb6: {  	s28 =	simm.s32 $_size_execute0_lowered;
	s3 =	sadd.s32 s3, s5;
	[dreg:$0x0] =	wrdreg $0x0  }
0xb7: {  	s5 =	sshll.u32 s28, $0x1;
	[dreg:$0x2] =	wrdreg s3  }
0xb8: {  	[dreg:$0x3] =	wrdreg s5  }
0xb9: {  	[dreg:$0x4] =	wrdreg $0xC0  }
0xba: {  	_ =	task [dreg:s22], $0x5FFFF  }
0xbb: {  	[dreg:$0x1] =	wrdreg $0xFFFFFFFF  }
0xbc: {  	[dreg:$0x0] =	wrdreg $0x60  }
0xbd: {  	[dreg:$0x2] =	wrdreg s24  }
0xbe: {  	[dreg:$0x3] =	wrdreg $0x8C000  }
0xbf: {  	[dreg:$0x4] =	wrdreg $0x9  }
0xc0: {  	_ =	task.clear_ibuf [dreg:s22], $0x5FFFF;
	_ =	strace $0x9000004F  }
0xc1: {  	s29 =	simm.s32 $0x9;
	_ =	strace $0x80000051  }
0xc2: {  	_ =	swait.ge [sflag:s29], $0x1  }
0xc3: {  	[sflag:s29] =	ssyncadd.s32 $0xFFFFFFFF  }
0xc4: {  	_ =	strace $0x90000051  }
0xc5: {  	_ =	sfence  }
0xc6: {  	s30 =	sld [smem:$0x0];
	_ =	sdelay $0x2  }
0xc7: {  	s31 =	sshll.u32 s1, $0xD;
	s1 =	sshrl.u32 s1, $0x2  }
0xc8: {  	s4 =	sand.u32 $0x4000, s31;
	s1 =	sadd.s32 s1, s30  }
0xc9: {  	s0 =	sor.u32 s4, s0;
	s1 =	sshll.u32 s1, $0x11  }
0xca: {  	s0 =	sor.u32 s1, s0  }
0xcb: {  	s0 =	sadd.s32 $0x8F2B, s0  }
0xcc: {  	[sflag:s0] =	ssyncadd.remote.s32 $0x1  }
0xcd: {  	_ =	sfence.sel $0xFFFF  }
0xce: {  	[dreg:$0x0] =	wrdreg $0xFFFFFFFF;
	(pc) =	sbr.abs _section_cstart, $3  }
0xcf: {  	[dreg:$0x1] =	wrdreg $0xFFFFFFFF  }
0xd0: {  	_ =	task.clear_ibuf [dreg:s22], $0x2FFFF;
	_ =	strace $0x9FFFFFFF  }
0xd1: {  	(tm) =	ssettm $0x7FFFFFFF  }
tec
execute0_lowered:
.L_overlay_start_1:
0x0: {  	(tag) =	ssettag $0x1  }
0x1: {  	s6 =	rddreg [dreg:$0x0]  }
0x2: {  	s2 =	rddreg [dreg:$0x1]  }
0x3: {  	s0 =	rddreg [dreg:$0x2]  }
0x4: {  	s3 =	simm.s32 $0x0;
	s1 =	stileid.u32;
	s4 =	srdreg.scid  }
0x5: {  	s14 =	simm.s32 $0x5000;
	s15 =	simm.s32 $0x1;
	s16 =	simm.s32 $0x80  }
0x6: {  	s17 =	simm.s32 $0x2;
	s18 =	simm.s32 $0x1300;
	s5 =	smul.u32 $0x12C00, s1  }
0x7: {  	s19 =	simm.s32 $0x1380;
	[smem:$0x7FF] =	sst s3;
	s11 =	smul.u32 $0x495C0, s1  }
0x8: {  	s7 =	sand.u32 $0x1, s4;
	s4 =	sadd.s32 $0x6A00, s6;
	s12 =	smul.u32 $0x280, s1  }
0x9: {  	s29 =	smul.u32 $0x124F8, s1;
	s31 =	sshll.u32 s1, $0x6;
	_ =	strace $0x80000050  }
0xa: {  	s8 =	smul.u32 $0x249F0, s7;
	s9 =	ssub.s32 $0x2, s7;
	p0 =	seq.s32 s7, $0x1  }
0xb: {  	s10 =	sadd.s32 s5, s6;
	s26 =	sshrl.u32 s9, $0x1;
	s28 =	sshrl.u32 s11, $0x2  }
0xc: {  	s11 =	simm.s32 $0x14BA00;
	s21 =	sshrl.u32 s29, $0x3;
	s22 =	sadd.s32 s29, s2  }
0xd: {  	s8 =	sadd.s32 s8, s6;
	s9 =	ssub.s32 s9, s26;
	s5 =	sadd.s32 $0x3C6C00, s10  }
0xe: {  	s13 =	sadd.s32 s28, s2;
	s11 =	simm.s32 @!p0 $0x14E200;
	s7 =	sadd.s32 $0x3D9080, s10  }
0xf: {  	s20 =	sadd.s32 $0x52400, s8;
	s30 =	sadd.s32 s11, s6;
	s6 =	smax.u32 s9, $0x1  }
0x10: {  	s9 =	sadd.s32 $0x3C7B00, s10;
	s10 =	simm.s32 $0x3;
	s11 =	sor.u32 $0x1C03, s31  }
0x11: {  	s8 =	sadd.s32 s30, s12;
	s12 =	sshrl.u32 s13, $0x3;
	s13 =	simm.s32 $0x1400  }
0x12: {  	s20 =	sadd.s32 s21, s20;
	s21 =	sshrl.u32 s22, $0x3;
	s22 =	simm.s32 $0x0  }
.LBB2_1:
0x13: {  	[tilespmem:s3], [sflag:$0x3] =	stream.linear.gather [hbm4b:s8+s3], $0x1400, $0x38;
	[tilespmem:$0x1B170] =	vst v63  }
0x14: {  	_ =	swait.ge [sflag:s10], $0x1400  }
0x15: {  	[sflag:s10] =	ssyncset.done $0x0  }
0x16: {  	[sflag:s10] =	ssyncadd.s32 $0xFFFFEC00  }
0x17: {  	[spmem:s12], [sflag:s11] =	dma.local [hbm:s4], $0x24AE  }
0x18: {  	_ =	swait.ge [sflag:s10], $0x24AE  }
0x19: {  	[sflag:s10] =	ssyncset.done $0x0  }
0x1a: {  	[sflag:s10] =	ssyncadd.s32 $0xFFFFDB52  }
0x1b: {  	[bflag:$0x0] =	sbarrier.arrive $0xFFFF  }
0x1c: {  	[tilespmem:s13], [sflag:$0x1] =	stream.linear.gather [hbm4b:s5+s3], $0x3C00, $0x38;
	[tilespmem:$0x1B170] =	vst v63  }
0x1d: {  	s23 =	sadd.s32 $0xFFFFF880, s9  }
0x1e: {  	[tilespmem:s14], [sflag:$0x2] =	stream.linear.gather [hbm4b:s23+s3], $0x3C00, $0x38;
	[tilespmem:$0x1B170] =	vst v63  }
0x1f: {  	_ =	swait.ge [sflag:s15], $0x3C00  }
0x20: {  	[sflag:s15] =	ssyncset.done $0x0  }
0x21: {  	s30 =	simm.s32 $0x0;
	[sflag:s15] =	ssyncadd.s32 $0xFFFFC400  }
0x22: {  	[spmem:s2] =	stream.indirect.scatter.add.f32 [tilespmem:s13], [sflag:$0x3], $0x78, s30, s16, $0xb8;
	[tilespmem:$0x1B170] =	vst v63  }
0x23: {  	_ =	swait.ge [sflag:s10], $0x3C00  }
0x24: {  	[sflag:s10] =	ssyncset.done $0x0  }
0x25: {  	[sflag:s10] =	ssyncadd.s32 $0xFFFFC400  }
0x26: {  	[tilespmem:s13], [sflag:$0x1] =	stream.linear.gather [hbm4b:s9+s3], $0x3C00, $0x38;
	[tilespmem:$0x1B170] =	vst v63  }
0x27: {  	_ =	swait.ge [sflag:s17], $0x3C00  }
0x28: {  	[sflag:s17] =	ssyncset.done $0x0  }
0x29: {  	s31 =	simm.s32 $0x80;
	[sflag:s17] =	ssyncadd.s32 $0xFFFFC400  }
0x2a: {  	[spmem:s2] =	stream.indirect.scatter.add.f32 [tilespmem:s14], [sflag:$0x3], $0x78, s31, s16, $0xb8;
	[tilespmem:$0x1B170] =	vst v63  }
0x2b: {  	s24 =	simm.s32 $0x400;
	_ =	swait.ge [sflag:s10], $0x3C00  }
0x2c: {  	s25 =	simm.s32 $0x800;
	s23 =	sadd.s32 $0xF00, s9;
	[sflag:s10] =	ssyncset.done $0x0  }
.LBB2_2:
0x2d: {  	p0 =	sne.s32 s25, $0x4800;
	s26 =	sadd.s32 $0xFFFFF880, s23;
	[sflag:s10] =	ssyncadd.s32 $0xFFFFC400  }
0x2e: {  	[tilespmem:s14], [sflag:$0x2] =	stream.linear.gather [hbm4b:s26+s3], $0x3C00, $0x38;
	[tilespmem:$0x1B170] =	vst v63  }
0x2f: {  	s26 =	smov.u32 s25;
	s25 =	sadd.s32 $0x400, s25;
	_ =	swait.ge [sflag:s15], $0x3C00  }
0x30: {  	[sflag:s15] =	ssyncset.done $0x0  }
0x31: {  	s28 =	sshra.s32 s24, $0x2;
	s24 =	smov.u32 s26;
	[sflag:s15] =	ssyncadd.s32 $0xFFFFC400  }
0x32: {  	[spmem:s2] =	stream.indirect.scatter.add.f32 [tilespmem:s13], [sflag:$0x3], $0x78, s28, s16, $0xb8;
	[tilespmem:$0x1B170] =	vst v63  }
0x33: {  	_ =	swait.ge [sflag:s10], $0x3C00  }
0x34: {  	[sflag:s10] =	ssyncset.done $0x0  }
0x35: {  	[sflag:s10] =	ssyncadd.s32 $0xFFFFC400  }
0x36: {  	[tilespmem:s13], [sflag:$0x1] =	stream.linear.gather [hbm4b:s23+s3], $0x3C00, $0x38;
	[tilespmem:$0x1B170] =	vst v63  }
0x37: {  	_ =	swait.ge [sflag:s17], $0x3C00  }
.Ltmp0:
0x38: {  	[sflag:s17] =	ssyncset.done $0x0;
	(pc) =	sbr.rel @p0 .LBB2_2-.Ltmp0, $4  }
0x39: {  	s26 =	sadd.s32 $0x80, s28;
	[sflag:s17] =	ssyncadd.s32 $0xFFFFC400  }
0x3a: {  	[spmem:s2] =	stream.indirect.scatter.add.f32 [tilespmem:s14], [sflag:$0x3], $0x78, s26, s16, $0xb8;
	[tilespmem:$0x1B170] =	vst v63  }
0x3b: {  	_ =	swait.ge [sflag:s10], $0x3C00  }
0x3c: {  	s23 =	sadd.s32 $0xF00, s23;
	[sflag:s10] =	ssyncset.done $0x0  }
0x3d: {  	s25 =	sadd.s32 $0xFFFFF880, s23;
	[sflag:s10] =	ssyncadd.s32 $0xFFFFC400  }
0x3e: {  	[tilespmem:s14], [sflag:$0x2] =	stream.linear.gather [hbm4b:s25+s3], $0x3C00, $0x38;
	[tilespmem:$0x1B170] =	vst v63  }
0x3f: {  	_ =	swait.ge [sflag:s15], $0x3C00  }
0x40: {  	[sflag:s15] =	ssyncset.done $0x0  }
0x41: {  	s24 =	sshra.s32 s24, $0x2;
	[sflag:s15] =	ssyncadd.s32 $0xFFFFC400  }
0x42: {  	[spmem:s2] =	stream.indirect.scatter.add.f32 [tilespmem:s13], [sflag:$0x3], $0x78, s24, s16, $0xb8;
	[tilespmem:$0x1B170] =	vst v63  }
0x43: {  	_ =	swait.ge [sflag:s10], $0x3C00  }
0x44: {  	[sflag:s10] =	ssyncset.done $0x0  }
0x45: {  	[sflag:s10] =	ssyncadd.s32 $0xFFFFC400  }
0x46: {  	[tilespmem:s13], [sflag:$0x1] =	stream.linear.gather [hbm4b:s23+s3], $0x3C00, $0x38;
	[tilespmem:$0x1B170] =	vst v63  }
0x47: {  	_ =	swait.ge [sflag:s17], $0x3C00  }
0x48: {  	[sflag:s17] =	ssyncset.done $0x0  }
0x49: {  	s31 =	sadd.s32 $0x80, s24;
	[sflag:s17] =	ssyncadd.s32 $0xFFFFC400  }
0x4a: {  	[spmem:s2] =	stream.indirect.scatter.add.f32 [tilespmem:s14], [sflag:$0x3], $0x78, s31, s16, $0xb8;
	[tilespmem:$0x1B170] =	vst v63  }
0x4b: {  	_ =	swait.ge [sflag:s10], $0x3C00  }
0x4c: {  	[sflag:s10] =	ssyncset.done $0x0  }
0x4d: {  	[sflag:s10] =	ssyncadd.s32 $0xFFFFC400  }
0x4e: {  	[tilespmem:s14], [sflag:$0x2] =	stream.linear.gather [hbm4b:s7+s3], $0x3C00, $0x38;
	[tilespmem:$0x1B170] =	vst v63  }
0x4f: {  	_ =	swait.ge [sflag:s15], $0x3C00  }
0x50: {  	[sflag:s15] =	ssyncset.done $0x0  }
0x51: {  	[sflag:s15] =	ssyncadd.s32 $0xFFFFC400  }
0x52: {  	[spmem:s2] =	stream.indirect.scatter.add.f32 [tilespmem:s13], [sflag:$0x3], $0x78, s18, s16, $0xb8;
	[tilespmem:$0x1B170] =	vst v63  }
0x53: {  	_ =	swait.ge [sflag:s10], $0x3C00  }
0x54: {  	[sflag:s10] =	ssyncset.done $0x0  }
0x55: {  	[sflag:s10] =	ssyncadd.s32 $0xFFFFC400  }
0x56: {  	_ =	swait.ge [sflag:s17], $0x3C00  }
0x57: {  	[sflag:s17] =	ssyncset.done $0x0  }
0x58: {  	[sflag:s17] =	ssyncadd.s32 $0xFFFFC400  }
0x59: {  	[spmem:s2] =	stream.indirect.scatter.add.f32 [tilespmem:s14], [sflag:$0x3], $0x78, s19, s16, $0xb8;
	[tilespmem:$0x1B170] =	vst v63  }
0x5a: {  	_ =	swait.ge [sflag:s10], $0x3C00  }
0x5b: {  	s22 =	sadd.s32 $0x1, s22;
	[sflag:s10] =	ssyncset.done $0x0  }
0x5c: {  	p0 =	sne.s32 s22, s6;
	[sflag:s10] =	ssyncadd.s32 $0xFFFFC400  }
.Ltmp1:
0x5d: {  	[bflag:$0x0] =	sbarrier.arrive $0xFFFF;
	(pc) =	sbr.rel @p0 .LBB2_1-.Ltmp1, $4  }
0x5e: {  	[hbm:s20], [sflag:s11] =	dma.local [spmem:s21], $0x249F  }
0x5f: {  	_ =	swait.ge [sflag:s10], $0x249F  }
0x60: {  	[sflag:s10] =	ssyncset.done $0x0  }
0x61: {  	[sflag:s10] =	ssyncadd.s32 $0xFFFFDB61  }
0x62: {  	_ =	sfence.sel $0x180000  }
0x63: {  	[bflag:$0x0] =	sbarrier.arrive $0xFFFF  }
0x64: {  	p0 =	sne.s32 s1, $0x0;
	_ =	strace $0x90000050  }
0x65: {  	s0 =	sadd.s32 @!p0 $0x100000, s0;
	[bflag:$0x2] =	sbarrier.arrive $0xFFFF  }
0x66: {  	[sflag:s0] =	ssyncadd.tile.s32 @!p0 $0x1;
	_ =	shalt  }
.Lfunc_end2:
_tile_overlayer_lowered:
.L_overlay_start_2:
0x67: {  	(tag) =	ssettag $0x2  }
0x68: {  	s0 =	rddreg [dreg:$0x0];
	s2 =	stileid.u32  }
0x69: {  	s1 =	rddreg [dreg:$0x1];
	p0 =	sne.s32 s2, $0x0  }
0x6a: {  	s3 =	rddreg [dreg:$0x2];
	[bflag:$0x3] =	sbarrier.arrive $0xFFFF;
	s2 =	simm.s32 @!p0 $0x1C03  }
0x6b: {  	[timem:s3], [sflag:s2] =	dma.local @!p0 [hbm:s0], s1  }
0x6c: {  	s0 =	simm.s32 @!p0 $0x3  }
0x6d: {  	_ =	swait.ge @!p0 [sflag:s0], s1  }
0x6e: {  	s1 =	ssub.s32 @!p0 $0x0, s1;
	[sflag:s0] =	ssyncset.done @!p0 $0x0  }
0x6f: {  	[sflag:s0] =	ssyncadd.s32 @!p0 s1  }
0x70: {  	[bflag:$0x3] =	sbarrier.arrive $0xFFFF  }
0x71: {  	_ =	shalt  }

// kernel: kernel.19.cloned.1.call-start
scs
__scs_entry_jumppad:
0x0: {  	(pc) =	sbr.rel $0x88, $3  }
0x1: {  	(tag) =	ssettag $0x0;
	lr =	simm.s32 $0x1  }
0x2: {  	[smem:$0x3F96] =	sst lr;
	_ =	strace $0xD0000000  }
0x3: {  	_ = 	snop  }
0x4: {  	_ = 	snop  }
0x5: {  	_ = 	snop  }
0x6: {  	_ = 	snop  }
0x7: {  	_ = 	snop  }
__scs_overlays_trampoline_lowered:
0x8: {  	[smem:$0x3FA5] =	sst s0  }
0x9: {  	[smem:$0x3FA6] =	sst s1  }
0xa: {  	[smem:$0x3FA7] =	sst s2  }
0xb: {  	[smem:$0x3FA8] =	sst s3  }
0xc: {  	[smem:$0x3FA9] =	sst s4  }
0xd: {  	[smem:$0x3FAA] =	sst s5  }
0xe: {  	[smem:$0x3FAB] =	sst s6  }
0xf: {  	[smem:$0x3FAC] =	sst s7  }
0x10: {  	[smem:$0x3FAD] =	sst s8  }
0x11: {  	[smem:$0x3FAE] =	sst s9;
	s0 =	simm.s32 @!p0 $0x0  }
0x12: {  	s1 =	sld [smem:$0x3F94];
	s0 =	simm.s32 @p0 $0x1  }
0x13: {  	[smem:$0x3FAF] =	sst s0;
	s0 =	simm.s32 @!p1 $0x0  }
0x14: {  	s2 =	sld [smem:$0x3F93];
	s0 =	simm.s32 @p1 $0x1  }
0x15: {  	[smem:$0x3FB0] =	sst s0;
	s0 =	simm.s32 @!p2 $0x0  }
0x16: {  	s3 =	sld [smem:$0x3FDB];
	s0 =	simm.s32 @p2 $0x1  }
0x17: {  	s4 =	simm.s32 $0x1BF5;
	[smem:$0x3FB2] =	sst s0  }
0x18: {  	s0 =	sld [smem:$0x3F95];
	_ =	swait.ge [sflag:s4], $0x0  }
0x19: {  	s7 =	sld [smem:$0x3F96]  }
0x1a: {  	s8 =	sadd.s32 $0xFFFFE003, lr  }
0x1b: {  	s9 =	sadd.s32 $0xFFFFFEF7, lr;
	s5 =	simm.s32 $0xFFFFFFFF;
	p2 =	slt.u32 s8, $0xFFFFF086  }
0x1c: {  	p1 =	slt.u32 s9, $0xF7A;
	s5 =	simm.s32 @!p2 $0x0  }
0x1d: {  	s5 =	simm.s32 @p1 $0x1;
	p0 =	seq.s32 s7, s2  }
0x1e: {  	s7 =	smul.u32 @!p0 $0xF7A, s2;
	p2 =	seq.s32 @!p0 s5, $0x0  }
0x1f: {  	s9 =	smul.u32 $0xF7A, s1;
	s8 =	simm.s32 @!p0 $0x1BF5;
	p2 =	por !p2, p0  }
0x20: {  	[sflag:s8] =	ssyncset.s32 @!p0 $0xFFFFF086;
	s6 =	sadd.s32 @!p0 s3, s7;
	s7 =	simm.s32 @!p0 $0x108  }
0x21: {  	s3 =	sadd.s32 s3, s9;
	s6 =	sadd.s32 @!p0 $0x88, s6;
	s7 =	simm.s32 @p2 $0x1082  }
0x22: {  	[simem:s7], [sflag:s8] =	dma.local @!p0 [hbm:s6], $0xF7A  }
0x23: {  	s9 =	sor.u32 $0xD0000000, s2;
	s6 =	simm.s32 $0x108;
	_ =	swait.ge @!p0 [sflag:s8], $0x0  }
0x24: {  	s3 =	sadd.s32 $0x88, s3;
	s6 =	simm.s32 @!p1 $0x1082;
	[sflag:s4] =	ssyncset.s32 $0xFFFFF086  }
0x25: {  	[simem:s6], [sflag:s4] =	dma.local [hbm:s3], $0xF7A  }
0x26: {  	[smem:$0x3F96] =	sst s1;
	(tag) =	ssettag s2;
	_ =	strace s9  }
0x27: {  	s1 =	sld [smem:$0x3FA6]  }
0x28: {  	s2 =	sld [smem:$0x3FA7]  }
0x29: {  	s4 =	sld [smem:$0x3FA9]  }
0x2a: {  	p0 =	seq.s32 s5, $0x0;
	s5 =	sld [smem:$0x3FAA]  }
0x2b: {  	s6 =	sld [smem:$0x3FAB]  }
0x2c: {  	s7 =	sld [smem:$0x3FAC]  }
0x2d: {  	s3 =	simm.s32 $0x108;
	s8 =	sld [smem:$0x3FAD]  }
0x2e: {  	s3 =	simm.s32 @!p0 $0x1082;
	s9 =	sld [smem:$0x3FAE]  }
0x2f: {  	lr =	sadd.s32 s0, s3;
	s0 =	sld [smem:$0x3FA5]  }
0x30: {  	s3 =	sld [smem:$0x3FA8]  }
0x31: {  	[smem:$0x3FB1] =	sst s10  }
0x32: {  	s10 =	sld [smem:$0x3FAF];
	_ =	sdelay $0x3  }
0x33: {  	p0 =	seq.s32 s10, $0x1;
	s10 =	sld [smem:$0x3FB1];
	_ =	sdelay $0x3  }
0x34: {  	[smem:$0x3FB1] =	sst s10  }
0x35: {  	s10 =	sld [smem:$0x3FB0];
	_ =	sdelay $0x3  }
0x36: {  	p1 =	seq.s32 s10, $0x1;
	s10 =	sld [smem:$0x3FB1];
	_ =	sdelay $0x3  }
0x37: {  	[smem:$0x3FB1] =	sst s10  }
0x38: {  	s10 =	sld [smem:$0x3FB2]  }
0x39: {  	_ = 	snop;
	(pc) =	sbr.ind lr, $3  }
0x3a: {  	_ = 	snop  }
0x3b: {  	_ = 	snop  }
0x3c: {  	p2 =	seq.s32 s10, $0x1;
	s10 =	sld [smem:$0x3FB1]  }
0x3d: {  	_ =	shalt  }
0x3e: {  	_ =	shalt  }
0x3f: {  	_ =	shalt  }
0x40: {  	_ =	shalt  }
0x41: {  	_ =	shalt  }
0x42: {  	_ =	shalt  }
0x43: {  	_ =	shalt  }
0x44: {  	_ =	shalt  }
0x45: {  	_ =	shalt  }
0x46: {  	_ =	shalt  }
0x47: {  	_ =	shalt  }
0x48: {  	_ =	shalt  }
0x49: {  	_ =	shalt  }
0x4a: {  	_ =	shalt  }
0x4b: {  	_ =	shalt  }
0x4c: {  	_ =	shalt  }
0x4d: {  	_ =	shalt  }
0x4e: {  	_ =	shalt  }
0x4f: {  	_ =	shalt  }
0x50: {  	_ =	shalt  }
0x51: {  	_ =	shalt  }
0x52: {  	_ =	shalt  }
0x53: {  	_ =	shalt  }
0x54: {  	_ =	shalt  }
0x55: {  	_ =	shalt  }
0x56: {  	_ =	shalt  }
0x57: {  	_ =	shalt  }
0x58: {  	_ =	shalt  }
0x59: {  	_ =	shalt  }
0x5a: {  	_ =	shalt  }
0x5b: {  	_ =	shalt  }
0x5c: {  	_ =	shalt  }
0x5d: {  	_ =	shalt  }
0x5e: {  	_ =	shalt  }
0x5f: {  	_ =	shalt  }
0x60: {  	_ =	shalt  }
0x61: {  	_ =	shalt  }
0x62: {  	_ =	shalt  }
0x63: {  	_ =	shalt  }
0x64: {  	_ =	shalt  }
0x65: {  	_ =	shalt  }
0x66: {  	_ =	shalt  }
0x67: {  	_ =	shalt  }
0x68: {  	_ =	shalt  }
0x69: {  	_ =	shalt  }
0x6a: {  	_ =	shalt  }
0x6b: {  	_ =	shalt  }
0x6c: {  	_ =	shalt  }
0x6d: {  	_ =	shalt  }
0x6e: {  	_ =	shalt  }
0x6f: {  	_ =	shalt  }
0x70: {  	_ =	shalt  }
0x71: {  	_ =	shalt  }
0x72: {  	_ =	shalt  }
0x73: {  	_ =	shalt  }
0x74: {  	_ =	shalt  }
0x75: {  	_ =	shalt  }
0x76: {  	_ =	shalt  }
0x77: {  	_ =	shalt  }
0x78: {  	_ =	shalt  }
0x79: {  	_ =	shalt  }
0x7a: {  	_ =	shalt  }
0x7b: {  	_ =	shalt  }
0x7c: {  	_ =	shalt  }
0x7d: {  	_ =	shalt  }
0x7e: {  	_ =	shalt  }
0x7f: {  	_ =	shalt  }
0x80: {  	_ =	shalt  }
0x81: {  	_ =	shalt  }
0x82: {  	_ =	shalt  }
0x83: {  	_ =	shalt  }
0x84: {  	_ =	shalt  }
0x85: {  	_ =	shalt  }
0x86: {  	_ =	shalt  }
0x87: {  	_ =	shalt  }
.Lfunc_end0:
.L_simem_size_0:
called_computation.3_lowered:
.L_overlay_start_0:
0x88: {  	s2 =	sld [smem:$0x3FD9]  }
0x89: {  	s3 =	sld [smem:$0x3FFE];
	_ =	sdelay $0x1  }
0x8a: {  	s1 =	srdreg.scid  }
0x8b: {  	s0 =	sand.u32 $0x1, s1  }
0x8c: {  	s17 =	sshll.u32 s0, $0xA;
	s2 =	sadd.s32 s3, s2  }
0x8d: {  	s2 =	sadd.s32 s2, s17  }
0x8e: {  	[smem:$0x3FBD] =	sst s2  }
0x8f: {  	_ = 	snop  }
0x90: {  	(tm) =	ssettm $0x1  }
0x91: {  	s18 =	sld [smem:$0x3FFB];
	_ =	sdelay $0x3  }
0x92: {  	_ =	strace s18  }
0x93: {  	s2 =	sld [smem:$0x3FFC];
	_ =	sdelay $0x3  }
0x94: {  	_ =	strace s2  }
0x95: {  	s2 =	sld [smem:$0x3FFD];
	_ =	sdelay $0x3  }
0x96: {  	_ =	strace s2  }
0x97: {  	_ =	strace $0x8FFFFFFF  }
0x98: {  	s19 =	sld [smem:$0x3FDB];
	_ =	sdelay $0x1  }
0x99: {  	s20 =	simm.s32 $_scs_section_size  }
0x9a: {  	s4 =	simm.s32 $_size__tile_overlayer_lowered;
	s5 =	simm.s32 $_tile_overlayer_lowered  }
0x9b: {  	s6 =	simm.s32 $0x1BFF;
	s21 =	sshll.u32 s5, $0x1;
	s3 =	sadd.s32 s20, s19  }
0x9c: {  	s22 =	simm.s32 $0x0;
	s4 =	sshll.u32 s4, $0x1;
	s5 =	sadd.s32 s21, s3  }
0x9d: {  	[timem:s22], [sflag:s6] =	dma.local [hbm:s5], s4  }
0x9e: {  	_ =	swait.ge [sflag:s6], s4  }
0x9f: {  	s4 =	ssub.s32 $0x0, s4;
	[sflag:s6] =	ssyncset.done $0x0  }
0xa0: {  	[sflag:s6] =	ssyncadd.s32 s4;
	_ =	sdelay $0x1  }
0xa1: {  	s23 =	simm.s32 $0x1B8B  }
0xa2: {  	_ =	swait.ge [sflag:s23], $0x1  }
0xa3: {  	[sflag:s23] =	ssyncset.done $0x0  }
0xa4: {  	[sflag:s23] =	ssyncadd.s32 $0xFFFFFFFF  }
0xa5: {  	s4 =	sld [smem:$0x0]  }
0xa6: {  	s5 =	sand.u32 $0xFFFFFFFE, s1  }
0xa7: {  	p0 =	sne.s32 s1, s5  }
0xa8: {  	s5 =	sshll.u32 @p0 s5, $0xE  }
0xa9: {  	s5 =	sadd.s32 @p0 $0x11B8D, s5;
	s6 =	sshll.u32 @p0 s4, $0x11  }
0xaa: {  	s5 =	sor.u32 @p0 s6, s5  }
0xab: {  	[sflag:s5] =	ssyncadd.remote.s32 @p0 $0x1;
	_ =	sdelay $0x1  }
0xac: {  	s5 =	simm.s32 @p0 $0x1B8D  }
0xad: {  	_ =	swait.eq @p0 [sflag:s5], $0x1  }
0xae: {  	[sflag:s5] =	ssyncadd.s32 @p0 $0xFFFFFFFF  }
0xaf: {  	s6 =	sshll.u32 @!p0 s1, $0xE  }
0xb0: {  	s6 =	sor.u32 @!p0 $0x4000, s6;
	s5 =	simm.s32 @!p0 $0x1B8D  }
0xb1: {  	s4 =	sshll.u32 @!p0 s4, $0x11;
	s6 =	sadd.s32 @!p0 $0x11B8D, s6;
	_ =	swait.eq @!p0 [sflag:s5], $0x1  }
0xb2: {  	s4 =	sor.u32 @!p0 s4, s6;
	[sflag:s5] =	ssyncadd.s32 @!p0 $0xFFFFFFFF  }
0xb3: {  	s25 =	simm.s32 $0x1B8E;
	s24 =	sld [smem:$0x3FFE];
	[sflag:s4] =	ssyncadd.remote.s32 @!p0 $0x1  }
0xb4: {  	s26 =	simm.s32 $execute0_lowered;
	[smem:$0x3FD2] =	sst s25  }
0xb5: {  	s5 =	sshll.u32 s26, $0x1;
	_ =	strace $0x8000004C;
	[dreg:$0x1] =	wrdreg $0xFFFFFFFF  }
0xb6: {  	s28 =	simm.s32 $_size_execute0_lowered;
	s3 =	sadd.s32 s3, s5;
	[dreg:$0x0] =	wrdreg $0x0  }
0xb7: {  	s5 =	sshll.u32 s28, $0x1;
	[dreg:$0x2] =	wrdreg s3  }
0xb8: {  	[dreg:$0x3] =	wrdreg s5  }
0xb9: {  	[dreg:$0x4] =	wrdreg $0xC0  }
0xba: {  	_ =	task [dreg:s22], $0x5FFFF  }
0xbb: {  	[dreg:$0x1] =	wrdreg $0xFFFFFFFF  }
0xbc: {  	[dreg:$0x0] =	wrdreg $0x60  }
0xbd: {  	[dreg:$0x2] =	wrdreg s24  }
0xbe: {  	[dreg:$0x3] =	wrdreg $0x8C000  }
0xbf: {  	[dreg:$0x4] =	wrdreg $0xA  }
0xc0: {  	_ =	task.clear_ibuf [dreg:s22], $0x5FFFF;
	_ =	strace $0x9000004C  }
0xc1: {  	s29 =	simm.s32 $0xA;
	_ =	strace $0x8000004E  }
0xc2: {  	_ =	swait.ge [sflag:s29], $0x1  }
0xc3: {  	[sflag:s29] =	ssyncadd.s32 $0xFFFFFFFF  }
0xc4: {  	_ =	strace $0x9000004E  }
0xc5: {  	_ =	sfence  }
0xc6: {  	s30 =	sld [smem:$0x0];
	_ =	sdelay $0x2  }
0xc7: {  	s31 =	sshll.u32 s1, $0xD;
	s1 =	sshrl.u32 s1, $0x2  }
0xc8: {  	s4 =	sand.u32 $0x4000, s31;
	s1 =	sadd.s32 s1, s30  }
0xc9: {  	s0 =	sor.u32 s4, s0;
	s1 =	sshll.u32 s1, $0x11  }
0xca: {  	s0 =	sor.u32 s1, s0  }
0xcb: {  	s0 =	sadd.s32 $0x8F2B, s0  }
0xcc: {  	[sflag:s0] =	ssyncadd.remote.s32 $0x1  }
0xcd: {  	_ =	sfence.sel $0xFFFF  }
0xce: {  	[dreg:$0x0] =	wrdreg $0xFFFFFFFF;
	(pc) =	sbr.abs _section_cstart, $3  }
0xcf: {  	[dreg:$0x1] =	wrdreg $0xFFFFFFFF  }
0xd0: {  	_ =	task.clear_ibuf [dreg:s22], $0x2FFFF;
	_ =	strace $0x9FFFFFFF  }
0xd1: {  	(tm) =	ssettm $0x7FFFFFFF  }
tec
execute0_lowered:
.L_overlay_start_1:
0x0: {  	(tag) =	ssettag $0x1  }
0x1: {  	s6 =	rddreg [dreg:$0x0]  }
0x2: {  	s2 =	rddreg [dreg:$0x1]  }
0x3: {  	s0 =	rddreg [dreg:$0x2]  }
0x4: {  	s3 =	simm.s32 $0x0;
	s1 =	stileid.u32;
	s4 =	srdreg.scid  }
0x5: {  	s14 =	simm.s32 $0x5000;
	s15 =	simm.s32 $0x1;
	s16 =	simm.s32 $0x80  }
0x6: {  	s17 =	simm.s32 $0x2;
	s18 =	simm.s32 $0x1300;
	s5 =	smul.u32 $0x12C00, s1  }
0x7: {  	s19 =	simm.s32 $0x1380;
	[smem:$0x7FF] =	sst s3;
	s11 =	smul.u32 $0x495C0, s1  }
0x8: {  	s7 =	sand.u32 $0x1, s4;
	s4 =	sadd.s32 $0x6A00, s6;
	s12 =	smul.u32 $0x280, s1  }
0x9: {  	s29 =	smul.u32 $0x124F8, s1;
	s31 =	sshll.u32 s1, $0x6;
	_ =	strace $0x8000004D  }
0xa: {  	s8 =	smul.u32 $0x249F0, s7;
	s9 =	ssub.s32 $0x2, s7;
	p0 =	seq.s32 s7, $0x1  }
0xb: {  	s10 =	sadd.s32 s5, s6;
	s26 =	sshrl.u32 s9, $0x1;
	s28 =	sshrl.u32 s11, $0x2  }
0xc: {  	s11 =	simm.s32 $0x1A00;
	s21 =	sshrl.u32 s29, $0x3;
	s22 =	sadd.s32 s29, s2  }
0xd: {  	s8 =	sadd.s32 s8, s6;
	s9 =	ssub.s32 s9, s26;
	s5 =	sadd.s32 $0x29AC00, s10  }
0xe: {  	s13 =	sadd.s32 s28, s2;
	s11 =	simm.s32 @!p0 $0x4200;
	s7 =	sadd.s32 $0x2AD080, s10  }
0xf: {  	s20 =	sadd.s32 $0x9000, s8;
	s30 =	sadd.s32 s11, s6;
	s6 =	smax.u32 s9, $0x1  }
0x10: {  	s9 =	sadd.s32 $0x29BB00, s10;
	s10 =	simm.s32 $0x3;
	s11 =	sor.u32 $0x1C03, s31  }
0x11: {  	s8 =	sadd.s32 s30, s12;
	s12 =	sshrl.u32 s13, $0x3;
	s13 =	simm.s32 $0x1400  }
0x12: {  	s20 =	sadd.s32 s21, s20;
	s21 =	sshrl.u32 s22, $0x3;
	s22 =	simm.s32 $0x0  }
.LBB2_1:
0x13: {  	[tilespmem:s3], [sflag:$0x3] =	stream.linear.gather [hbm4b:s8+s3], $0x1400, $0x38;
	[tilespmem:$0x1B170] =	vst v63  }
0x14: {  	_ =	swait.ge [sflag:s10], $0x1400  }
0x15: {  	[sflag:s10] =	ssyncset.done $0x0  }
0x16: {  	[sflag:s10] =	ssyncadd.s32 $0xFFFFEC00  }
0x17: {  	[spmem:s12], [sflag:s11] =	dma.local [hbm:s4], $0x24AE  }
0x18: {  	_ =	swait.ge [sflag:s10], $0x24AE  }
0x19: {  	[sflag:s10] =	ssyncset.done $0x0  }
0x1a: {  	[sflag:s10] =	ssyncadd.s32 $0xFFFFDB52  }
0x1b: {  	[bflag:$0x0] =	sbarrier.arrive $0xFFFF  }
0x1c: {  	[tilespmem:s13], [sflag:$0x1] =	stream.linear.gather [hbm4b:s5+s3], $0x3C00, $0x38;
	[tilespmem:$0x1B170] =	vst v63  }
0x1d: {  	s23 =	sadd.s32 $0xFFFFF880, s9  }
0x1e: {  	[tilespmem:s14], [sflag:$0x2] =	stream.linear.gather [hbm4b:s23+s3], $0x3C00, $0x38;
	[tilespmem:$0x1B170] =	vst v63  }
0x1f: {  	_ =	swait.ge [sflag:s15], $0x3C00  }
0x20: {  	[sflag:s15] =	ssyncset.done $0x0  }
0x21: {  	s30 =	simm.s32 $0x0;
	[sflag:s15] =	ssyncadd.s32 $0xFFFFC400  }
0x22: {  	[spmem:s2] =	stream.indirect.scatter.add.f32 [tilespmem:s13], [sflag:$0x3], $0x78, s30, s16, $0xb8;
	[tilespmem:$0x1B170] =	vst v63  }
0x23: {  	_ =	swait.ge [sflag:s10], $0x3C00  }
0x24: {  	[sflag:s10] =	ssyncset.done $0x0  }
0x25: {  	[sflag:s10] =	ssyncadd.s32 $0xFFFFC400  }
0x26: {  	[tilespmem:s13], [sflag:$0x1] =	stream.linear.gather [hbm4b:s9+s3], $0x3C00, $0x38;
	[tilespmem:$0x1B170] =	vst v63  }
0x27: {  	_ =	swait.ge [sflag:s17], $0x3C00  }
0x28: {  	[sflag:s17] =	ssyncset.done $0x0  }
0x29: {  	s31 =	simm.s32 $0x80;
	[sflag:s17] =	ssyncadd.s32 $0xFFFFC400  }
0x2a: {  	[spmem:s2] =	stream.indirect.scatter.add.f32 [tilespmem:s14], [sflag:$0x3], $0x78, s31, s16, $0xb8;
	[tilespmem:$0x1B170] =	vst v63  }
0x2b: {  	s24 =	simm.s32 $0x400;
	_ =	swait.ge [sflag:s10], $0x3C00  }
0x2c: {  	s25 =	simm.s32 $0x800;
	s23 =	sadd.s32 $0xF00, s9;
	[sflag:s10] =	ssyncset.done $0x0  }
.LBB2_2:
0x2d: {  	p0 =	sne.s32 s25, $0x4800;
	s26 =	sadd.s32 $0xFFFFF880, s23;
	[sflag:s10] =	ssyncadd.s32 $0xFFFFC400  }
0x2e: {  	[tilespmem:s14], [sflag:$0x2] =	stream.linear.gather [hbm4b:s26+s3], $0x3C00, $0x38;
	[tilespmem:$0x1B170] =	vst v63  }
0x2f: {  	s26 =	smov.u32 s25;
	s25 =	sadd.s32 $0x400, s25;
	_ =	swait.ge [sflag:s15], $0x3C00  }
0x30: {  	[sflag:s15] =	ssyncset.done $0x0  }
0x31: {  	s28 =	sshra.s32 s24, $0x2;
	s24 =	smov.u32 s26;
	[sflag:s15] =	ssyncadd.s32 $0xFFFFC400  }
0x32: {  	[spmem:s2] =	stream.indirect.scatter.add.f32 [tilespmem:s13], [sflag:$0x3], $0x78, s28, s16, $0xb8;
	[tilespmem:$0x1B170] =	vst v63  }
0x33: {  	_ =	swait.ge [sflag:s10], $0x3C00  }
0x34: {  	[sflag:s10] =	ssyncset.done $0x0  }
0x35: {  	[sflag:s10] =	ssyncadd.s32 $0xFFFFC400  }
0x36: {  	[tilespmem:s13], [sflag:$0x1] =	stream.linear.gather [hbm4b:s23+s3], $0x3C00, $0x38;
	[tilespmem:$0x1B170] =	vst v63  }
0x37: {  	_ =	swait.ge [sflag:s17], $0x3C00  }
.Ltmp0:
0x38: {  	[sflag:s17] =	ssyncset.done $0x0;
	(pc) =	sbr.rel @p0 .LBB2_2-.Ltmp0, $4  }
0x39: {  	s26 =	sadd.s32 $0x80, s28;
	[sflag:s17] =	ssyncadd.s32 $0xFFFFC400  }
0x3a: {  	[spmem:s2] =	stream.indirect.scatter.add.f32 [tilespmem:s14], [sflag:$0x3], $0x78, s26, s16, $0xb8;
	[tilespmem:$0x1B170] =	vst v63  }
0x3b: {  	_ =	swait.ge [sflag:s10], $0x3C00  }
0x3c: {  	s23 =	sadd.s32 $0xF00, s23;
	[sflag:s10] =	ssyncset.done $0x0  }
0x3d: {  	s25 =	sadd.s32 $0xFFFFF880, s23;
	[sflag:s10] =	ssyncadd.s32 $0xFFFFC400  }
0x3e: {  	[tilespmem:s14], [sflag:$0x2] =	stream.linear.gather [hbm4b:s25+s3], $0x3C00, $0x38;
	[tilespmem:$0x1B170] =	vst v63  }
0x3f: {  	_ =	swait.ge [sflag:s15], $0x3C00  }
0x40: {  	[sflag:s15] =	ssyncset.done $0x0  }
0x41: {  	s24 =	sshra.s32 s24, $0x2;
	[sflag:s15] =	ssyncadd.s32 $0xFFFFC400  }
0x42: {  	[spmem:s2] =	stream.indirect.scatter.add.f32 [tilespmem:s13], [sflag:$0x3], $0x78, s24, s16, $0xb8;
	[tilespmem:$0x1B170] =	vst v63  }
0x43: {  	_ =	swait.ge [sflag:s10], $0x3C00  }
0x44: {  	[sflag:s10] =	ssyncset.done $0x0  }
0x45: {  	[sflag:s10] =	ssyncadd.s32 $0xFFFFC400  }
0x46: {  	[tilespmem:s13], [sflag:$0x1] =	stream.linear.gather [hbm4b:s23+s3], $0x3C00, $0x38;
	[tilespmem:$0x1B170] =	vst v63  }
0x47: {  	_ =	swait.ge [sflag:s17], $0x3C00  }
0x48: {  	[sflag:s17] =	ssyncset.done $0x0  }
0x49: {  	s31 =	sadd.s32 $0x80, s24;
	[sflag:s17] =	ssyncadd.s32 $0xFFFFC400  }
0x4a: {  	[spmem:s2] =	stream.indirect.scatter.add.f32 [tilespmem:s14], [sflag:$0x3], $0x78, s31, s16, $0xb8;
	[tilespmem:$0x1B170] =	vst v63  }
0x4b: {  	_ =	swait.ge [sflag:s10], $0x3C00  }
0x4c: {  	[sflag:s10] =	ssyncset.done $0x0  }
0x4d: {  	[sflag:s10] =	ssyncadd.s32 $0xFFFFC400  }
0x4e: {  	[tilespmem:s14], [sflag:$0x2] =	stream.linear.gather [hbm4b:s7+s3], $0x3C00, $0x38;
	[tilespmem:$0x1B170] =	vst v63  }
0x4f: {  	_ =	swait.ge [sflag:s15], $0x3C00  }
0x50: {  	[sflag:s15] =	ssyncset.done $0x0  }
0x51: {  	[sflag:s15] =	ssyncadd.s32 $0xFFFFC400  }
0x52: {  	[spmem:s2] =	stream.indirect.scatter.add.f32 [tilespmem:s13], [sflag:$0x3], $0x78, s18, s16, $0xb8;
	[tilespmem:$0x1B170] =	vst v63  }
0x53: {  	_ =	swait.ge [sflag:s10], $0x3C00  }
0x54: {  	[sflag:s10] =	ssyncset.done $0x0  }
0x55: {  	[sflag:s10] =	ssyncadd.s32 $0xFFFFC400  }
0x56: {  	_ =	swait.ge [sflag:s17], $0x3C00  }
0x57: {  	[sflag:s17] =	ssyncset.done $0x0  }
0x58: {  	[sflag:s17] =	ssyncadd.s32 $0xFFFFC400  }
0x59: {  	[spmem:s2] =	stream.indirect.scatter.add.f32 [tilespmem:s14], [sflag:$0x3], $0x78, s19, s16, $0xb8;
	[tilespmem:$0x1B170] =	vst v63  }
0x5a: {  	_ =	swait.ge [sflag:s10], $0x3C00  }
0x5b: {  	s22 =	sadd.s32 $0x1, s22;
	[sflag:s10] =	ssyncset.done $0x0  }
0x5c: {  	p0 =	sne.s32 s22, s6;
	[sflag:s10] =	ssyncadd.s32 $0xFFFFC400  }
.Ltmp1:
0x5d: {  	[bflag:$0x0] =	sbarrier.arrive $0xFFFF;
	(pc) =	sbr.rel @p0 .LBB2_1-.Ltmp1, $4  }
0x5e: {  	[hbm:s20], [sflag:s11] =	dma.local [spmem:s21], $0x249F  }
0x5f: {  	_ =	swait.ge [sflag:s10], $0x249F  }
0x60: {  	[sflag:s10] =	ssyncset.done $0x0  }
0x61: {  	[sflag:s10] =	ssyncadd.s32 $0xFFFFDB61  }
0x62: {  	_ =	sfence.sel $0x180000  }
0x63: {  	[bflag:$0x0] =	sbarrier.arrive $0xFFFF  }
0x64: {  	p0 =	sne.s32 s1, $0x0;
	_ =	strace $0x9000004D  }
0x65: {  	s0 =	sadd.s32 @!p0 $0x100000, s0;
	[bflag:$0x2] =	sbarrier.arrive $0xFFFF  }
0x66: {  	[sflag:s0] =	ssyncadd.tile.s32 @!p0 $0x1;
	_ =	shalt  }
.Lfunc_end2:
_tile_overlayer_lowered:
.L_overlay_start_2:
0x67: {  	(tag) =	ssettag $0x2  }
0x68: {  	s0 =	rddreg [dreg:$0x0];
	s2 =	stileid.u32  }
0x69: {  	s1 =	rddreg [dreg:$0x1];
	p0 =	sne.s32 s2, $0x0  }
0x6a: {  	s3 =	rddreg [dreg:$0x2];
	[bflag:$0x3] =	sbarrier.arrive $0xFFFF;
	s2 =	simm.s32 @!p0 $0x1C03  }
0x6b: {  	[timem:s3], [sflag:s2] =	dma.local @!p0 [hbm:s0], s1  }
0x6c: {  	s0 =	simm.s32 @!p0 $0x3  }
0x6d: {  	_ =	swait.ge @!p0 [sflag:s0], s1  }
0x6e: {  	s1 =	ssub.s32 @!p0 $0x0, s1;
	[sflag:s0] =	ssyncset.done @!p0 $0x0  }
0x6f: {  	[sflag:s0] =	ssyncadd.s32 @!p0 s1  }
0x70: {  	[bflag:$0x3] =	sbarrier.arrive $0xFFFF  }
0x71: {  	_ =	shalt  }

</sc_bundles>
